<compile_context>
chip_gen: v7x
topology: tpu7x:2x2x1
jax: 0.10.2.dev20260603
libtpu: 0.0.44.dev20260713+nightly
codegen_flags: <defaults>
</compile_context>

<pallas_src>
import functools

import jax
import jax.numpy as jnp
from jax import lax
from jax.experimental import pallas as pl
from jax.experimental.pallas import tpu as pltpu
from jax.experimental.pallas import tpu_sc as plsc

NB = 2
N = 2048
NN = NB * N
KNN = 16
RB = 256
AB = 128


def _ft_body(x_ref, m_ref, w_ref, b_ref, o_ref):
    xm = x_ref[...] * m_ref[0]
    o_ref[...] = jnp.dot(xm, w_ref[0], preferred_element_type=jnp.float32) + b_ref[0]


def _feature_transform(x, ft_mask, W_ft, b_ft):
    f_in = x.shape[1]
    dout = W_ft.shape[2]
    return pl.pallas_call(
        _ft_body,
        grid=(NB,),
        in_specs=[
            pl.BlockSpec((N, f_in), lambda b: (0, 0)),
            pl.BlockSpec((1, 1, f_in), lambda b: (b, 0, 0)),
            pl.BlockSpec((1, f_in, dout), lambda b: (b, 0, 0)),
            pl.BlockSpec((1, 1, dout), lambda b: (b, 0, 0)),
        ],
        out_specs=pl.BlockSpec((N, dout), lambda b: (b, 0)),
        out_shape=jax.ShapeDtypeStruct((NN, dout), jnp.float32),
    )(x, ft_mask[:, None, :], W_ft, b_ft[:, None, :])


def _proj_topk_body(hT_ref, hr_ref, sqr_ref, sqc_ref, wl_ref, wr_ref,
                    gl_ref, gr_ref, idx_ref):
    b = pl.program_id(0)
    xr = hr_ref[...]
    gl_ref[...] = jnp.dot(xr, wl_ref[...], preferred_element_type=jnp.float32)
    gr_ref[...] = jnp.dot(xr, wr_ref[...], preferred_element_type=jnp.float32)
    hT = hT_ref[...]
    xy = jnp.dot(xr, hT, preferred_element_type=jnp.float32)
    d = (sqr_ref[...] + sqc_ref[0]) - 2.0 * xy
    iota = lax.broadcasted_iota(jnp.int32, (RB, N), 1)
    m = jnp.full((RB, 1), -jnp.inf, jnp.float32)
    am = jnp.full((RB, 1), -1, jnp.int32)
    cols = []
    for _ in range(KNN):
        dm = jnp.where((d > m) | ((d == m) & (iota > am)), d, jnp.inf)
        m = jnp.min(dm, axis=1, keepdims=True)
        am = jnp.min(jnp.where(dm <= m, iota, N), axis=1, keepdims=True)
        cols.append(am)
    idx_ref[...] = jnp.concatenate(cols, axis=1) + b * N


def _proj_topk(h, hT, sq, Wl, Wr):
    d_in = h.shape[1]
    dout = Wl.shape[1]
    nrb = N // RB
    return pl.pallas_call(
        _proj_topk_body,
        grid=(NB, nrb),
        in_specs=[
            pl.BlockSpec((d_in, N), lambda b, r: (0, b)),
            pl.BlockSpec((RB, d_in), lambda b, r: (b * nrb + r, 0)),
            pl.BlockSpec((RB, 1), lambda b, r: (b * nrb + r, 0)),
            pl.BlockSpec((1, 1, N), lambda b, r: (b, 0, 0)),
            pl.BlockSpec((d_in, dout), lambda b, r: (0, 0)),
            pl.BlockSpec((d_in, dout), lambda b, r: (0, 0)),
        ],
        out_specs=[
            pl.BlockSpec((RB, dout), lambda b, r: (b * nrb + r, 0)),
            pl.BlockSpec((RB, dout), lambda b, r: (b * nrb + r, 0)),
            pl.BlockSpec((RB, KNN), lambda b, r: (b * nrb + r, 0)),
        ],
        out_shape=[
            jax.ShapeDtypeStruct((NN, dout), jnp.float32),
            jax.ShapeDtypeStruct((NN, dout), jnp.float32),
            jax.ShapeDtypeStruct((NN, KNN), jnp.int32),
        ],
    )(hT, h, sq.reshape(NN, 1), sq.reshape(NB, 1, N), Wl, Wr)


def _sc_gather(table, idx):
    dout = table.shape[1]
    B = idx.shape[0]
    NW = 32
    b_per_w = B // NW
    R = 128
    n_chunks = b_per_w // R
    mesh = plsc.VectorSubcoreMesh(core_axis_name="c", subcore_axis_name="s")

    @functools.partial(
        pl.kernel,
        out_type=jax.ShapeDtypeStruct((B, dout), jnp.float32),
        mesh=mesh,
        scratch_types=[
            pltpu.VMEM((R,), jnp.int32),
            pltpu.VMEM((R, dout), jnp.float32),
            pltpu.SemaphoreType.DMA,
        ],
    )
    def k(table_hbm, idx_hbm, out_hbm, idx_v, rows_v, sem):
        wid = lax.axis_index("s") * 2 + lax.axis_index("c")
        base = wid * b_per_w

        def body(c, carry):
            off = base + c * R
            pltpu.sync_copy(idx_hbm.at[pl.ds(off, R)], idx_v)
            pltpu.async_copy(table_hbm.at[idx_v], rows_v, sem).wait()
            pltpu.sync_copy(rows_v, out_hbm.at[pl.ds(off, R)])
            return carry

        lax.fori_loop(0, n_chunks, body, 0)

    return k(table, idx)


def _attn_body(gl_ref, nbr_ref, a_ref, o_ref):
    gl = gl_ref[...]
    nbr = nbr_ref[...]
    dout = gl.shape[1]
    z = gl[:, None, :] + nbr
    z = jnp.where(z >= 0.0, z, 0.2 * z)
    z2 = z.reshape(AB * KNN, dout)
    e = jnp.dot(z2.astype(jnp.bfloat16), a_ref[...].astype(jnp.bfloat16),
                preferred_element_type=jnp.float32).reshape(AB, KNN)
    w = jnp.exp(e - jnp.max(e, axis=1, keepdims=True))
    s = w[:, :8] + w[:, 8:]
    s = s[:, :4] + s[:, 4:]
    s = s[:, :2] + s[:, 2:]
    s = s[:, :1] + s[:, 1:]
    w = w / s
    o_ref[...] = jnp.sum(w[:, :, None] * nbr, axis=1)


def _attention(gl, nbr3, a_col):
    dout = gl.shape[1]
    nab = NN // AB
    return pl.pallas_call(
        _attn_body,
        grid=(nab,),
        in_specs=[
            pl.BlockSpec((AB, dout), lambda i: (i, 0)),
            pl.BlockSpec((AB, KNN, dout), lambda i: (i, 0, 0)),
            pl.BlockSpec((dout, 1), lambda i: (0, 0)),
        ],
        out_specs=pl.BlockSpec((AB, dout), lambda i: (i, 0)),
        out_shape=jax.ShapeDtypeStruct((NN, dout), jnp.float32),
    )(gl, nbr3, a_col)


def _gat_layer(h, Wl, Wr, a):
    xb = h.reshape(NB, N, h.shape[1])
    sq = jnp.sum(xb * xb, axis=-1)
    gl, gr, idx = _proj_topk(h, h.T, sq, Wl, Wr)
    nbr = _sc_gather(gr, idx.reshape(-1))
    return _attention(gl, nbr.reshape(NN, KNN, -1), a[:, None])


def _mlp_body(m_ref, w1_ref, b1_ref, w2_ref, b2_ref, wg_ref, bg_ref, gv_ref, gs_ref, o_ref):
    h = jnp.dot(m_ref[...], w1_ref[...], preferred_element_type=jnp.float32) + b1_ref[...]
    h = jnp.maximum(h, 0.0)
    h = jnp.dot(h, w2_ref[...], preferred_element_type=jnp.float32) + b2_ref[...]
    h = jnp.maximum(h, 0.0)
    g = jnp.dot(h, wg_ref[...], preferred_element_type=jnp.float32) + bg_ref[...]
    o_ref[...] = jnp.tanh(gs_ref[0] * g) * gv_ref[...]


def _mlp(merged, W1, b1, W2, b2, Wg, bg, geod_v, geod_scale):
    return pl.pallas_call(
        _mlp_body,
        in_specs=[
            pl.BlockSpec(merged.shape, lambda: (0, 0)),
            pl.BlockSpec(W1.shape, lambda: (0, 0)),
            pl.BlockSpec((1, b1.shape[0]), lambda: (0, 0)),
            pl.BlockSpec(W2.shape, lambda: (0, 0)),
            pl.BlockSpec((1, b2.shape[0]), lambda: (0, 0)),
            pl.BlockSpec(Wg.shape, lambda: (0, 0)),
            pl.BlockSpec((1, bg.shape[0]), lambda: (0, 0)),
            pl.BlockSpec((N, 1), lambda: (0, 0)),
            pl.BlockSpec(memory_space=pltpu.SMEM),
        ],
        out_specs=pl.BlockSpec((N, 3), lambda: (0, 0)),
        out_shape=jax.ShapeDtypeStruct((N, 3), jnp.float32),
    )(merged, W1, b1[None, :], W2, b2[None, :], Wg, bg[None, :],
      geod_v[:, None], geod_scale[None])


def kernel(x, ft_mask, W_ft, b_ft, Wl1, Wr1, a1, Wl2, Wr2, a2, Wl3, Wr3, a3,
           Wl4, Wr4, a4, W1, b1, W2, b2, Wg, bg, geod_v, geod_scale):
    h0 = _feature_transform(x, ft_mask, W_ft, b_ft)
    o1 = _gat_layer(h0, Wl1, Wr1, a1)
    o2 = _gat_layer(jnp.concatenate([h0, o1], axis=1), Wl2, Wr2, a2)
    o3 = _gat_layer(jnp.concatenate([o1, o2], axis=1), Wl3, Wr3, a3)
    o4 = _gat_layer(jnp.concatenate([o2, o3], axis=1), Wl4, Wr4, a4)
    merged = jnp.concatenate([o4[:N], o4[N:]], axis=1)
    return _mlp(merged, W1, b1, W2, b2, Wg, bg, geod_v, geod_scale)

# --- scband reference (transcript-rebuilt; emitter-appended) ---
"""Pipeline reference for scband-multi-displacer-net-5987184411089 (READ-ONLY COPY).

The authoritative reference and input builder live on the scoring server;
editing this copy changes nothing except your own understanding.
"""

import jax, jax.numpy as jnp
import numpy as np
import math

NO_BATCHES = 2
K = 16
N_VERTS = 2048
F_IN = 16
DIMS = [(256, 256), (512, 512), (768, 512), (1024, 256)]


def _knn_gatv2(x, Wl, Wr, a, k, no_batches):
    # x: [B*N, d_in]; dynamic kNN graph per batch branch + GATv2 attention
    total = x.shape[0]
    N = total // no_batches
    xb = x.reshape(no_batches, N, x.shape[1])
    sq = jnp.sum(xb * xb, axis=-1)
    dist = sq[:, :, None] + sq[:, None, :] - 2.0 * jnp.einsum('bnd,bmd->bnm', xb, xb)
    _, idx = jax.lax.top_k(-dist, k)  # [B, N, k] nearest neighbors in feature space
    gl = jnp.einsum('bnd,de->bne', xb, Wl)
    gr = jnp.einsum('bnd,de->bne', xb, Wr)
    nbr = jax.vmap(lambda g, i: g[i])(gr, idx)  # gather: [B, N, k, e]
    z = jax.nn.leaky_relu(gl[:, :, None, :] + nbr, negative_slope=0.2)
    e = jnp.einsum('bnke,e->bnk', z, a)
    alpha = jax.nn.softmax(e, axis=-1)
    out = jnp.sum(alpha[..., None] * nbr, axis=2)
    return out.reshape(total, Wl.shape[1])


def setup_inputs(seed: int = 0):
    key = jax.random.key(seed)
    keys = jax.random.split(key, 32)
    x = jax.random.normal(keys[0], (N_VERTS, F_IN), dtype=jnp.float32)
    mask = np.zeros((NO_BATCHES, F_IN), dtype=np.float32)
    mask[0, :10] = 1.0
    mask[1, 6:] = 1.0
    inp = {'x': x, 'ft_mask': jnp.asarray(mask)}
    inp['W_ft'] = jax.random.normal(keys[1], (NO_BATCHES, F_IN, 256), dtype=jnp.float32) / np.sqrt(F_IN)
    inp['b_ft'] = jnp.zeros((NO_BATCHES, 256), dtype=jnp.float32)
    for i, (din, dout) in enumerate(DIMS):
        inp['Wl' + str(i + 1)] = jax.random.normal(keys[2 + 3 * i], (din, dout), dtype=jnp.float32) / np.sqrt(din)
        inp['Wr' + str(i + 1)] = jax.random.normal(keys[3 + 3 * i], (din, dout), dtype=jnp.float32) / np.sqrt(din)
        inp['a' + str(i + 1)] = jax.random.normal(keys[4 + 3 * i], (dout,), dtype=jnp.float32) / np.sqrt(dout)
    inp['W1'] = jax.random.normal(keys[20], (512, 256), dtype=jnp.float32) / np.sqrt(512)
    inp['b1'] = jnp.zeros((256,), dtype=jnp.float32)
    inp['W2'] = jax.random.normal(keys[21], (256, 64), dtype=jnp.float32) / np.sqrt(256)
    inp['b2'] = jnp.zeros((64,), dtype=jnp.float32)
    inp['Wg'] = jax.random.normal(keys[22], (64, 3), dtype=jnp.float32) / np.sqrt(64)
    inp['bg'] = jnp.zeros((3,), dtype=jnp.float32)
    inp['geod_v'] = jax.random.normal(keys[23], (N_VERTS,), dtype=jnp.float32)
    inp['geod_scale'] = jnp.asarray(math.atanh(0.5) / 0.02, dtype=jnp.float32)
    return inp


def reference(x, ft_mask, W_ft, b_ft, Wl1, Wr1, a1, Wl2, Wr2, a2, Wl3, Wr3, a3, Wl4, Wr4, a4, W1, b1, W2, b2, Wg, bg, geod_v, geod_scale):
    N = x.shape[0]
    # FeatureTransformLayer: per-branch masked linear, then split/cat == stack along node dim
    h0 = jnp.concatenate([(x * ft_mask[0]) @ W_ft[0] + b_ft[0],
                          (x * ft_mask[1]) @ W_ft[1] + b_ft[1]], axis=0)
    o1 = _knn_gatv2(h0, Wl1, Wr1, a1, K, NO_BATCHES)
    o2 = _knn_gatv2(jnp.concatenate([h0, o1], axis=1), Wl2, Wr2, a2, K, NO_BATCHES)
    o3 = _knn_gatv2(jnp.concatenate([o1, o2], axis=1), Wl3, Wr3, a3, K, NO_BATCHES)
    o4 = _knn_gatv2(jnp.concatenate([o2, o3], axis=1), Wl4, Wr4, a4, K, NO_BATCHES)
    merged = jnp.concatenate([o4[:N], o4[N:]], axis=1)  # [N, 512]
    h = jax.nn.relu(merged @ W1 + b1)
    h = jax.nn.relu(h @ W2 + b2)
    # GeodLinear: tanh-saturated displacement scaled by per-vertex geodesic factor
    return jnp.tanh(geod_scale * (h @ Wg + bg)) * geod_v[:, None]

if __name__ == "__main__":
    import jax
    _d = setup_inputs()
    print(jax.jit(kernel)(*tuple(_d.values())))

</pallas_src>

<mosaic_0001>
#map = affine_map<(d0, d1) -> (0, 0)>
#map1 = affine_map<(d0, d1) -> (0)>
module attributes {stable_mosaic.version = 14 : i64} {
  func.func @k(%arg0: i32, %arg1: i32, %arg2: memref<4096x256xf32, #tpu.memory_space<hbm>>, %arg3: memref<65536xi32, #tpu.memory_space<hbm>>, %arg4: memref<65536x256xf32, #tpu.memory_space<hbm>>, %arg5: memref<128xi32, #tpu.memory_space<vmem>>, %arg6: memref<128x256xf32, #tpu.memory_space<vmem>>, %arg7: memref<!tpu.dma_semaphore, #tpu.memory_space<semaphore_mem>>) attributes {dimension_semantics = [#tpu.dimension_semantics<core_parallel>, #tpu.dimension_semantics<subcore_parallel>], iteration_bounds = array<i64: 2, 16>, scalar_prefetch = 0 : i64, scratch_operands = 3 : i64, tpu.core_type = #tpu.core_type<sc_vector_subcore>, window_params = [{transform_indices = #map}, {transform_indices = #map1}, {transform_indices = #map}]} {
    %mul3A = arith.constant 2 : i32
    %mul3A_0 = arith.muli %arg1, %mul3A : i32
    %add3A = arith.addi %mul3A_0, %arg0 : i32
    %mul3A_1 = arith.constant 2048 : i32
    %mul3A_2 = arith.muli %add3A, %mul3A_1 : i32
    %scan3A = arith.constant 0 : i32
    %scan3A_3 = arith.constant 0 : i32
    %scan3A_4 = arith.constant 16 : i32
    %scan3A_5 = arith.addi %scan3A_3, %scan3A_4 : i32
    %scan3A_6 = arith.constant 1 : i32
    scf.for %scan3A_8 = %scan3A_3 to %scan3A_5 step %scan3A_6  : i32 {
      %mul3A_9 = arith.constant 128 : i32
      %mul3A_10 = arith.muli %scan3A_8, %mul3A_9 : i32
      %add3A_11 = arith.addi %mul3A_2, %mul3A_10 : i32
      "tpu.region"() ({
        %run_scoped3A = tpu.sem_alloc : memref<!tpu.dma_semaphore, #tpu.memory_space<semaphore_mem>>
        %dma_start3A_16 = tpu.memref_slice %arg3[%add3A_11] : memref<65536xi32, #tpu.memory_space<hbm>> -> memref<128xi32, #tpu.memory_space<hbm>>
        %dma_start3A_17 = tpu.memref_slice %arg3[%add3A_11] : memref<65536xi32, #tpu.memory_space<hbm>> -> memref<128xi32, #tpu.memory_space<hbm>>
        tpu.enqueue_dma source(%dma_start3A_17 : memref<128xi32, #tpu.memory_space<hbm>>) target(%arg5 : memref<128xi32, #tpu.memory_space<vmem>>) target_semaphore(%run_scoped3A : memref<!tpu.dma_semaphore, #tpu.memory_space<semaphore_mem>>)
        %dma_wait3A_18 = tpu.memref_slice %arg3[%add3A_11] : memref<65536xi32, #tpu.memory_space<hbm>> -> memref<128xi32, #tpu.memory_space<hbm>>
        %dma_wait3A_19 = tpu.memref_slice %arg3[%add3A_11] : memref<65536xi32, #tpu.memory_space<hbm>> -> memref<128xi32, #tpu.memory_space<hbm>>
        tpu.wait_dma2 semaphore(%run_scoped3A : memref<!tpu.dma_semaphore, #tpu.memory_space<semaphore_mem>>) src(%dma_wait3A_19 : memref<128xi32, #tpu.memory_space<hbm>>) dst(%arg5 : memref<128xi32, #tpu.memory_space<vmem>>)
        tpu.yield
      }) : () -> ()
      %dma_start3A = arith.constant 0 : i32
      %dma_start3A_12 = arith.constant 0 : i32
      %dma_start3A_13 = tpu.memref_slice %arg2[%dma_start3A, %dma_start3A_12] : memref<4096x256xf32, #tpu.memory_space<hbm>> -> memref<4096x256xf32, #tpu.memory_space<hbm>>
      tpu.enqueue_indirect_dma source(%dma_start3A_13 : memref<4096x256xf32, #tpu.memory_space<hbm>>) target(%arg6 : memref<128x256xf32, #tpu.memory_space<vmem>>) offsets(%arg5 : memref<128xi32, #tpu.memory_space<vmem>>) semaphore(%arg7 : memref<!tpu.dma_semaphore, #tpu.memory_space<semaphore_mem>>)
      %dma_wait3A = arith.constant 0 : i32
      %dma_wait3A_14 = arith.constant 0 : i32
      %dma_wait3A_15 = tpu.memref_slice %arg2[%dma_wait3A, %dma_wait3A_14] : memref<4096x256xf32, #tpu.memory_space<hbm>> -> memref<4096x256xf32, #tpu.memory_space<hbm>>
      tpu.wait_indirect_dma semaphore(%arg7 : memref<!tpu.dma_semaphore, #tpu.memory_space<semaphore_mem>>) src(%dma_wait3A_15 : memref<4096x256xf32, #tpu.memory_space<hbm>>) dst(%arg6 : memref<128x256xf32, #tpu.memory_space<vmem>>)
      "tpu.region"() ({
        %run_scoped3A = tpu.sem_alloc : memref<!tpu.dma_semaphore, #tpu.memory_space<semaphore_mem>>
        %dma_start3A_16 = arith.constant 0 : i32
        %dma_start3A_17 = tpu.memref_slice %arg4[%add3A_11, %dma_start3A_16] : memref<65536x256xf32, #tpu.memory_space<hbm>> -> memref<128x256xf32, #tpu.memory_space<hbm>>
        %dma_start3A_18 = arith.constant 0 : i32
        %dma_start3A_19 = tpu.memref_slice %arg4[%add3A_11, %dma_start3A_18] : memref<65536x256xf32, #tpu.memory_space<hbm>> -> memref<128x256xf32, #tpu.memory_space<hbm>>
        tpu.enqueue_dma source(%arg6 : memref<128x256xf32, #tpu.memory_space<vmem>>) target(%dma_start3A_19 : memref<128x256xf32, #tpu.memory_space<hbm>>) target_semaphore(%run_scoped3A : memref<!tpu.dma_semaphore, #tpu.memory_space<semaphore_mem>>)
        %dma_wait3A_20 = arith.constant 0 : i32
        %dma_wait3A_21 = tpu.memref_slice %arg4[%add3A_11, %dma_wait3A_20] : memref<65536x256xf32, #tpu.memory_space<hbm>> -> memref<128x256xf32, #tpu.memory_space<hbm>>
        %dma_wait3A_22 = arith.constant 0 : i32
        %dma_wait3A_23 = tpu.memref_slice %arg4[%add3A_11, %dma_wait3A_22] : memref<65536x256xf32, #tpu.memory_space<hbm>> -> memref<128x256xf32, #tpu.memory_space<hbm>>
        tpu.wait_dma2 semaphore(%run_scoped3A : memref<!tpu.dma_semaphore, #tpu.memory_space<semaphore_mem>>) src(%arg6 : memref<128x256xf32, #tpu.memory_space<vmem>>) dst(%dma_wait3A_23 : memref<128x256xf32, #tpu.memory_space<hbm>>)
        tpu.yield
      }) : () -> ()
    }
    %scan3A_7 = arith.constant 16 : i32
    return
  }
}

#map = affine_map<(d0, d1) -> (0, 0)>
#map1 = affine_map<(d0, d1) -> (0)>
module attributes {stable_mosaic.version = 14 : i64} {
  func.func @k(%arg0: i32, %arg1: i32, %arg2: memref<4096x512xf32, #tpu.memory_space<hbm>>, %arg3: memref<65536xi32, #tpu.memory_space<hbm>>, %arg4: memref<65536x512xf32, #tpu.memory_space<hbm>>, %arg5: memref<128xi32, #tpu.memory_space<vmem>>, %arg6: memref<128x512xf32, #tpu.memory_space<vmem>>, %arg7: memref<!tpu.dma_semaphore, #tpu.memory_space<semaphore_mem>>) attributes {dimension_semantics = [#tpu.dimension_semantics<core_parallel>, #tpu.dimension_semantics<subcore_parallel>], iteration_bounds = array<i64: 2, 16>, scalar_prefetch = 0 : i64, scratch_operands = 3 : i64, tpu.core_type = #tpu.core_type<sc_vector_subcore>, window_params = [{transform_indices = #map}, {transform_indices = #map1}, {transform_indices = #map}]} {
    %mul3A = arith.constant 2 : i32
    %mul3A_0 = arith.muli %arg1, %mul3A : i32
    %add3A = arith.addi %mul3A_0, %arg0 : i32
    %mul3A_1 = arith.constant 2048 : i32
    %mul3A_2 = arith.muli %add3A, %mul3A_1 : i32
    %scan3A = arith.constant 0 : i32
    %scan3A_3 = arith.constant 0 : i32
    %scan3A_4 = arith.constant 16 : i32
    %scan3A_5 = arith.addi %scan3A_3, %scan3A_4 : i32
    %scan3A_6 = arith.constant 1 : i32
    scf.for %scan3A_8 = %scan3A_3 to %scan3A_5 step %scan3A_6  : i32 {
      %mul3A_9 = arith.constant 128 : i32
      %mul3A_10 = arith.muli %scan3A_8, %mul3A_9 : i32
      %add3A_11 = arith.addi %mul3A_2, %mul3A_10 : i32
      "tpu.region"() ({
        %run_scoped3A = tpu.sem_alloc : memref<!tpu.dma_semaphore, #tpu.memory_space<semaphore_mem>>
        %dma_start3A_16 = tpu.memref_slice %arg3[%add3A_11] : memref<65536xi32, #tpu.memory_space<hbm>> -> memref<128xi32, #tpu.memory_space<hbm>>
        %dma_start3A_17 = tpu.memref_slice %arg3[%add3A_11] : memref<65536xi32, #tpu.memory_space<hbm>> -> memref<128xi32, #tpu.memory_space<hbm>>
        tpu.enqueue_dma source(%dma_start3A_17 : memref<128xi32, #tpu.memory_space<hbm>>) target(%arg5 : memref<128xi32, #tpu.memory_space<vmem>>) target_semaphore(%run_scoped3A : memref<!tpu.dma_semaphore, #tpu.memory_space<semaphore_mem>>)
        %dma_wait3A_18 = tpu.memref_slice %arg3[%add3A_11] : memref<65536xi32, #tpu.memory_space<hbm>> -> memref<128xi32, #tpu.memory_space<hbm>>
        %dma_wait3A_19 = tpu.memref_slice %arg3[%add3A_11] : memref<65536xi32, #tpu.memory_space<hbm>> -> memref<128xi32, #tpu.memory_space<hbm>>
        tpu.wait_dma2 semaphore(%run_scoped3A : memref<!tpu.dma_semaphore, #tpu.memory_space<semaphore_mem>>) src(%dma_wait3A_19 : memref<128xi32, #tpu.memory_space<hbm>>) dst(%arg5 : memref<128xi32, #tpu.memory_space<vmem>>)
        tpu.yield
      }) : () -> ()
      %dma_start3A = arith.constant 0 : i32
      %dma_start3A_12 = arith.constant 0 : i32
      %dma_start3A_13 = tpu.memref_slice %arg2[%dma_start3A, %dma_start3A_12] : memref<4096x512xf32, #tpu.memory_space<hbm>> -> memref<4096x512xf32, #tpu.memory_space<hbm>>
      tpu.enqueue_indirect_dma source(%dma_start3A_13 : memref<4096x512xf32, #tpu.memory_space<hbm>>) target(%arg6 : memref<128x512xf32, #tpu.memory_space<vmem>>) offsets(%arg5 : memref<128xi32, #tpu.memory_space<vmem>>) semaphore(%arg7 : memref<!tpu.dma_semaphore, #tpu.memory_space<semaphore_mem>>)
      %dma_wait3A = arith.constant 0 : i32
      %dma_wait3A_14 = arith.constant 0 : i32
      %dma_wait3A_15 = tpu.memref_slice %arg2[%dma_wait3A, %dma_wait3A_14] : memref<4096x512xf32, #tpu.memory_space<hbm>> -> memref<4096x512xf32, #tpu.memory_space<hbm>>
      tpu.wait_indirect_dma semaphore(%arg7 : memref<!tpu.dma_semaphore, #tpu.memory_space<semaphore_mem>>) src(%dma_wait3A_15 : memref<4096x512xf32, #tpu.memory_space<hbm>>) dst(%arg6 : memref<128x512xf32, #tpu.memory_space<vmem>>)
      "tpu.region"() ({
        %run_scoped3A = tpu.sem_alloc : memref<!tpu.dma_semaphore, #tpu.memory_space<semaphore_mem>>
        %dma_start3A_16 = arith.constant 0 : i32
        %dma_start3A_17 = tpu.memref_slice %arg4[%add3A_11, %dma_start3A_16] : memref<65536x512xf32, #tpu.memory_space<hbm>> -> memref<128x512xf32, #tpu.memory_space<hbm>>
        %dma_start3A_18 = arith.constant 0 : i32
        %dma_start3A_19 = tpu.memref_slice %arg4[%add3A_11, %dma_start3A_18] : memref<65536x512xf32, #tpu.memory_space<hbm>> -> memref<128x512xf32, #tpu.memory_space<hbm>>
        tpu.enqueue_dma source(%arg6 : memref<128x512xf32, #tpu.memory_space<vmem>>) target(%dma_start3A_19 : memref<128x512xf32, #tpu.memory_space<hbm>>) target_semaphore(%run_scoped3A : memref<!tpu.dma_semaphore, #tpu.memory_space<semaphore_mem>>)
        %dma_wait3A_20 = arith.constant 0 : i32
        %dma_wait3A_21 = tpu.memref_slice %arg4[%add3A_11, %dma_wait3A_20] : memref<65536x512xf32, #tpu.memory_space<hbm>> -> memref<128x512xf32, #tpu.memory_space<hbm>>
        %dma_wait3A_22 = arith.constant 0 : i32
        %dma_wait3A_23 = tpu.memref_slice %arg4[%add3A_11, %dma_wait3A_22] : memref<65536x512xf32, #tpu.memory_space<hbm>> -> memref<128x512xf32, #tpu.memory_space<hbm>>
        tpu.wait_dma2 semaphore(%run_scoped3A : memref<!tpu.dma_semaphore, #tpu.memory_space<semaphore_mem>>) src(%arg6 : memref<128x512xf32, #tpu.memory_space<vmem>>) dst(%dma_wait3A_23 : memref<128x512xf32, #tpu.memory_space<hbm>>)
        tpu.yield
      }) : () -> ()
    }
    %scan3A_7 = arith.constant 16 : i32
    return
  }
}

#map = affine_map<(d0, d1) -> (0, 0)>
#map1 = affine_map<(d0, d1) -> (0)>
module attributes {stable_mosaic.version = 14 : i64} {
  func.func @k(%arg0: i32, %arg1: i32, %arg2: memref<4096x512xf32, #tpu.memory_space<hbm>>, %arg3: memref<65536xi32, #tpu.memory_space<hbm>>, %arg4: memref<65536x512xf32, #tpu.memory_space<hbm>>, %arg5: memref<128xi32, #tpu.memory_space<vmem>>, %arg6: memref<128x512xf32, #tpu.memory_space<vmem>>, %arg7: memref<!tpu.dma_semaphore, #tpu.memory_space<semaphore_mem>>) attributes {dimension_semantics = [#tpu.dimension_semantics<core_parallel>, #tpu.dimension_semantics<subcore_parallel>], iteration_bounds = array<i64: 2, 16>, scalar_prefetch = 0 : i64, scratch_operands = 3 : i64, tpu.core_type = #tpu.core_type<sc_vector_subcore>, window_params = [{transform_indices = #map}, {transform_indices = #map1}, {transform_indices = #map}]} {
    %mul3A = arith.constant 2 : i32
    %mul3A_0 = arith.muli %arg1, %mul3A : i32
    %add3A = arith.addi %mul3A_0, %arg0 : i32
    %mul3A_1 = arith.constant 2048 : i32
    %mul3A_2 = arith.muli %add3A, %mul3A_1 : i32
    %scan3A = arith.constant 0 : i32
    %scan3A_3 = arith.constant 0 : i32
    %scan3A_4 = arith.constant 16 : i32
    %scan3A_5 = arith.addi %scan3A_3, %scan3A_4 : i32
    %scan3A_6 = arith.constant 1 : i32
    scf.for %scan3A_8 = %scan3A_3 to %scan3A_5 step %scan3A_6  : i32 {
      %mul3A_9 = arith.constant 128 : i32
      %mul3A_10 = arith.muli %scan3A_8, %mul3A_9 : i32
      %add3A_11 = arith.addi %mul3A_2, %mul3A_10 : i32
      "tpu.region"() ({
        %run_scoped3A = tpu.sem_alloc : memref<!tpu.dma_semaphore, #tpu.memory_space<semaphore_mem>>
        %dma_start3A_16 = tpu.memref_slice %arg3[%add3A_11] : memref<65536xi32, #tpu.memory_space<hbm>> -> memref<128xi32, #tpu.memory_space<hbm>>
        %dma_start3A_17 = tpu.memref_slice %arg3[%add3A_11] : memref<65536xi32, #tpu.memory_space<hbm>> -> memref<128xi32, #tpu.memory_space<hbm>>
        tpu.enqueue_dma source(%dma_start3A_17 : memref<128xi32, #tpu.memory_space<hbm>>) target(%arg5 : memref<128xi32, #tpu.memory_space<vmem>>) target_semaphore(%run_scoped3A : memref<!tpu.dma_semaphore, #tpu.memory_space<semaphore_mem>>)
        %dma_wait3A_18 = tpu.memref_slice %arg3[%add3A_11] : memref<65536xi32, #tpu.memory_space<hbm>> -> memref<128xi32, #tpu.memory_space<hbm>>
        %dma_wait3A_19 = tpu.memref_slice %arg3[%add3A_11] : memref<65536xi32, #tpu.memory_space<hbm>> -> memref<128xi32, #tpu.memory_space<hbm>>
        tpu.wait_dma2 semaphore(%run_scoped3A : memref<!tpu.dma_semaphore, #tpu.memory_space<semaphore_mem>>) src(%dma_wait3A_19 : memref<128xi32, #tpu.memory_space<hbm>>) dst(%arg5 : memref<128xi32, #tpu.memory_space<vmem>>)
        tpu.yield
      }) : () -> ()
      %dma_start3A = arith.constant 0 : i32
      %dma_start3A_12 = arith.constant 0 : i32
      %dma_start3A_13 = tpu.memref_slice %arg2[%dma_start3A, %dma_start3A_12] : memref<4096x512xf32, #tpu.memory_space<hbm>> -> memref<4096x512xf32, #tpu.memory_space<hbm>>
      tpu.enqueue_indirect_dma source(%dma_start3A_13 : memref<4096x512xf32, #tpu.memory_space<hbm>>) target(%arg6 : memref<128x512xf32, #tpu.memory_space<vmem>>) offsets(%arg5 : memref<128xi32, #tpu.memory_space<vmem>>) semaphore(%arg7 : memref<!tpu.dma_semaphore, #tpu.memory_space<semaphore_mem>>)
      %dma_wait3A = arith.constant 0 : i32
      %dma_wait3A_14 = arith.constant 0 : i32
      %dma_wait3A_15 = tpu.memref_slice %arg2[%dma_wait3A, %dma_wait3A_14] : memref<4096x512xf32, #tpu.memory_space<hbm>> -> memref<4096x512xf32, #tpu.memory_space<hbm>>
      tpu.wait_indirect_dma semaphore(%arg7 : memref<!tpu.dma_semaphore, #tpu.memory_space<semaphore_mem>>) src(%dma_wait3A_15 : memref<4096x512xf32, #tpu.memory_space<hbm>>) dst(%arg6 : memref<128x512xf32, #tpu.memory_space<vmem>>)
      "tpu.region"() ({
        %run_scoped3A = tpu.sem_alloc : memref<!tpu.dma_semaphore, #tpu.memory_space<semaphore_mem>>
        %dma_start3A_16 = arith.constant 0 : i32
        %dma_start3A_17 = tpu.memref_slice %arg4[%add3A_11, %dma_start3A_16] : memref<65536x512xf32, #tpu.memory_space<hbm>> -> memref<128x512xf32, #tpu.memory_space<hbm>>
        %dma_start3A_18 = arith.constant 0 : i32
        %dma_start3A_19 = tpu.memref_slice %arg4[%add3A_11, %dma_start3A_18] : memref<65536x512xf32, #tpu.memory_space<hbm>> -> memref<128x512xf32, #tpu.memory_space<hbm>>
        tpu.enqueue_dma source(%arg6 : memref<128x512xf32, #tpu.memory_space<vmem>>) target(%dma_start3A_19 : memref<128x512xf32, #tpu.memory_space<hbm>>) target_semaphore(%run_scoped3A : memref<!tpu.dma_semaphore, #tpu.memory_space<semaphore_mem>>)
        %dma_wait3A_20 = arith.constant 0 : i32
        %dma_wait3A_21 = tpu.memref_slice %arg4[%add3A_11, %dma_wait3A_20] : memref<65536x512xf32, #tpu.memory_space<hbm>> -> memref<128x512xf32, #tpu.memory_space<hbm>>
        %dma_wait3A_22 = arith.constant 0 : i32
        %dma_wait3A_23 = tpu.memref_slice %arg4[%add3A_11, %dma_wait3A_22] : memref<65536x512xf32, #tpu.memory_space<hbm>> -> memref<128x512xf32, #tpu.memory_space<hbm>>
        tpu.wait_dma2 semaphore(%run_scoped3A : memref<!tpu.dma_semaphore, #tpu.memory_space<semaphore_mem>>) src(%arg6 : memref<128x512xf32, #tpu.memory_space<vmem>>) dst(%dma_wait3A_23 : memref<128x512xf32, #tpu.memory_space<hbm>>)
        tpu.yield
      }) : () -> ()
    }
    %scan3A_7 = arith.constant 16 : i32
    return
  }
}

#map = affine_map<(d0, d1) -> (0, 0)>
#map1 = affine_map<(d0, d1) -> (0)>
module attributes {stable_mosaic.version = 14 : i64} {
  func.func @k(%arg0: i32, %arg1: i32, %arg2: memref<4096x256xf32, #tpu.memory_space<hbm>>, %arg3: memref<65536xi32, #tpu.memory_space<hbm>>, %arg4: memref<65536x256xf32, #tpu.memory_space<hbm>>, %arg5: memref<128xi32, #tpu.memory_space<vmem>>, %arg6: memref<128x256xf32, #tpu.memory_space<vmem>>, %arg7: memref<!tpu.dma_semaphore, #tpu.memory_space<semaphore_mem>>) attributes {dimension_semantics = [#tpu.dimension_semantics<core_parallel>, #tpu.dimension_semantics<subcore_parallel>], iteration_bounds = array<i64: 2, 16>, scalar_prefetch = 0 : i64, scratch_operands = 3 : i64, tpu.core_type = #tpu.core_type<sc_vector_subcore>, window_params = [{transform_indices = #map}, {transform_indices = #map1}, {transform_indices = #map}]} {
    %mul3A = arith.constant 2 : i32
    %mul3A_0 = arith.muli %arg1, %mul3A : i32
    %add3A = arith.addi %mul3A_0, %arg0 : i32
    %mul3A_1 = arith.constant 2048 : i32
    %mul3A_2 = arith.muli %add3A, %mul3A_1 : i32
    %scan3A = arith.constant 0 : i32
    %scan3A_3 = arith.constant 0 : i32
    %scan3A_4 = arith.constant 16 : i32
    %scan3A_5 = arith.addi %scan3A_3, %scan3A_4 : i32
    %scan3A_6 = arith.constant 1 : i32
    scf.for %scan3A_8 = %scan3A_3 to %scan3A_5 step %scan3A_6  : i32 {
      %mul3A_9 = arith.constant 128 : i32
      %mul3A_10 = arith.muli %scan3A_8, %mul3A_9 : i32
      %add3A_11 = arith.addi %mul3A_2, %mul3A_10 : i32
      "tpu.region"() ({
        %run_scoped3A = tpu.sem_alloc : memref<!tpu.dma_semaphore, #tpu.memory_space<semaphore_mem>>
        %dma_start3A_16 = tpu.memref_slice %arg3[%add3A_11] : memref<65536xi32, #tpu.memory_space<hbm>> -> memref<128xi32, #tpu.memory_space<hbm>>
        %dma_start3A_17 = tpu.memref_slice %arg3[%add3A_11] : memref<65536xi32, #tpu.memory_space<hbm>> -> memref<128xi32, #tpu.memory_space<hbm>>
        tpu.enqueue_dma source(%dma_start3A_17 : memref<128xi32, #tpu.memory_space<hbm>>) target(%arg5 : memref<128xi32, #tpu.memory_space<vmem>>) target_semaphore(%run_scoped3A : memref<!tpu.dma_semaphore, #tpu.memory_space<semaphore_mem>>)
        %dma_wait3A_18 = tpu.memref_slice %arg3[%add3A_11] : memref<65536xi32, #tpu.memory_space<hbm>> -> memref<128xi32, #tpu.memory_space<hbm>>
        %dma_wait3A_19 = tpu.memref_slice %arg3[%add3A_11] : memref<65536xi32, #tpu.memory_space<hbm>> -> memref<128xi32, #tpu.memory_space<hbm>>
        tpu.wait_dma2 semaphore(%run_scoped3A : memref<!tpu.dma_semaphore, #tpu.memory_space<semaphore_mem>>) src(%dma_wait3A_19 : memref<128xi32, #tpu.memory_space<hbm>>) dst(%arg5 : memref<128xi32, #tpu.memory_space<vmem>>)
        tpu.yield
      }) : () -> ()
      %dma_start3A = arith.constant 0 : i32
      %dma_start3A_12 = arith.constant 0 : i32
      %dma_start3A_13 = tpu.memref_slice %arg2[%dma_start3A, %dma_start3A_12] : memref<4096x256xf32, #tpu.memory_space<hbm>> -> memref<4096x256xf32, #tpu.memory_space<hbm>>
      tpu.enqueue_indirect_dma source(%dma_start3A_13 : memref<4096x256xf32, #tpu.memory_space<hbm>>) target(%arg6 : memref<128x256xf32, #tpu.memory_space<vmem>>) offsets(%arg5 : memref<128xi32, #tpu.memory_space<vmem>>) semaphore(%arg7 : memref<!tpu.dma_semaphore, #tpu.memory_space<semaphore_mem>>)
      %dma_wait3A = arith.constant 0 : i32
      %dma_wait3A_14 = arith.constant 0 : i32
      %dma_wait3A_15 = tpu.memref_slice %arg2[%dma_wait3A, %dma_wait3A_14] : memref<4096x256xf32, #tpu.memory_space<hbm>> -> memref<4096x256xf32, #tpu.memory_space<hbm>>
      tpu.wait_indirect_dma semaphore(%arg7 : memref<!tpu.dma_semaphore, #tpu.memory_space<semaphore_mem>>) src(%dma_wait3A_15 : memref<4096x256xf32, #tpu.memory_space<hbm>>) dst(%arg6 : memref<128x256xf32, #tpu.memory_space<vmem>>)
      "tpu.region"() ({
        %run_scoped3A = tpu.sem_alloc : memref<!tpu.dma_semaphore, #tpu.memory_space<semaphore_mem>>
        %dma_start3A_16 = arith.constant 0 : i32
        %dma_start3A_17 = tpu.memref_slice %arg4[%add3A_11, %dma_start3A_16] : memref<65536x256xf32, #tpu.memory_space<hbm>> -> memref<128x256xf32, #tpu.memory_space<hbm>>
        %dma_start3A_18 = arith.constant 0 : i32
        %dma_start3A_19 = tpu.memref_slice %arg4[%add3A_11, %dma_start3A_18] : memref<65536x256xf32, #tpu.memory_space<hbm>> -> memref<128x256xf32, #tpu.memory_space<hbm>>
        tpu.enqueue_dma source(%arg6 : memref<128x256xf32, #tpu.memory_space<vmem>>) target(%dma_start3A_19 : memref<128x256xf32, #tpu.memory_space<hbm>>) target_semaphore(%run_scoped3A : memref<!tpu.dma_semaphore, #tpu.memory_space<semaphore_mem>>)
        %dma_wait3A_20 = arith.constant 0 : i32
        %dma_wait3A_21 = tpu.memref_slice %arg4[%add3A_11, %dma_wait3A_20] : memref<65536x256xf32, #tpu.memory_space<hbm>> -> memref<128x256xf32, #tpu.memory_space<hbm>>
        %dma_wait3A_22 = arith.constant 0 : i32
        %dma_wait3A_23 = tpu.memref_slice %arg4[%add3A_11, %dma_wait3A_22] : memref<65536x256xf32, #tpu.memory_space<hbm>> -> memref<128x256xf32, #tpu.memory_space<hbm>>
        tpu.wait_dma2 semaphore(%run_scoped3A : memref<!tpu.dma_semaphore, #tpu.memory_space<semaphore_mem>>) src(%arg6 : memref<128x256xf32, #tpu.memory_space<vmem>>) dst(%dma_wait3A_23 : memref<128x256xf32, #tpu.memory_space<hbm>>)
        tpu.yield
      }) : () -> ()
    }
    %scan3A_7 = arith.constant 16 : i32
    return
  }
}

module attributes {stable_mosaic.version = 14 : i64} {
  func.func @_ft_body(%arg0: i32, %arg1: memref<2048x16xf32, #tpu.memory_space<vmem>>, %arg2: memref<1x1x16xf32, #tpu.memory_space<vmem>>, %arg3: memref<1x16x256xf32, #tpu.memory_space<vmem>>, %arg4: memref<1x1x256xf32, #tpu.memory_space<vmem>>, %arg5: memref<2048x256xf32, #tpu.memory_space<vmem>>) attributes {dimension_semantics = [#tpu.dimension_semantics<arbitrary>], iteration_bounds = array<i64: 2>, scalar_prefetch = 0 : i64, scratch_operands = 0 : i64, tpu.core_type = #tpu.core_type<tc>, window_params = [{pipeline_mode = #tpu.pipeline_mode<synchronous>, transform_indices = @transform_0, window_bounds = array<i64: 2048, 16>}, {transform_indices = @transform_1, window_bounds = array<i64: 1, 1, 16>}, {transform_indices = @transform_2, window_bounds = array<i64: 1, 16, 256>}, {transform_indices = @transform_3, window_bounds = array<i64: 1, 1, 256>}, {transform_indices = @transform_4, window_bounds = array<i64: 2048, 256>}]} {
    %get3A = arith.constant 0 : index
    %get3A_0 = arith.constant 0 : index
    %get3A_1 = vector.load %arg1[%get3A, %get3A_0] : memref<2048x16xf32, #tpu.memory_space<vmem>>, vector<2048x16xf32>
    %get3A_2 = arith.constant 0 : index
    %get3A_3 = arith.constant 0 : index
    %get3A_4 = arith.constant 0 : index
    %get3A_5 = vector.load %arg2[%get3A_2, %get3A_3, %get3A_4] : memref<1x1x16xf32, #tpu.memory_space<vmem>>, vector<1x1x16xf32>
    %get3A_6 = vector.shape_cast %get3A_5 : vector<1x1x16xf32> to vector<1x16xf32>
    %mul3A = vector.broadcast %get3A_6 : vector<1x16xf32> to vector<2048x16xf32>
    %mul3A_7 = arith.mulf %get3A_1, %mul3A : vector<2048x16xf32>
    %get3A_8 = arith.constant 0 : index
    %get3A_9 = arith.constant 0 : index
    %get3A_10 = arith.constant 0 : index
    %get3A_11 = vector.load %arg3[%get3A_8, %get3A_9, %get3A_10] : memref<1x16x256xf32, #tpu.memory_space<vmem>>, vector<1x16x256xf32>
    %get3A_12 = vector.shape_cast %get3A_11 : vector<1x16x256xf32> to vector<16x256xf32>
    %dot_general3A = arith.constant dense<0.000000e+00> : vector<2048x256xf32>
    %dot_general3A_13 = tpu.matmul %mul3A_7, %get3A_12, %dot_general3A {dimension_numbers = #tpu.dot_dimension_numbers<[1], [0], [0], [1], [0, 0, 1, 1], [], []>, transpose_lhs_hint = false} : vector<2048x16xf32>, vector<16x256xf32>, vector<2048x256xf32> -> vector<2048x256xf32>
    %get3A_14 = arith.constant 0 : index
    %get3A_15 = arith.constant 0 : index
    %get3A_16 = arith.constant 0 : index
    %get3A_17 = vector.load %arg4[%get3A_14, %get3A_15, %get3A_16] : memref<1x1x256xf32, #tpu.memory_space<vmem>>, vector<1x1x256xf32>
    %get3A_18 = vector.shape_cast %get3A_17 : vector<1x1x256xf32> to vector<1x256xf32>
    %add3A = vector.broadcast %get3A_18 : vector<1x256xf32> to vector<2048x256xf32>
    %add3A_19 = arith.addf %dot_general3A_13, %add3A : vector<2048x256xf32>
    %swap3A = arith.constant 0 : index
    %swap3A_20 = arith.constant 0 : index
    %swap3A_21 = vector.load %arg5[%swap3A, %swap3A_20] : memref<2048x256xf32, #tpu.memory_space<vmem>>, vector<2048x256xf32>
    tpu.vector_store %arg5[%swap3A, %swap3A_20], %add3A_19 {strides = array<i32>} : memref<2048x256xf32, #tpu.memory_space<vmem>>, vector<2048x256xf32>,
    return
  }
  func.func @transform_0(%arg0: i32) -> (i32, i32) {
    %c0_i32 = arith.constant 0 : i32
    %c0_i32_0 = arith.constant 0 : i32
    %c0_i32_1 = arith.constant 0 : i32
    return %c0_i32, %c0_i32_0 : i32, i32
  }
  func.func @transform_1(%arg0: i32) -> (i32, i32, i32) {
    %c0_i32 = arith.constant 0 : i32
    %c0_i32_0 = arith.constant 0 : i32
    %c0_i32_1 = arith.constant 0 : i32
    return %arg0, %c0_i32, %c0_i32_0 : i32, i32, i32
  }
  func.func @transform_2(%arg0: i32) -> (i32, i32, i32) {
    %c0_i32 = arith.constant 0 : i32
    %c0_i32_0 = arith.constant 0 : i32
    %c0_i32_1 = arith.constant 0 : i32
    return %arg0, %c0_i32, %c0_i32_0 : i32, i32, i32
  }
  func.func @transform_3(%arg0: i32) -> (i32, i32, i32) {
    %c0_i32 = arith.constant 0 : i32
    %c0_i32_0 = arith.constant 0 : i32
    %c0_i32_1 = arith.constant 0 : i32
    return %arg0, %c0_i32, %c0_i32_0 : i32, i32, i32
  }
  func.func @transform_4(%arg0: i32) -> (i32, i32) {
    %c0_i32 = arith.constant 0 : i32
    %c0_i32_0 = arith.constant 0 : i32
    return %arg0, %c0_i32 : i32, i32
  }
}

module attributes {stable_mosaic.version = 14 : i64} {
  func.func @_proj_topk_body(%arg0: i32, %arg1: i32, %arg2: memref<256x2048xf32, #tpu.memory_space<vmem>>, %arg3: memref<256x256xf32, #tpu.memory_space<vmem>>, %arg4: memref<256x1xf32, #tpu.memory_space<vmem>>, %arg5: memref<1x1x2048xf32, #tpu.memory_space<vmem>>, %arg6: memref<256x256xf32, #tpu.memory_space<vmem>>, %arg7: memref<256x256xf32, #tpu.memory_space<vmem>>, %arg8: memref<256x256xf32, #tpu.memory_space<vmem>>, %arg9: memref<256x256xf32, #tpu.memory_space<vmem>>, %arg10: memref<256x16xi32, #tpu.memory_space<vmem>>) attributes {dimension_semantics = [#tpu.dimension_semantics<arbitrary>, #tpu.dimension_semantics<arbitrary>], iteration_bounds = array<i64: 2, 8>, scalar_prefetch = 0 : i64, scratch_operands = 0 : i64, tpu.core_type = #tpu.core_type<tc>, window_params = [{transform_indices = @transform_0, window_bounds = array<i64: 256, 2048>}, {transform_indices = @transform_1, window_bounds = array<i64: 256, 256>}, {transform_indices = @transform_2, window_bounds = array<i64: 256, 1>}, {transform_indices = @transform_3, window_bounds = array<i64: 1, 1, 2048>}, {pipeline_mode = #tpu.pipeline_mode<synchronous>, transform_indices = @transform_4, window_bounds = array<i64: 256, 256>}, {pipeline_mode = #tpu.pipeline_mode<synchronous>, transform_indices = @transform_5, window_bounds = array<i64: 256, 256>}, {transform_indices = @transform_6, window_bounds = array<i64: 256, 256>}, {transform_indices = @transform_7, window_bounds = array<i64: 256, 256>}, {transform_indices = @transform_8, window_bounds = array<i64: 256, 16>}]} {
    %get3A = arith.constant 0 : index
    %get3A_0 = arith.constant 0 : index
    %get3A_1 = vector.load %arg3[%get3A, %get3A_0] : memref<256x256xf32, #tpu.memory_space<vmem>>, vector<256x256xf32>
    %get3A_2 = arith.constant 0 : index
    %get3A_3 = arith.constant 0 : index
    %get3A_4 = vector.load %arg6[%get3A_2, %get3A_3] : memref<256x256xf32, #tpu.memory_space<vmem>>, vector<256x256xf32>
    %dot_general3A = arith.constant dense<0.000000e+00> : vector<256x256xf32>
    %dot_general3A_5 = tpu.matmul %get3A_1, %get3A_4, %dot_general3A {dimension_numbers = #tpu.dot_dimension_numbers<[1], [0], [0], [1], [0, 0, 1, 1], [], []>, transpose_lhs_hint = false} : vector<256x256xf32>, vector<256x256xf32>, vector<256x256xf32> -> vector<256x256xf32>
    %swap3A = arith.constant 0 : index
    %swap3A_6 = arith.constant 0 : index
    %swap3A_7 = vector.load %arg8[%swap3A, %swap3A_6] : memref<256x256xf32, #tpu.memory_space<vmem>>, vector<256x256xf32>
    tpu.vector_store %arg8[%swap3A, %swap3A_6], %dot_general3A_5 {strides = array<i32>} : memref<256x256xf32, #tpu.memory_space<vmem>>, vector<256x256xf32>,
    %get3A_8 = arith.constant 0 : index
    %get3A_9 = arith.constant 0 : index
    %get3A_10 = vector.load %arg7[%get3A_8, %get3A_9] : memref<256x256xf32, #tpu.memory_space<vmem>>, vector<256x256xf32>
    %dot_general3A_11 = arith.constant dense<0.000000e+00> : vector<256x256xf32>
    %dot_general3A_12 = tpu.matmul %get3A_1, %get3A_10, %dot_general3A_11 {dimension_numbers = #tpu.dot_dimension_numbers<[1], [0], [0], [1], [0, 0, 1, 1], [], []>, transpose_lhs_hint = false} : vector<256x256xf32>, vector<256x256xf32>, vector<256x256xf32> -> vector<256x256xf32>
    %swap3A_13 = arith.constant 0 : index
    %swap3A_14 = arith.constant 0 : index
    %swap3A_15 = vector.load %arg9[%swap3A_13, %swap3A_14] : memref<256x256xf32, #tpu.memory_space<vmem>>, vector<256x256xf32>
    tpu.vector_store %arg9[%swap3A_13, %swap3A_14], %dot_general3A_12 {strides = array<i32>} : memref<256x256xf32, #tpu.memory_space<vmem>>, vector<256x256xf32>,
    %get3A_16 = arith.constant 0 : index
    %get3A_17 = arith.constant 0 : index
    %get3A_18 = vector.load %arg2[%get3A_16, %get3A_17] : memref<256x2048xf32, #tpu.memory_space<vmem>>, vector<256x2048xf32>
    %dot_general3A_19 = arith.constant dense<0.000000e+00> : vector<256x2048xf32>
    %dot_general3A_20 = tpu.matmul %get3A_1, %get3A_18, %dot_general3A_19 {dimension_numbers = #tpu.dot_dimension_numbers<[1], [0], [0], [1], [0, 0, 1, 1], [], []>, transpose_lhs_hint = false} : vector<256x256xf32>, vector<256x2048xf32>, vector<256x2048xf32> -> vector<256x2048xf32>
    %get3A_21 = arith.constant 0 : index
    %get3A_22 = arith.constant 0 : index
    %get3A_23 = vector.load %arg4[%get3A_21, %get3A_22] : memref<256x1xf32, #tpu.memory_space<vmem>>, vector<256x1xf32>
    %get3A_24 = arith.constant 0 : index
    %get3A_25 = arith.constant 0 : index
    %get3A_26 = arith.constant 0 : index
    %get3A_27 = vector.load %arg5[%get3A_24, %get3A_25, %get3A_26] : memref<1x1x2048xf32, #tpu.memory_space<vmem>>, vector<1x1x2048xf32>
    %get3A_28 = vector.shape_cast %get3A_27 : vector<1x1x2048xf32> to vector<1x2048xf32>
    %add3A = vector.broadcast %get3A_23 : vector<256x1xf32> to vector<256x2048xf32>
    %add3A_29 = vector.broadcast %get3A_28 : vector<1x2048xf32> to vector<256x2048xf32>
    %add3A_30 = arith.addf %add3A, %add3A_29 : vector<256x2048xf32>
    %mul3A = arith.constant 2.000000e+00 : f32
    %mul3A_31 = vector.broadcast %mul3A : f32 to vector<256x2048xf32>
    %mul3A_32 = arith.mulf %mul3A_31, %dot_general3A_20 : vector<256x2048xf32>
    %sub3A = arith.subf %add3A_30, %mul3A_32 : vector<256x2048xf32>
    %iota3A = tpu.iota {dimensions = array<i32: 1>} : vector<256x2048xi32>
    %broadcast_in_dim3A = arith.constant 0xFF800000 : f32
    %broadcast_in_dim3A_33 = vector.broadcast %broadcast_in_dim3A : f32 to vector<256x1xf32>
    %broadcast_in_dim3A_34 = arith.constant -1 : i32
    %broadcast_in_dim3A_35 = vector.broadcast %broadcast_in_dim3A_34 : i32 to vector<256x1xi32>
    %gt3A = vector.broadcast %broadcast_in_dim3A_33 : vector<256x1xf32> to vector<256x2048xf32>
    %gt3A_36 = arith.cmpf ogt, %sub3A, %gt3A : vector<256x2048xf32>
    %eq3A = vector.broadcast %broadcast_in_dim3A_33 : vector<256x1xf32> to vector<256x2048xf32>
    %eq3A_37 = arith.cmpf oeq, %sub3A, %eq3A : vector<256x2048xf32>
    %gt3A_38 = vector.broadcast %broadcast_in_dim3A_35 : vector<256x1xi32> to vector<256x2048xi32>
    %gt3A_39 = arith.cmpi sgt, %iota3A, %gt3A_38 : vector<256x2048xi32>
    %and3A = arith.andi %eq3A_37, %gt3A_39 : vector<256x2048xi1>
    %or3A = arith.ori %gt3A_36, %and3A : vector<256x2048xi1>
    %jit3A = arith.constant 0x7F800000 : f32
    %broadcast_in_dim3A_40 = vector.broadcast %jit3A : f32 to vector<256x2048xf32>
    %select_n3A = arith.select %or3A, %sub3A, %broadcast_in_dim3A_40 : vector<256x2048xi1>, vector<256x2048xf32>
    %reduce_min3A = arith.constant dense<0x7F800000> : vector<256xf32>
    %reduce_min3A_41 = vector.multi_reduction <minimumf>, %select_n3A, %reduce_min3A [1] : vector<256x2048xf32> to vector<256xf32>
    %broadcast_in_dim3A_42 = vector.shape_cast %reduce_min3A_41 : vector<256xf32> to vector<256x1xf32>
    %le3A = vector.broadcast %broadcast_in_dim3A_42 : vector<256x1xf32> to vector<256x2048xf32>
    %le3A_43 = arith.cmpf ole, %select_n3A, %le3A : vector<256x2048xf32>
    %jit3A_44 = arith.constant 2048 : i32
    %broadcast_in_dim3A_45 = vector.broadcast %jit3A_44 : i32 to vector<256x2048xi32>
    %select_n3A_46 = arith.select %le3A_43, %iota3A, %broadcast_in_dim3A_45 : vector<256x2048xi1>, vector<256x2048xi32>
    %reduce_min3A_47 = arith.constant dense<2147483647> : vector<256xi32>
    %reduce_min3A_48 = vector.multi_reduction <minsi>, %select_n3A_46, %reduce_min3A_47 [1] : vector<256x2048xi32> to vector<256xi32>
    %broadcast_in_dim3A_49 = vector.shape_cast %reduce_min3A_48 : vector<256xi32> to vector<256x1xi32>
    %gt3A_50 = vector.broadcast %broadcast_in_dim3A_42 : vector<256x1xf32> to vector<256x2048xf32>
    %gt3A_51 = arith.cmpf ogt, %sub3A, %gt3A_50 : vector<256x2048xf32>
    %eq3A_52 = vector.broadcast %broadcast_in_dim3A_42 : vector<256x1xf32> to vector<256x2048xf32>
    %eq3A_53 = arith.cmpf oeq, %sub3A, %eq3A_52 : vector<256x2048xf32>
    %gt3A_54 = vector.broadcast %broadcast_in_dim3A_49 : vector<256x1xi32> to vector<256x2048xi32>
    %gt3A_55 = arith.cmpi sgt, %iota3A, %gt3A_54 : vector<256x2048xi32>
    %and3A_56 = arith.andi %eq3A_53, %gt3A_55 : vector<256x2048xi1>
    %or3A_57 = arith.ori %gt3A_51, %and3A_56 : vector<256x2048xi1>
    %jit3A_58 = arith.constant 0x7F800000 : f32
    %broadcast_in_dim3A_59 = vector.broadcast %jit3A_58 : f32 to vector<256x2048xf32>
    %select_n3A_60 = arith.select %or3A_57, %sub3A, %broadcast_in_dim3A_59 : vector<256x2048xi1>, vector<256x2048xf32>
    %reduce_min3A_61 = arith.constant dense<0x7F800000> : vector<256xf32>
    %reduce_min3A_62 = vector.multi_reduction <minimumf>, %select_n3A_60, %reduce_min3A_61 [1] : vector<256x2048xf32> to vector<256xf32>
    %broadcast_in_dim3A_63 = vector.shape_cast %reduce_min3A_62 : vector<256xf32> to vector<256x1xf32>
    %le3A_64 = vector.broadcast %broadcast_in_dim3A_63 : vector<256x1xf32> to vector<256x2048xf32>
    %le3A_65 = arith.cmpf ole, %select_n3A_60, %le3A_64 : vector<256x2048xf32>
    %jit3A_66 = arith.constant 2048 : i32
    %broadcast_in_dim3A_67 = vector.broadcast %jit3A_66 : i32 to vector<256x2048xi32>
    %select_n3A_68 = arith.select %le3A_65, %iota3A, %broadcast_in_dim3A_67 : vector<256x2048xi1>, vector<256x2048xi32>
    %reduce_min3A_69 = arith.constant dense<2147483647> : vector<256xi32>
    %reduce_min3A_70 = vector.multi_reduction <minsi>, %select_n3A_68, %reduce_min3A_69 [1] : vector<256x2048xi32> to vector<256xi32>
    %broadcast_in_dim3A_71 = vector.shape_cast %reduce_min3A_70 : vector<256xi32> to vector<256x1xi32>
    %gt3A_72 = vector.broadcast %broadcast_in_dim3A_63 : vector<256x1xf32> to vector<256x2048xf32>
    %gt3A_73 = arith.cmpf ogt, %sub3A, %gt3A_72 : vector<256x2048xf32>
    %eq3A_74 = vector.broadcast %broadcast_in_dim3A_63 : vector<256x1xf32> to vector<256x2048xf32>
    %eq3A_75 = arith.cmpf oeq, %sub3A, %eq3A_74 : vector<256x2048xf32>
    %gt3A_76 = vector.broadcast %broadcast_in_dim3A_71 : vector<256x1xi32> to vector<256x2048xi32>
    %gt3A_77 = arith.cmpi sgt, %iota3A, %gt3A_76 : vector<256x2048xi32>
    %and3A_78 = arith.andi %eq3A_75, %gt3A_77 : vector<256x2048xi1>
    %or3A_79 = arith.ori %gt3A_73, %and3A_78 : vector<256x2048xi1>
    %jit3A_80 = arith.constant 0x7F800000 : f32
    %broadcast_in_dim3A_81 = vector.broadcast %jit3A_80 : f32 to vector<256x2048xf32>
    %select_n3A_82 = arith.select %or3A_79, %sub3A, %broadcast_in_dim3A_81 : vector<256x2048xi1>, vector<256x2048xf32>
    %reduce_min3A_83 = arith.constant dense<0x7F800000> : vector<256xf32>
    %reduce_min3A_84 = vector.multi_reduction <minimumf>, %select_n3A_82, %reduce_min3A_83 [1] : vector<256x2048xf32> to vector<256xf32>
    %broadcast_in_dim3A_85 = vector.shape_cast %reduce_min3A_84 : vector<256xf32> to vector<256x1xf32>
    %le3A_86 = vector.broadcast %broadcast_in_dim3A_85 : vector<256x1xf32> to vector<256x2048xf32>
    %le3A_87 = arith.cmpf ole, %select_n3A_82, %le3A_86 : vector<256x2048xf32>
    %jit3A_88 = arith.constant 2048 : i32
    %broadcast_in_dim3A_89 = vector.broadcast %jit3A_88 : i32 to vector<256x2048xi32>
    %select_n3A_90 = arith.select %le3A_87, %iota3A, %broadcast_in_dim3A_89 : vector<256x2048xi1>, vector<256x2048xi32>
    %reduce_min3A_91 = arith.constant dense<2147483647> : vector<256xi32>
    %reduce_min3A_92 = vector.multi_reduction <minsi>, %select_n3A_90, %reduce_min3A_91 [1] : vector<256x2048xi32> to vector<256xi32>
    %broadcast_in_dim3A_93 = vector.shape_cast %reduce_min3A_92 : vector<256xi32> to vector<256x1xi32>
    %gt3A_94 = vector.broadcast %broadcast_in_dim3A_85 : vector<256x1xf32> to vector<256x2048xf32>
    %gt3A_95 = arith.cmpf ogt, %sub3A, %gt3A_94 : vector<256x2048xf32>
    %eq3A_96 = vector.broadcast %broadcast_in_dim3A_85 : vector<256x1xf32> to vector<256x2048xf32>
    %eq3A_97 = arith.cmpf oeq, %sub3A, %eq3A_96 : vector<256x2048xf32>
    %gt3A_98 = vector.broadcast %broadcast_in_dim3A_93 : vector<256x1xi32> to vector<256x2048xi32>
    %gt3A_99 = arith.cmpi sgt, %iota3A, %gt3A_98 : vector<256x2048xi32>
    %and3A_100 = arith.andi %eq3A_97, %gt3A_99 : vector<256x2048xi1>
    %or3A_101 = arith.ori %gt3A_95, %and3A_100 : vector<256x2048xi1>
    %jit3A_102 = arith.constant 0x7F800000 : f32
    %broadcast_in_dim3A_103 = vector.broadcast %jit3A_102 : f32 to vector<256x2048xf32>
    %select_n3A_104 = arith.select %or3A_101, %sub3A, %broadcast_in_dim3A_103 : vector<256x2048xi1>, vector<256x2048xf32>
    %reduce_min3A_105 = arith.constant dense<0x7F800000> : vector<256xf32>
    %reduce_min3A_106 = vector.multi_reduction <minimumf>, %select_n3A_104, %reduce_min3A_105 [1] : vector<256x2048xf32> to vector<256xf32>
    %broadcast_in_dim3A_107 = vector.shape_cast %reduce_min3A_106 : vector<256xf32> to vector<256x1xf32>
    %le3A_108 = vector.broadcast %broadcast_in_dim3A_107 : vector<256x1xf32> to vector<256x2048xf32>
    %le3A_109 = arith.cmpf ole, %select_n3A_104, %le3A_108 : vector<256x2048xf32>
    %jit3A_110 = arith.constant 2048 : i32
    %broadcast_in_dim3A_111 = vector.broadcast %jit3A_110 : i32 to vector<256x2048xi32>
    %select_n3A_112 = arith.select %le3A_109, %iota3A, %broadcast_in_dim3A_111 : vector<256x2048xi1>, vector<256x2048xi32>
    %reduce_min3A_113 = arith.constant dense<2147483647> : vector<256xi32>
    %reduce_min3A_114 = vector.multi_reduction <minsi>, %select_n3A_112, %reduce_min3A_113 [1] : vector<256x2048xi32> to vector<256xi32>
    %broadcast_in_dim3A_115 = vector.shape_cast %reduce_min3A_114 : vector<256xi32> to vector<256x1xi32>
    %gt3A_116 = vector.broadcast %broadcast_in_dim3A_107 : vector<256x1xf32> to vector<256x2048xf32>
    %gt3A_117 = arith.cmpf ogt, %sub3A, %gt3A_116 : vector<256x2048xf32>
    %eq3A_118 = vector.broadcast %broadcast_in_dim3A_107 : vector<256x1xf32> to vector<256x2048xf32>
    %eq3A_119 = arith.cmpf oeq, %sub3A, %eq3A_118 : vector<256x2048xf32>
    %gt3A_120 = vector.broadcast %broadcast_in_dim3A_115 : vector<256x1xi32> to vector<256x2048xi32>
    %gt3A_121 = arith.cmpi sgt, %iota3A, %gt3A_120 : vector<256x2048xi32>
    %and3A_122 = arith.andi %eq3A_119, %gt3A_121 : vector<256x2048xi1>
    %or3A_123 = arith.ori %gt3A_117, %and3A_122 : vector<256x2048xi1>
    %jit3A_124 = arith.constant 0x7F800000 : f32
    %broadcast_in_dim3A_125 = vector.broadcast %jit3A_124 : f32 to vector<256x2048xf32>
    %select_n3A_126 = arith.select %or3A_123, %sub3A, %broadcast_in_dim3A_125 : vector<256x2048xi1>, vector<256x2048xf32>
    %reduce_min3A_127 = arith.constant dense<0x7F800000> : vector<256xf32>
    %reduce_min3A_128 = vector.multi_reduction <minimumf>, %select_n3A_126, %reduce_min3A_127 [1] : vector<256x2048xf32> to vector<256xf32>
    %broadcast_in_dim3A_129 = vector.shape_cast %reduce_min3A_128 : vector<256xf32> to vector<256x1xf32>
    %le3A_130 = vector.broadcast %broadcast_in_dim3A_129 : vector<256x1xf32> to vector<256x2048xf32>
    %le3A_131 = arith.cmpf ole, %select_n3A_126, %le3A_130 : vector<256x2048xf32>
    %jit3A_132 = arith.constant 2048 : i32
    %broadcast_in_dim3A_133 = vector.broadcast %jit3A_132 : i32 to vector<256x2048xi32>
    %select_n3A_134 = arith.select %le3A_131, %iota3A, %broadcast_in_dim3A_133 : vector<256x2048xi1>, vector<256x2048xi32>
    %reduce_min3A_135 = arith.constant dense<2147483647> : vector<256xi32>
    %reduce_min3A_136 = vector.multi_reduction <minsi>, %select_n3A_134, %reduce_min3A_135 [1] : vector<256x2048xi32> to vector<256xi32>
    %broadcast_in_dim3A_137 = vector.shape_cast %reduce_min3A_136 : vector<256xi32> to vector<256x1xi32>
    %gt3A_138 = vector.broadcast %broadcast_in_dim3A_129 : vector<256x1xf32> to vector<256x2048xf32>
    %gt3A_139 = arith.cmpf ogt, %sub3A, %gt3A_138 : vector<256x2048xf32>
    %eq3A_140 = vector.broadcast %broadcast_in_dim3A_129 : vector<256x1xf32> to vector<256x2048xf32>
    %eq3A_141 = arith.cmpf oeq, %sub3A, %eq3A_140 : vector<256x2048xf32>
    %gt3A_142 = vector.broadcast %broadcast_in_dim3A_137 : vector<256x1xi32> to vector<256x2048xi32>
    %gt3A_143 = arith.cmpi sgt, %iota3A, %gt3A_142 : vector<256x2048xi32>
    %and3A_144 = arith.andi %eq3A_141, %gt3A_143 : vector<256x2048xi1>
    %or3A_145 = arith.ori %gt3A_139, %and3A_144 : vector<256x2048xi1>
    %jit3A_146 = arith.constant 0x7F800000 : f32
    %broadcast_in_dim3A_147 = vector.broadcast %jit3A_146 : f32 to vector<256x2048xf32>
    %select_n3A_148 = arith.select %or3A_145, %sub3A, %broadcast_in_dim3A_147 : vector<256x2048xi1>, vector<256x2048xf32>
    %reduce_min3A_149 = arith.constant dense<0x7F800000> : vector<256xf32>
    %reduce_min3A_150 = vector.multi_reduction <minimumf>, %select_n3A_148, %reduce_min3A_149 [1] : vector<256x2048xf32> to vector<256xf32>
    %broadcast_in_dim3A_151 = vector.shape_cast %reduce_min3A_150 : vector<256xf32> to vector<256x1xf32>
    %le3A_152 = vector.broadcast %broadcast_in_dim3A_151 : vector<256x1xf32> to vector<256x2048xf32>
    %le3A_153 = arith.cmpf ole, %select_n3A_148, %le3A_152 : vector<256x2048xf32>
    %jit3A_154 = arith.constant 2048 : i32
    %broadcast_in_dim3A_155 = vector.broadcast %jit3A_154 : i32 to vector<256x2048xi32>
    %select_n3A_156 = arith.select %le3A_153, %iota3A, %broadcast_in_dim3A_155 : vector<256x2048xi1>, vector<256x2048xi32>
    %reduce_min3A_157 = arith.constant dense<2147483647> : vector<256xi32>
    %reduce_min3A_158 = vector.multi_reduction <minsi>, %select_n3A_156, %reduce_min3A_157 [1] : vector<256x2048xi32> to vector<256xi32>
    %broadcast_in_dim3A_159 = vector.shape_cast %reduce_min3A_158 : vector<256xi32> to vector<256x1xi32>
    %gt3A_160 = vector.broadcast %broadcast_in_dim3A_151 : vector<256x1xf32> to vector<256x2048xf32>
    %gt3A_161 = arith.cmpf ogt, %sub3A, %gt3A_160 : vector<256x2048xf32>
    %eq3A_162 = vector.broadcast %broadcast_in_dim3A_151 : vector<256x1xf32> to vector<256x2048xf32>
    %eq3A_163 = arith.cmpf oeq, %sub3A, %eq3A_162 : vector<256x2048xf32>
    %gt3A_164 = vector.broadcast %broadcast_in_dim3A_159 : vector<256x1xi32> to vector<256x2048xi32>
    %gt3A_165 = arith.cmpi sgt, %iota3A, %gt3A_164 : vector<256x2048xi32>
    %and3A_166 = arith.andi %eq3A_163, %gt3A_165 : vector<256x2048xi1>
    %or3A_167 = arith.ori %gt3A_161, %and3A_166 : vector<256x2048xi1>
    %jit3A_168 = arith.constant 0x7F800000 : f32
    %broadcast_in_dim3A_169 = vector.broadcast %jit3A_168 : f32 to vector<256x2048xf32>
    %select_n3A_170 = arith.select %or3A_167, %sub3A, %broadcast_in_dim3A_169 : vector<256x2048xi1>, vector<256x2048xf32>
    %reduce_min3A_171 = arith.constant dense<0x7F800000> : vector<256xf32>
    %reduce_min3A_172 = vector.multi_reduction <minimumf>, %select_n3A_170, %reduce_min3A_171 [1] : vector<256x2048xf32> to vector<256xf32>
    %broadcast_in_dim3A_173 = vector.shape_cast %reduce_min3A_172 : vector<256xf32> to vector<256x1xf32>
    %le3A_174 = vector.broadcast %broadcast_in_dim3A_173 : vector<256x1xf32> to vector<256x2048xf32>
    %le3A_175 = arith.cmpf ole, %select_n3A_170, %le3A_174 : vector<256x2048xf32>
    %jit3A_176 = arith.constant 2048 : i32
    %broadcast_in_dim3A_177 = vector.broadcast %jit3A_176 : i32 to vector<256x2048xi32>
    %select_n3A_178 = arith.select %le3A_175, %iota3A, %broadcast_in_dim3A_177 : vector<256x2048xi1>, vector<256x2048xi32>
    %reduce_min3A_179 = arith.constant dense<2147483647> : vector<256xi32>
    %reduce_min3A_180 = vector.multi_reduction <minsi>, %select_n3A_178, %reduce_min3A_179 [1] : vector<256x2048xi32> to vector<256xi32>
    %broadcast_in_dim3A_181 = vector.shape_cast %reduce_min3A_180 : vector<256xi32> to vector<256x1xi32>
    %gt3A_182 = vector.broadcast %broadcast_in_dim3A_173 : vector<256x1xf32> to vector<256x2048xf32>
    %gt3A_183 = arith.cmpf ogt, %sub3A, %gt3A_182 : vector<256x2048xf32>
    %eq3A_184 = vector.broadcast %broadcast_in_dim3A_173 : vector<256x1xf32> to vector<256x2048xf32>
    %eq3A_185 = arith.cmpf oeq, %sub3A, %eq3A_184 : vector<256x2048xf32>
    %gt3A_186 = vector.broadcast %broadcast_in_dim3A_181 : vector<256x1xi32> to vector<256x2048xi32>
    %gt3A_187 = arith.cmpi sgt, %iota3A, %gt3A_186 : vector<256x2048xi32>
    %and3A_188 = arith.andi %eq3A_185, %gt3A_187 : vector<256x2048xi1>
    %or3A_189 = arith.ori %gt3A_183, %and3A_188 : vector<256x2048xi1>
    %jit3A_190 = arith.constant 0x7F800000 : f32
    %broadcast_in_dim3A_191 = vector.broadcast %jit3A_190 : f32 to vector<256x2048xf32>
    %select_n3A_192 = arith.select %or3A_189, %sub3A, %broadcast_in_dim3A_191 : vector<256x2048xi1>, vector<256x2048xf32>
    %reduce_min3A_193 = arith.constant dense<0x7F800000> : vector<256xf32>
    %reduce_min3A_194 = vector.multi_reduction <minimumf>, %select_n3A_192, %reduce_min3A_193 [1] : vector<256x2048xf32> to vector<256xf32>
    %broadcast_in_dim3A_195 = vector.shape_cast %reduce_min3A_194 : vector<256xf32> to vector<256x1xf32>
    %le3A_196 = vector.broadcast %broadcast_in_dim3A_195 : vector<256x1xf32> to vector<256x2048xf32>
    %le3A_197 = arith.cmpf ole, %select_n3A_192, %le3A_196 : vector<256x2048xf32>
    %jit3A_198 = arith.constant 2048 : i32
    %broadcast_in_dim3A_199 = vector.broadcast %jit3A_198 : i32 to vector<256x2048xi32>
    %select_n3A_200 = arith.select %le3A_197, %iota3A, %broadcast_in_dim3A_199 : vector<256x2048xi1>, vector<256x2048xi32>
    %reduce_min3A_201 = arith.constant dense<2147483647> : vector<256xi32>
    %reduce_min3A_202 = vector.multi_reduction <minsi>, %select_n3A_200, %reduce_min3A_201 [1] : vector<256x2048xi32> to vector<256xi32>
    %broadcast_in_dim3A_203 = vector.shape_cast %reduce_min3A_202 : vector<256xi32> to vector<256x1xi32>
    %gt3A_204 = vector.broadcast %broadcast_in_dim3A_195 : vector<256x1xf32> to vector<256x2048xf32>
    %gt3A_205 = arith.cmpf ogt, %sub3A, %gt3A_204 : vector<256x2048xf32>
    %eq3A_206 = vector.broadcast %broadcast_in_dim3A_195 : vector<256x1xf32> to vector<256x2048xf32>
    %eq3A_207 = arith.cmpf oeq, %sub3A, %eq3A_206 : vector<256x2048xf32>
    %gt3A_208 = vector.broadcast %broadcast_in_dim3A_203 : vector<256x1xi32> to vector<256x2048xi32>
    %gt3A_209 = arith.cmpi sgt, %iota3A, %gt3A_208 : vector<256x2048xi32>
    %and3A_210 = arith.andi %eq3A_207, %gt3A_209 : vector<256x2048xi1>
    %or3A_211 = arith.ori %gt3A_205, %and3A_210 : vector<256x2048xi1>
    %jit3A_212 = arith.constant 0x7F800000 : f32
    %broadcast_in_dim3A_213 = vector.broadcast %jit3A_212 : f32 to vector<256x2048xf32>
    %select_n3A_214 = arith.select %or3A_211, %sub3A, %broadcast_in_dim3A_213 : vector<256x2048xi1>, vector<256x2048xf32>
    %reduce_min3A_215 = arith.constant dense<0x7F800000> : vector<256xf32>
    %reduce_min3A_216 = vector.multi_reduction <minimumf>, %select_n3A_214, %reduce_min3A_215 [1] : vector<256x2048xf32> to vector<256xf32>
    %broadcast_in_dim3A_217 = vector.shape_cast %reduce_min3A_216 : vector<256xf32> to vector<256x1xf32>
    %le3A_218 = vector.broadcast %broadcast_in_dim3A_217 : vector<256x1xf32> to vector<256x2048xf32>
    %le3A_219 = arith.cmpf ole, %select_n3A_214, %le3A_218 : vector<256x2048xf32>
    %jit3A_220 = arith.constant 2048 : i32
    %broadcast_in_dim3A_221 = vector.broadcast %jit3A_220 : i32 to vector<256x2048xi32>
    %select_n3A_222 = arith.select %le3A_219, %iota3A, %broadcast_in_dim3A_221 : vector<256x2048xi1>, vector<256x2048xi32>
    %reduce_min3A_223 = arith.constant dense<2147483647> : vector<256xi32>
    %reduce_min3A_224 = vector.multi_reduction <minsi>, %select_n3A_222, %reduce_min3A_223 [1] : vector<256x2048xi32> to vector<256xi32>
    %broadcast_in_dim3A_225 = vector.shape_cast %reduce_min3A_224 : vector<256xi32> to vector<256x1xi32>
    %gt3A_226 = vector.broadcast %broadcast_in_dim3A_217 : vector<256x1xf32> to vector<256x2048xf32>
    %gt3A_227 = arith.cmpf ogt, %sub3A, %gt3A_226 : vector<256x2048xf32>
    %eq3A_228 = vector.broadcast %broadcast_in_dim3A_217 : vector<256x1xf32> to vector<256x2048xf32>
    %eq3A_229 = arith.cmpf oeq, %sub3A, %eq3A_228 : vector<256x2048xf32>
    %gt3A_230 = vector.broadcast %broadcast_in_dim3A_225 : vector<256x1xi32> to vector<256x2048xi32>
    %gt3A_231 = arith.cmpi sgt, %iota3A, %gt3A_230 : vector<256x2048xi32>
    %and3A_232 = arith.andi %eq3A_229, %gt3A_231 : vector<256x2048xi1>
    %or3A_233 = arith.ori %gt3A_227, %and3A_232 : vector<256x2048xi1>
    %jit3A_234 = arith.constant 0x7F800000 : f32
    %broadcast_in_dim3A_235 = vector.broadcast %jit3A_234 : f32 to vector<256x2048xf32>
    %select_n3A_236 = arith.select %or3A_233, %sub3A, %broadcast_in_dim3A_235 : vector<256x2048xi1>, vector<256x2048xf32>
    %reduce_min3A_237 = arith.constant dense<0x7F800000> : vector<256xf32>
    %reduce_min3A_238 = vector.multi_reduction <minimumf>, %select_n3A_236, %reduce_min3A_237 [1] : vector<256x2048xf32> to vector<256xf32>
    %broadcast_in_dim3A_239 = vector.shape_cast %reduce_min3A_238 : vector<256xf32> to vector<256x1xf32>
    %le3A_240 = vector.broadcast %broadcast_in_dim3A_239 : vector<256x1xf32> to vector<256x2048xf32>
    %le3A_241 = arith.cmpf ole, %select_n3A_236, %le3A_240 : vector<256x2048xf32>
    %jit3A_242 = arith.constant 2048 : i32
    %broadcast_in_dim3A_243 = vector.broadcast %jit3A_242 : i32 to vector<256x2048xi32>
    %select_n3A_244 = arith.select %le3A_241, %iota3A, %broadcast_in_dim3A_243 : vector<256x2048xi1>, vector<256x2048xi32>
    %reduce_min3A_245 = arith.constant dense<2147483647> : vector<256xi32>
    %reduce_min3A_246 = vector.multi_reduction <minsi>, %select_n3A_244, %reduce_min3A_245 [1] : vector<256x2048xi32> to vector<256xi32>
    %broadcast_in_dim3A_247 = vector.shape_cast %reduce_min3A_246 : vector<256xi32> to vector<256x1xi32>
    %gt3A_248 = vector.broadcast %broadcast_in_dim3A_239 : vector<256x1xf32> to vector<256x2048xf32>
    %gt3A_249 = arith.cmpf ogt, %sub3A, %gt3A_248 : vector<256x2048xf32>
    %eq3A_250 = vector.broadcast %broadcast_in_dim3A_239 : vector<256x1xf32> to vector<256x2048xf32>
    %eq3A_251 = arith.cmpf oeq, %sub3A, %eq3A_250 : vector<256x2048xf32>
    %gt3A_252 = vector.broadcast %broadcast_in_dim3A_247 : vector<256x1xi32> to vector<256x2048xi32>
    %gt3A_253 = arith.cmpi sgt, %iota3A, %gt3A_252 : vector<256x2048xi32>
    %and3A_254 = arith.andi %eq3A_251, %gt3A_253 : vector<256x2048xi1>
    %or3A_255 = arith.ori %gt3A_249, %and3A_254 : vector<256x2048xi1>
    %jit3A_256 = arith.constant 0x7F800000 : f32
    %broadcast_in_dim3A_257 = vector.broadcast %jit3A_256 : f32 to vector<256x2048xf32>
    %select_n3A_258 = arith.select %or3A_255, %sub3A, %broadcast_in_dim3A_257 : vector<256x2048xi1>, vector<256x2048xf32>
    %reduce_min3A_259 = arith.constant dense<0x7F800000> : vector<256xf32>
    %reduce_min3A_260 = vector.multi_reduction <minimumf>, %select_n3A_258, %reduce_min3A_259 [1] : vector<256x2048xf32> to vector<256xf32>
    %broadcast_in_dim3A_261 = vector.shape_cast %reduce_min3A_260 : vector<256xf32> to vector<256x1xf32>
    %le3A_262 = vector.broadcast %broadcast_in_dim3A_261 : vector<256x1xf32> to vector<256x2048xf32>
    %le3A_263 = arith.cmpf ole, %select_n3A_258, %le3A_262 : vector<256x2048xf32>
    %jit3A_264 = arith.constant 2048 : i32
    %broadcast_in_dim3A_265 = vector.broadcast %jit3A_264 : i32 to vector<256x2048xi32>
    %select_n3A_266 = arith.select %le3A_263, %iota3A, %broadcast_in_dim3A_265 : vector<256x2048xi1>, vector<256x2048xi32>
    %reduce_min3A_267 = arith.constant dense<2147483647> : vector<256xi32>
    %reduce_min3A_268 = vector.multi_reduction <minsi>, %select_n3A_266, %reduce_min3A_267 [1] : vector<256x2048xi32> to vector<256xi32>
    %broadcast_in_dim3A_269 = vector.shape_cast %reduce_min3A_268 : vector<256xi32> to vector<256x1xi32>
    %gt3A_270 = vector.broadcast %broadcast_in_dim3A_261 : vector<256x1xf32> to vector<256x2048xf32>
    %gt3A_271 = arith.cmpf ogt, %sub3A, %gt3A_270 : vector<256x2048xf32>
    %eq3A_272 = vector.broadcast %broadcast_in_dim3A_261 : vector<256x1xf32> to vector<256x2048xf32>
    %eq3A_273 = arith.cmpf oeq, %sub3A, %eq3A_272 : vector<256x2048xf32>
    %gt3A_274 = vector.broadcast %broadcast_in_dim3A_269 : vector<256x1xi32> to vector<256x2048xi32>
    %gt3A_275 = arith.cmpi sgt, %iota3A, %gt3A_274 : vector<256x2048xi32>
    %and3A_276 = arith.andi %eq3A_273, %gt3A_275 : vector<256x2048xi1>
    %or3A_277 = arith.ori %gt3A_271, %and3A_276 : vector<256x2048xi1>
    %jit3A_278 = arith.constant 0x7F800000 : f32
    %broadcast_in_dim3A_279 = vector.broadcast %jit3A_278 : f32 to vector<256x2048xf32>
    %select_n3A_280 = arith.select %or3A_277, %sub3A, %broadcast_in_dim3A_279 : vector<256x2048xi1>, vector<256x2048xf32>
    %reduce_min3A_281 = arith.constant dense<0x7F800000> : vector<256xf32>
    %reduce_min3A_282 = vector.multi_reduction <minimumf>, %select_n3A_280, %reduce_min3A_281 [1] : vector<256x2048xf32> to vector<256xf32>
    %broadcast_in_dim3A_283 = vector.shape_cast %reduce_min3A_282 : vector<256xf32> to vector<256x1xf32>
    %le3A_284 = vector.broadcast %broadcast_in_dim3A_283 : vector<256x1xf32> to vector<256x2048xf32>
    %le3A_285 = arith.cmpf ole, %select_n3A_280, %le3A_284 : vector<256x2048xf32>
    %jit3A_286 = arith.constant 2048 : i32
    %broadcast_in_dim3A_287 = vector.broadcast %jit3A_286 : i32 to vector<256x2048xi32>
    %select_n3A_288 = arith.select %le3A_285, %iota3A, %broadcast_in_dim3A_287 : vector<256x2048xi1>, vector<256x2048xi32>
    %reduce_min3A_289 = arith.constant dense<2147483647> : vector<256xi32>
    %reduce_min3A_290 = vector.multi_reduction <minsi>, %select_n3A_288, %reduce_min3A_289 [1] : vector<256x2048xi32> to vector<256xi32>
    %broadcast_in_dim3A_291 = vector.shape_cast %reduce_min3A_290 : vector<256xi32> to vector<256x1xi32>
    %gt3A_292 = vector.broadcast %broadcast_in_dim3A_283 : vector<256x1xf32> to vector<256x2048xf32>
    %gt3A_293 = arith.cmpf ogt, %sub3A, %gt3A_292 : vector<256x2048xf32>
    %eq3A_294 = vector.broadcast %broadcast_in_dim3A_283 : vector<256x1xf32> to vector<256x2048xf32>
    %eq3A_295 = arith.cmpf oeq, %sub3A, %eq3A_294 : vector<256x2048xf32>
    %gt3A_296 = vector.broadcast %broadcast_in_dim3A_291 : vector<256x1xi32> to vector<256x2048xi32>
    %gt3A_297 = arith.cmpi sgt, %iota3A, %gt3A_296 : vector<256x2048xi32>
    %and3A_298 = arith.andi %eq3A_295, %gt3A_297 : vector<256x2048xi1>
    %or3A_299 = arith.ori %gt3A_293, %and3A_298 : vector<256x2048xi1>
    %jit3A_300 = arith.constant 0x7F800000 : f32
    %broadcast_in_dim3A_301 = vector.broadcast %jit3A_300 : f32 to vector<256x2048xf32>
    %select_n3A_302 = arith.select %or3A_299, %sub3A, %broadcast_in_dim3A_301 : vector<256x2048xi1>, vector<256x2048xf32>
    %reduce_min3A_303 = arith.constant dense<0x7F800000> : vector<256xf32>
    %reduce_min3A_304 = vector.multi_reduction <minimumf>, %select_n3A_302, %reduce_min3A_303 [1] : vector<256x2048xf32> to vector<256xf32>
    %broadcast_in_dim3A_305 = vector.shape_cast %reduce_min3A_304 : vector<256xf32> to vector<256x1xf32>
    %le3A_306 = vector.broadcast %broadcast_in_dim3A_305 : vector<256x1xf32> to vector<256x2048xf32>
    %le3A_307 = arith.cmpf ole, %select_n3A_302, %le3A_306 : vector<256x2048xf32>
    %jit3A_308 = arith.constant 2048 : i32
    %broadcast_in_dim3A_309 = vector.broadcast %jit3A_308 : i32 to vector<256x2048xi32>
    %select_n3A_310 = arith.select %le3A_307, %iota3A, %broadcast_in_dim3A_309 : vector<256x2048xi1>, vector<256x2048xi32>
    %reduce_min3A_311 = arith.constant dense<2147483647> : vector<256xi32>
    %reduce_min3A_312 = vector.multi_reduction <minsi>, %select_n3A_310, %reduce_min3A_311 [1] : vector<256x2048xi32> to vector<256xi32>
    %broadcast_in_dim3A_313 = vector.shape_cast %reduce_min3A_312 : vector<256xi32> to vector<256x1xi32>
    %gt3A_314 = vector.broadcast %broadcast_in_dim3A_305 : vector<256x1xf32> to vector<256x2048xf32>
    %gt3A_315 = arith.cmpf ogt, %sub3A, %gt3A_314 : vector<256x2048xf32>
    %eq3A_316 = vector.broadcast %broadcast_in_dim3A_305 : vector<256x1xf32> to vector<256x2048xf32>
    %eq3A_317 = arith.cmpf oeq, %sub3A, %eq3A_316 : vector<256x2048xf32>
    %gt3A_318 = vector.broadcast %broadcast_in_dim3A_313 : vector<256x1xi32> to vector<256x2048xi32>
    %gt3A_319 = arith.cmpi sgt, %iota3A, %gt3A_318 : vector<256x2048xi32>
    %and3A_320 = arith.andi %eq3A_317, %gt3A_319 : vector<256x2048xi1>
    %or3A_321 = arith.ori %gt3A_315, %and3A_320 : vector<256x2048xi1>
    %jit3A_322 = arith.constant 0x7F800000 : f32
    %broadcast_in_dim3A_323 = vector.broadcast %jit3A_322 : f32 to vector<256x2048xf32>
    %select_n3A_324 = arith.select %or3A_321, %sub3A, %broadcast_in_dim3A_323 : vector<256x2048xi1>, vector<256x2048xf32>
    %reduce_min3A_325 = arith.constant dense<0x7F800000> : vector<256xf32>
    %reduce_min3A_326 = vector.multi_reduction <minimumf>, %select_n3A_324, %reduce_min3A_325 [1] : vector<256x2048xf32> to vector<256xf32>
    %broadcast_in_dim3A_327 = vector.shape_cast %reduce_min3A_326 : vector<256xf32> to vector<256x1xf32>
    %le3A_328 = vector.broadcast %broadcast_in_dim3A_327 : vector<256x1xf32> to vector<256x2048xf32>
    %le3A_329 = arith.cmpf ole, %select_n3A_324, %le3A_328 : vector<256x2048xf32>
    %jit3A_330 = arith.constant 2048 : i32
    %broadcast_in_dim3A_331 = vector.broadcast %jit3A_330 : i32 to vector<256x2048xi32>
    %select_n3A_332 = arith.select %le3A_329, %iota3A, %broadcast_in_dim3A_331 : vector<256x2048xi1>, vector<256x2048xi32>
    %reduce_min3A_333 = arith.constant dense<2147483647> : vector<256xi32>
    %reduce_min3A_334 = vector.multi_reduction <minsi>, %select_n3A_332, %reduce_min3A_333 [1] : vector<256x2048xi32> to vector<256xi32>
    %broadcast_in_dim3A_335 = vector.shape_cast %reduce_min3A_334 : vector<256xi32> to vector<256x1xi32>
    %gt3A_336 = vector.broadcast %broadcast_in_dim3A_327 : vector<256x1xf32> to vector<256x2048xf32>
    %gt3A_337 = arith.cmpf ogt, %sub3A, %gt3A_336 : vector<256x2048xf32>
    %eq3A_338 = vector.broadcast %broadcast_in_dim3A_327 : vector<256x1xf32> to vector<256x2048xf32>
    %eq3A_339 = arith.cmpf oeq, %sub3A, %eq3A_338 : vector<256x2048xf32>
    %gt3A_340 = vector.broadcast %broadcast_in_dim3A_335 : vector<256x1xi32> to vector<256x2048xi32>
    %gt3A_341 = arith.cmpi sgt, %iota3A, %gt3A_340 : vector<256x2048xi32>
    %and3A_342 = arith.andi %eq3A_339, %gt3A_341 : vector<256x2048xi1>
    %or3A_343 = arith.ori %gt3A_337, %and3A_342 : vector<256x2048xi1>
    %jit3A_344 = arith.constant 0x7F800000 : f32
    %broadcast_in_dim3A_345 = vector.broadcast %jit3A_344 : f32 to vector<256x2048xf32>
    %select_n3A_346 = arith.select %or3A_343, %sub3A, %broadcast_in_dim3A_345 : vector<256x2048xi1>, vector<256x2048xf32>
    %reduce_min3A_347 = arith.constant dense<0x7F800000> : vector<256xf32>
    %reduce_min3A_348 = vector.multi_reduction <minimumf>, %select_n3A_346, %reduce_min3A_347 [1] : vector<256x2048xf32> to vector<256xf32>
    %broadcast_in_dim3A_349 = vector.shape_cast %reduce_min3A_348 : vector<256xf32> to vector<256x1xf32>
    %le3A_350 = vector.broadcast %broadcast_in_dim3A_349 : vector<256x1xf32> to vector<256x2048xf32>
    %le3A_351 = arith.cmpf ole, %select_n3A_346, %le3A_350 : vector<256x2048xf32>
    %jit3A_352 = arith.constant 2048 : i32
    %broadcast_in_dim3A_353 = vector.broadcast %jit3A_352 : i32 to vector<256x2048xi32>
    %select_n3A_354 = arith.select %le3A_351, %iota3A, %broadcast_in_dim3A_353 : vector<256x2048xi1>, vector<256x2048xi32>
    %reduce_min3A_355 = arith.constant dense<2147483647> : vector<256xi32>
    %reduce_min3A_356 = vector.multi_reduction <minsi>, %select_n3A_354, %reduce_min3A_355 [1] : vector<256x2048xi32> to vector<256xi32>
    %broadcast_in_dim3A_357 = vector.shape_cast %reduce_min3A_356 : vector<256xi32> to vector<256x1xi32>
    %gt3A_358 = vector.broadcast %broadcast_in_dim3A_349 : vector<256x1xf32> to vector<256x2048xf32>
    %gt3A_359 = arith.cmpf ogt, %sub3A, %gt3A_358 : vector<256x2048xf32>
    %eq3A_360 = vector.broadcast %broadcast_in_dim3A_349 : vector<256x1xf32> to vector<256x2048xf32>
    %eq3A_361 = arith.cmpf oeq, %sub3A, %eq3A_360 : vector<256x2048xf32>
    %gt3A_362 = vector.broadcast %broadcast_in_dim3A_357 : vector<256x1xi32> to vector<256x2048xi32>
    %gt3A_363 = arith.cmpi sgt, %iota3A, %gt3A_362 : vector<256x2048xi32>
    %and3A_364 = arith.andi %eq3A_361, %gt3A_363 : vector<256x2048xi1>
    %or3A_365 = arith.ori %gt3A_359, %and3A_364 : vector<256x2048xi1>
    %jit3A_366 = arith.constant 0x7F800000 : f32
    %broadcast_in_dim3A_367 = vector.broadcast %jit3A_366 : f32 to vector<256x2048xf32>
    %select_n3A_368 = arith.select %or3A_365, %sub3A, %broadcast_in_dim3A_367 : vector<256x2048xi1>, vector<256x2048xf32>
    %reduce_min3A_369 = arith.constant dense<0x7F800000> : vector<256xf32>
    %reduce_min3A_370 = vector.multi_reduction <minimumf>, %select_n3A_368, %reduce_min3A_369 [1] : vector<256x2048xf32> to vector<256xf32>
    %broadcast_in_dim3A_371 = vector.shape_cast %reduce_min3A_370 : vector<256xf32> to vector<256x1xf32>
    %le3A_372 = vector.broadcast %broadcast_in_dim3A_371 : vector<256x1xf32> to vector<256x2048xf32>
    %le3A_373 = arith.cmpf ole, %select_n3A_368, %le3A_372 : vector<256x2048xf32>
    %jit3A_374 = arith.constant 2048 : i32
    %broadcast_in_dim3A_375 = vector.broadcast %jit3A_374 : i32 to vector<256x2048xi32>
    %select_n3A_376 = arith.select %le3A_373, %iota3A, %broadcast_in_dim3A_375 : vector<256x2048xi1>, vector<256x2048xi32>
    %reduce_min3A_377 = arith.constant dense<2147483647> : vector<256xi32>
    %reduce_min3A_378 = vector.multi_reduction <minsi>, %select_n3A_376, %reduce_min3A_377 [1] : vector<256x2048xi32> to vector<256xi32>
    %broadcast_in_dim3A_379 = vector.shape_cast %reduce_min3A_378 : vector<256xi32> to vector<256x1xi32>
    %concatenate3A = tpu.concatenate %broadcast_in_dim3A_49, %broadcast_in_dim3A_71, %broadcast_in_dim3A_93, %broadcast_in_dim3A_115, %broadcast_in_dim3A_137, %broadcast_in_dim3A_159, %broadcast_in_dim3A_181, %broadcast_in_dim3A_203, %broadcast_in_dim3A_225, %broadcast_in_dim3A_247, %broadcast_in_dim3A_269, %broadcast_in_dim3A_291, %broadcast_in_dim3A_313, %broadcast_in_dim3A_335, %broadcast_in_dim3A_357, %broadcast_in_dim3A_379 in 1 : vector<256x1xi32>, vector<256x1xi32>, vector<256x1xi32>, vector<256x1xi32>, vector<256x1xi32>, vector<256x1xi32>, vector<256x1xi32>, vector<256x1xi32>, vector<256x1xi32>, vector<256x1xi32>, vector<256x1xi32>, vector<256x1xi32>, vector<256x1xi32>, vector<256x1xi32>, vector<256x1xi32>, vector<256x1xi32> -> vector<256x16xi32>
    %mul3A_380 = arith.constant 2048 : i32
    %mul3A_381 = arith.muli %arg0, %mul3A_380 : i32
    %add3A_382 = vector.broadcast %mul3A_381 : i32 to vector<256x16xi32>
    %add3A_383 = arith.addi %concatenate3A, %add3A_382 : vector<256x16xi32>
    %swap3A_384 = arith.constant 0 : index
    %swap3A_385 = arith.constant 0 : index
    %swap3A_386 = vector.load %arg10[%swap3A_384, %swap3A_385] : memref<256x16xi32, #tpu.memory_space<vmem>>, vector<256x16xi32>
    tpu.vector_store %arg10[%swap3A_384, %swap3A_385], %add3A_383 {strides = array<i32>} : memref<256x16xi32, #tpu.memory_space<vmem>>, vector<256x16xi32>,
    return
  }
  func.func @transform_0(%arg0: i32, %arg1: i32) -> (i32, i32) {
    %c0_i32 = arith.constant 0 : i32
    %c0_i32_0 = arith.constant 0 : i32
    return %c0_i32, %arg0 : i32, i32
  }
  func.func @transform_1(%arg0: i32, %arg1: i32) -> (i32, i32) {
    %mul3A = arith.constant 8 : i32
    %mul3A_0 = arith.muli %arg0, %mul3A : i32
    %add3A = arith.addi %mul3A_0, %arg1 : i32
    %c0_i32 = arith.constant 0 : i32
    %c0_i32_1 = arith.constant 0 : i32
    return %add3A, %c0_i32 : i32, i32
  }
  func.func @transform_2(%arg0: i32, %arg1: i32) -> (i32, i32) {
    %mul3A = arith.constant 8 : i32
    %mul3A_0 = arith.muli %arg0, %mul3A : i32
    %add3A = arith.addi %mul3A_0, %arg1 : i32
    %c0_i32 = arith.constant 0 : i32
    %c0_i32_1 = arith.constant 0 : i32
    return %add3A, %c0_i32 : i32, i32
  }
  func.func @transform_3(%arg0: i32, %arg1: i32) -> (i32, i32, i32) {
    %c0_i32 = arith.constant 0 : i32
    %c0_i32_0 = arith.constant 0 : i32
    %c0_i32_1 = arith.constant 0 : i32
    return %arg0, %c0_i32, %c0_i32_0 : i32, i32, i32
  }
  func.func @transform_4(%arg0: i32, %arg1: i32) -> (i32, i32) {
    %c0_i32 = arith.constant 0 : i32
    %c0_i32_0 = arith.constant 0 : i32
    %c0_i32_1 = arith.constant 0 : i32
    return %c0_i32, %c0_i32_0 : i32, i32
  }
  func.func @transform_5(%arg0: i32, %arg1: i32) -> (i32, i32) {
    %c0_i32 = arith.constant 0 : i32
    %c0_i32_0 = arith.constant 0 : i32
    %c0_i32_1 = arith.constant 0 : i32
    return %c0_i32, %c0_i32_0 : i32, i32
  }
  func.func @transform_6(%arg0: i32, %arg1: i32) -> (i32, i32) {
    %mul3A = arith.constant 8 : i32
    %mul3A_0 = arith.muli %arg0, %mul3A : i32
    %add3A = arith.addi %mul3A_0, %arg1 : i32
    %c0_i32 = arith.constant 0 : i32
    %c0_i32_1 = arith.constant 0 : i32
    return %add3A, %c0_i32 : i32, i32
  }
  func.func @transform_7(%arg0: i32, %arg1: i32) -> (i32, i32) {
    %mul3A = arith.constant 8 : i32
    %mul3A_0 = arith.muli %arg0, %mul3A : i32
    %add3A = arith.addi %mul3A_0, %arg1 : i32
    %c0_i32 = arith.constant 0 : i32
    %c0_i32_1 = arith.constant 0 : i32
    return %add3A, %c0_i32 : i32, i32
  }
  func.func @transform_8(%arg0: i32, %arg1: i32) -> (i32, i32) {
    %mul3A = arith.constant 8 : i32
    %mul3A_0 = arith.muli %arg0, %mul3A : i32
    %add3A = arith.addi %mul3A_0, %arg1 : i32
    %c0_i32 = arith.constant 0 : i32
    %c0_i32_1 = arith.constant 0 : i32
    return %add3A, %c0_i32 : i32, i32
  }
}

module attributes {stable_mosaic.version = 14 : i64} {
  func.func @_attn_body(%arg0: i32, %arg1: memref<128x256xf32, #tpu.memory_space<vmem>>, %arg2: memref<128x16x256xf32, #tpu.memory_space<vmem>>, %arg3: memref<256x1xf32, #tpu.memory_space<vmem>>, %arg4: memref<128x256xf32, #tpu.memory_space<vmem>>) attributes {dimension_semantics = [#tpu.dimension_semantics<arbitrary>], iteration_bounds = array<i64: 32>, scalar_prefetch = 0 : i64, scratch_operands = 0 : i64, tpu.core_type = #tpu.core_type<tc>, window_params = [{transform_indices = @transform_0, window_bounds = array<i64: 128, 256>}, {transform_indices = @transform_1, window_bounds = array<i64: 128, 16, 256>}, {pipeline_mode = #tpu.pipeline_mode<synchronous>, transform_indices = @transform_2, window_bounds = array<i64: 256, 1>}, {transform_indices = @transform_3, window_bounds = array<i64: 128, 256>}]} {
    %get3A = arith.constant 0 : index
    %get3A_0 = arith.constant 0 : index
    %get3A_1 = vector.load %arg1[%get3A, %get3A_0] : memref<128x256xf32, #tpu.memory_space<vmem>>, vector<128x256xf32>
    %get3A_2 = arith.constant 0 : index
    %get3A_3 = arith.constant 0 : index
    %get3A_4 = arith.constant 0 : index
    %get3A_5 = vector.load %arg2[%get3A_2, %get3A_3, %get3A_4] : memref<128x16x256xf32, #tpu.memory_space<vmem>>, vector<128x16x256xf32>
    %broadcast_in_dim3A = vector.shape_cast %get3A_1 : vector<128x256xf32> to vector<128x1x256xf32>
    %add3A = vector.broadcast %broadcast_in_dim3A : vector<128x1x256xf32> to vector<128x16x256xf32>
    %add3A_6 = arith.addf %add3A, %get3A_5 : vector<128x16x256xf32>
    %ge3A = arith.constant 0.000000e+00 : f32
    %ge3A_7 = vector.broadcast %ge3A : f32 to vector<128x16x256xf32>
    %ge3A_8 = arith.cmpf oge, %add3A_6, %ge3A_7 : vector<128x16x256xf32>
    %mul3A = arith.constant 2.000000e-01 : f32
    %mul3A_9 = vector.broadcast %mul3A : f32 to vector<128x16x256xf32>
    %mul3A_10 = arith.mulf %mul3A_9, %add3A_6 : vector<128x16x256xf32>
    %select_n3A = arith.select %ge3A_8, %add3A_6, %mul3A_10 : vector<128x16x256xi1>, vector<128x16x256xf32>
    %reshape3A = vector.shape_cast %select_n3A : vector<128x16x256xf32> to vector<2048x256xf32>
    %convert_element_type3A = arith.truncf %reshape3A : vector<2048x256xf32> to vector<2048x256xbf16>
    %get3A_11 = arith.constant 0 : index
    %get3A_12 = arith.constant 0 : index
    %get3A_13 = vector.load %arg3[%get3A_11, %get3A_12] : memref<256x1xf32, #tpu.memory_space<vmem>>, vector<256x1xf32>
    %convert_element_type3A_14 = arith.truncf %get3A_13 : vector<256x1xf32> to vector<256x1xbf16>
    %dot_general3A = arith.constant dense<0.000000e+00> : vector<2048x1xf32>
    %dot_general3A_15 = tpu.matmul %convert_element_type3A, %convert_element_type3A_14, %dot_general3A {dimension_numbers = #tpu.dot_dimension_numbers<[1], [0], [0], [1], [0, 0, 1, 1], [], []>, transpose_lhs_hint = false} : vector<2048x256xbf16>, vector<256x1xbf16>, vector<2048x1xf32> -> vector<2048x1xf32>
    %reshape3A_16 = vector.shape_cast %dot_general3A_15 : vector<2048x1xf32> to vector<128x16xf32>
    %reduce_max3A = arith.constant dense<0xFF800000> : vector<128xf32>
    %reduce_max3A_17 = vector.multi_reduction <maximumf>, %reshape3A_16, %reduce_max3A [1] : vector<128x16xf32> to vector<128xf32>
    %broadcast_in_dim3A_18 = vector.shape_cast %reduce_max3A_17 : vector<128xf32> to vector<128x1xf32>
    %sub3A = vector.broadcast %broadcast_in_dim3A_18 : vector<128x1xf32> to vector<128x16xf32>
    %sub3A_19 = arith.subf %reshape3A_16, %sub3A : vector<128x16xf32>
    %exp3A = math.exp %sub3A_19 : vector<128x16xf32>
    %slice3A = vector.extract_strided_slice %exp3A {offsets = [0, 0], sizes = [128, 8], strides = [1, 1]} : vector<128x16xf32> to vector<128x8xf32>
    %slice3A_20 = vector.extract_strided_slice %exp3A {offsets = [0, 8], sizes = [128, 8], strides = [1, 1]} : vector<128x16xf32> to vector<128x8xf32>
    %add3A_21 = arith.addf %slice3A, %slice3A_20 : vector<128x8xf32>
    %slice3A_22 = vector.extract_strided_slice %add3A_21 {offsets = [0, 0], sizes = [128, 4], strides = [1, 1]} : vector<128x8xf32> to vector<128x4xf32>
    %slice3A_23 = vector.extract_strided_slice %add3A_21 {offsets = [0, 4], sizes = [128, 4], strides = [1, 1]} : vector<128x8xf32> to vector<128x4xf32>
    %add3A_24 = arith.addf %slice3A_22, %slice3A_23 : vector<128x4xf32>
    %slice3A_25 = vector.extract_strided_slice %add3A_24 {offsets = [0, 0], sizes = [128, 2], strides = [1, 1]} : vector<128x4xf32> to vector<128x2xf32>
    %slice3A_26 = vector.extract_strided_slice %add3A_24 {offsets = [0, 2], sizes = [128, 2], strides = [1, 1]} : vector<128x4xf32> to vector<128x2xf32>
    %add3A_27 = arith.addf %slice3A_25, %slice3A_26 : vector<128x2xf32>
    %slice3A_28 = vector.extract_strided_slice %add3A_27 {offsets = [0, 0], sizes = [128, 1], strides = [1, 1]} : vector<128x2xf32> to vector<128x1xf32>
    %slice3A_29 = vector.extract_strided_slice %add3A_27 {offsets = [0, 1], sizes = [128, 1], strides = [1, 1]} : vector<128x2xf32> to vector<128x1xf32>
    %add3A_30 = arith.addf %slice3A_28, %slice3A_29 : vector<128x1xf32>
    %div3A = vector.broadcast %add3A_30 : vector<128x1xf32> to vector<128x16xf32>
    %div3A_31 = arith.divf %exp3A, %div3A : vector<128x16xf32>
    %broadcast_in_dim3A_32 = vector.shape_cast %div3A_31 : vector<128x16xf32> to vector<128x16x1xf32>
    %mul3A_33 = vector.broadcast %broadcast_in_dim3A_32 : vector<128x16x1xf32> to vector<128x16x256xf32>
    %mul3A_34 = arith.mulf %mul3A_33, %get3A_5 : vector<128x16x256xf32>
    %reduce_sum3A = arith.constant dense<0.000000e+00> : vector<128x256xf32>
    %reduce_sum3A_35 = vector.multi_reduction <add>, %mul3A_34, %reduce_sum3A [1] : vector<128x16x256xf32> to vector<128x256xf32>
    %swap3A = arith.constant 0 : index
    %swap3A_36 = arith.constant 0 : index
    %swap3A_37 = vector.load %arg4[%swap3A, %swap3A_36] : memref<128x256xf32, #tpu.memory_space<vmem>>, vector<128x256xf32>
    tpu.vector_store %arg4[%swap3A, %swap3A_36], %reduce_sum3A_35 {strides = array<i32>} : memref<128x256xf32, #tpu.memory_space<vmem>>, vector<128x256xf32>,
    return
  }
  func.func @transform_0(%arg0: i32) -> (i32, i32) {
    %c0_i32 = arith.constant 0 : i32
    %c0_i32_0 = arith.constant 0 : i32
    return %arg0, %c0_i32 : i32, i32
  }
  func.func @transform_1(%arg0: i32) -> (i32, i32, i32) {
    %c0_i32 = arith.constant 0 : i32
    %c0_i32_0 = arith.constant 0 : i32
    %c0_i32_1 = arith.constant 0 : i32
    return %arg0, %c0_i32, %c0_i32_0 : i32, i32, i32
  }
  func.func @transform_2(%arg0: i32) -> (i32, i32) {
    %c0_i32 = arith.constant 0 : i32
    %c0_i32_0 = arith.constant 0 : i32
    %c0_i32_1 = arith.constant 0 : i32
    return %c0_i32, %c0_i32_0 : i32, i32
  }
  func.func @transform_3(%arg0: i32) -> (i32, i32) {
    %c0_i32 = arith.constant 0 : i32
    %c0_i32_0 = arith.constant 0 : i32
    return %arg0, %c0_i32 : i32, i32
  }
}

module attributes {stable_mosaic.version = 14 : i64} {
  func.func @_proj_topk_body(%arg0: i32, %arg1: i32, %arg2: memref<512x2048xf32, #tpu.memory_space<vmem>>, %arg3: memref<256x512xf32, #tpu.memory_space<vmem>>, %arg4: memref<256x1xf32, #tpu.memory_space<vmem>>, %arg5: memref<1x1x2048xf32, #tpu.memory_space<vmem>>, %arg6: memref<512x512xf32, #tpu.memory_space<vmem>>, %arg7: memref<512x512xf32, #tpu.memory_space<vmem>>, %arg8: memref<256x512xf32, #tpu.memory_space<vmem>>, %arg9: memref<256x512xf32, #tpu.memory_space<vmem>>, %arg10: memref<256x16xi32, #tpu.memory_space<vmem>>) attributes {dimension_semantics = [#tpu.dimension_semantics<arbitrary>, #tpu.dimension_semantics<arbitrary>], iteration_bounds = array<i64: 2, 8>, scalar_prefetch = 0 : i64, scratch_operands = 0 : i64, tpu.core_type = #tpu.core_type<tc>, window_params = [{transform_indices = @transform_0, window_bounds = array<i64: 512, 2048>}, {transform_indices = @transform_1, window_bounds = array<i64: 256, 512>}, {transform_indices = @transform_2, window_bounds = array<i64: 256, 1>}, {transform_indices = @transform_3, window_bounds = array<i64: 1, 1, 2048>}, {pipeline_mode = #tpu.pipeline_mode<synchronous>, transform_indices = @transform_4, window_bounds = array<i64: 512, 512>}, {pipeline_mode = #tpu.pipeline_mode<synchronous>, transform_indices = @transform_5, window_bounds = array<i64: 512, 512>}, {transform_indices = @transform_6, window_bounds = array<i64: 256, 512>}, {transform_indices = @transform_7, window_bounds = array<i64: 256, 512>}, {transform_indices = @transform_8, window_bounds = array<i64: 256, 16>}]} {
    %get3A = arith.constant 0 : index
    %get3A_0 = arith.constant 0 : index
    %get3A_1 = vector.load %arg3[%get3A, %get3A_0] : memref<256x512xf32, #tpu.memory_space<vmem>>, vector<256x512xf32>
    %get3A_2 = arith.constant 0 : index
    %get3A_3 = arith.constant 0 : index
    %get3A_4 = vector.load %arg6[%get3A_2, %get3A_3] : memref<512x512xf32, #tpu.memory_space<vmem>>, vector<512x512xf32>
    %dot_general3A = arith.constant dense<0.000000e+00> : vector<256x512xf32>
    %dot_general3A_5 = tpu.matmul %get3A_1, %get3A_4, %dot_general3A {dimension_numbers = #tpu.dot_dimension_numbers<[1], [0], [0], [1], [0, 0, 1, 1], [], []>, transpose_lhs_hint = false} : vector<256x512xf32>, vector<512x512xf32>, vector<256x512xf32> -> vector<256x512xf32>
    %swap3A = arith.constant 0 : index
    %swap3A_6 = arith.constant 0 : index
    %swap3A_7 = vector.load %arg8[%swap3A, %swap3A_6] : memref<256x512xf32, #tpu.memory_space<vmem>>, vector<256x512xf32>
    tpu.vector_store %arg8[%swap3A, %swap3A_6], %dot_general3A_5 {strides = array<i32>} : memref<256x512xf32, #tpu.memory_space<vmem>>, vector<256x512xf32>,
    %get3A_8 = arith.constant 0 : index
    %get3A_9 = arith.constant 0 : index
    %get3A_10 = vector.load %arg7[%get3A_8, %get3A_9] : memref<512x512xf32, #tpu.memory_space<vmem>>, vector<512x512xf32>
    %dot_general3A_11 = arith.constant dense<0.000000e+00> : vector<256x512xf32>
    %dot_general3A_12 = tpu.matmul %get3A_1, %get3A_10, %dot_general3A_11 {dimension_numbers = #tpu.dot_dimension_numbers<[1], [0], [0], [1], [0, 0, 1, 1], [], []>, transpose_lhs_hint = false} : vector<256x512xf32>, vector<512x512xf32>, vector<256x512xf32> -> vector<256x512xf32>
    %swap3A_13 = arith.constant 0 : index
    %swap3A_14 = arith.constant 0 : index
    %swap3A_15 = vector.load %arg9[%swap3A_13, %swap3A_14] : memref<256x512xf32, #tpu.memory_space<vmem>>, vector<256x512xf32>
    tpu.vector_store %arg9[%swap3A_13, %swap3A_14], %dot_general3A_12 {strides = array<i32>} : memref<256x512xf32, #tpu.memory_space<vmem>>, vector<256x512xf32>,
    %get3A_16 = arith.constant 0 : index
    %get3A_17 = arith.constant 0 : index
    %get3A_18 = vector.load %arg2[%get3A_16, %get3A_17] : memref<512x2048xf32, #tpu.memory_space<vmem>>, vector<512x2048xf32>
    %dot_general3A_19 = arith.constant dense<0.000000e+00> : vector<256x2048xf32>
    %dot_general3A_20 = tpu.matmul %get3A_1, %get3A_18, %dot_general3A_19 {dimension_numbers = #tpu.dot_dimension_numbers<[1], [0], [0], [1], [0, 0, 1, 1], [], []>, transpose_lhs_hint = false} : vector<256x512xf32>, vector<512x2048xf32>, vector<256x2048xf32> -> vector<256x2048xf32>
    %get3A_21 = arith.constant 0 : index
    %get3A_22 = arith.constant 0 : index
    %get3A_23 = vector.load %arg4[%get3A_21, %get3A_22] : memref<256x1xf32, #tpu.memory_space<vmem>>, vector<256x1xf32>
    %get3A_24 = arith.constant 0 : index
    %get3A_25 = arith.constant 0 : index
    %get3A_26 = arith.constant 0 : index
    %get3A_27 = vector.load %arg5[%get3A_24, %get3A_25, %get3A_26] : memref<1x1x2048xf32, #tpu.memory_space<vmem>>, vector<1x1x2048xf32>
    %get3A_28 = vector.shape_cast %get3A_27 : vector<1x1x2048xf32> to vector<1x2048xf32>
    %add3A = vector.broadcast %get3A_23 : vector<256x1xf32> to vector<256x2048xf32>
    %add3A_29 = vector.broadcast %get3A_28 : vector<1x2048xf32> to vector<256x2048xf32>
    %add3A_30 = arith.addf %add3A, %add3A_29 : vector<256x2048xf32>
    %mul3A = arith.constant 2.000000e+00 : f32
    %mul3A_31 = vector.broadcast %mul3A : f32 to vector<256x2048xf32>
    %mul3A_32 = arith.mulf %mul3A_31, %dot_general3A_20 : vector<256x2048xf32>
    %sub3A = arith.subf %add3A_30, %mul3A_32 : vector<256x2048xf32>
    %iota3A = tpu.iota {dimensions = array<i32: 1>} : vector<256x2048xi32>
    %broadcast_in_dim3A = arith.constant 0xFF800000 : f32
    %broadcast_in_dim3A_33 = vector.broadcast %broadcast_in_dim3A : f32 to vector<256x1xf32>
    %broadcast_in_dim3A_34 = arith.constant -1 : i32
    %broadcast_in_dim3A_35 = vector.broadcast %broadcast_in_dim3A_34 : i32 to vector<256x1xi32>
    %gt3A = vector.broadcast %broadcast_in_dim3A_33 : vector<256x1xf32> to vector<256x2048xf32>
    %gt3A_36 = arith.cmpf ogt, %sub3A, %gt3A : vector<256x2048xf32>
    %eq3A = vector.broadcast %broadcast_in_dim3A_33 : vector<256x1xf32> to vector<256x2048xf32>
    %eq3A_37 = arith.cmpf oeq, %sub3A, %eq3A : vector<256x2048xf32>
    %gt3A_38 = vector.broadcast %broadcast_in_dim3A_35 : vector<256x1xi32> to vector<256x2048xi32>
    %gt3A_39 = arith.cmpi sgt, %iota3A, %gt3A_38 : vector<256x2048xi32>
    %and3A = arith.andi %eq3A_37, %gt3A_39 : vector<256x2048xi1>
    %or3A = arith.ori %gt3A_36, %and3A : vector<256x2048xi1>
    %jit3A = arith.constant 0x7F800000 : f32
    %broadcast_in_dim3A_40 = vector.broadcast %jit3A : f32 to vector<256x2048xf32>
    %select_n3A = arith.select %or3A, %sub3A, %broadcast_in_dim3A_40 : vector<256x2048xi1>, vector<256x2048xf32>
    %reduce_min3A = arith.constant dense<0x7F800000> : vector<256xf32>
    %reduce_min3A_41 = vector.multi_reduction <minimumf>, %select_n3A, %reduce_min3A [1] : vector<256x2048xf32> to vector<256xf32>
    %broadcast_in_dim3A_42 = vector.shape_cast %reduce_min3A_41 : vector<256xf32> to vector<256x1xf32>
    %le3A = vector.broadcast %broadcast_in_dim3A_42 : vector<256x1xf32> to vector<256x2048xf32>
    %le3A_43 = arith.cmpf ole, %select_n3A, %le3A : vector<256x2048xf32>
    %jit3A_44 = arith.constant 2048 : i32
    %broadcast_in_dim3A_45 = vector.broadcast %jit3A_44 : i32 to vector<256x2048xi32>
    %select_n3A_46 = arith.select %le3A_43, %iota3A, %broadcast_in_dim3A_45 : vector<256x2048xi1>, vector<256x2048xi32>
    %reduce_min3A_47 = arith.constant dense<2147483647> : vector<256xi32>
    %reduce_min3A_48 = vector.multi_reduction <minsi>, %select_n3A_46, %reduce_min3A_47 [1] : vector<256x2048xi32> to vector<256xi32>
    %broadcast_in_dim3A_49 = vector.shape_cast %reduce_min3A_48 : vector<256xi32> to vector<256x1xi32>
    %gt3A_50 = vector.broadcast %broadcast_in_dim3A_42 : vector<256x1xf32> to vector<256x2048xf32>
    %gt3A_51 = arith.cmpf ogt, %sub3A, %gt3A_50 : vector<256x2048xf32>
    %eq3A_52 = vector.broadcast %broadcast_in_dim3A_42 : vector<256x1xf32> to vector<256x2048xf32>
    %eq3A_53 = arith.cmpf oeq, %sub3A, %eq3A_52 : vector<256x2048xf32>
    %gt3A_54 = vector.broadcast %broadcast_in_dim3A_49 : vector<256x1xi32> to vector<256x2048xi32>
    %gt3A_55 = arith.cmpi sgt, %iota3A, %gt3A_54 : vector<256x2048xi32>
    %and3A_56 = arith.andi %eq3A_53, %gt3A_55 : vector<256x2048xi1>
    %or3A_57 = arith.ori %gt3A_51, %and3A_56 : vector<256x2048xi1>
    %jit3A_58 = arith.constant 0x7F800000 : f32
    %broadcast_in_dim3A_59 = vector.broadcast %jit3A_58 : f32 to vector<256x2048xf32>
    %select_n3A_60 = arith.select %or3A_57, %sub3A, %broadcast_in_dim3A_59 : vector<256x2048xi1>, vector<256x2048xf32>
    %reduce_min3A_61 = arith.constant dense<0x7F800000> : vector<256xf32>
    %reduce_min3A_62 = vector.multi_reduction <minimumf>, %select_n3A_60, %reduce_min3A_61 [1] : vector<256x2048xf32> to vector<256xf32>
    %broadcast_in_dim3A_63 = vector.shape_cast %reduce_min3A_62 : vector<256xf32> to vector<256x1xf32>
    %le3A_64 = vector.broadcast %broadcast_in_dim3A_63 : vector<256x1xf32> to vector<256x2048xf32>
    %le3A_65 = arith.cmpf ole, %select_n3A_60, %le3A_64 : vector<256x2048xf32>
    %jit3A_66 = arith.constant 2048 : i32
    %broadcast_in_dim3A_67 = vector.broadcast %jit3A_66 : i32 to vector<256x2048xi32>
    %select_n3A_68 = arith.select %le3A_65, %iota3A, %broadcast_in_dim3A_67 : vector<256x2048xi1>, vector<256x2048xi32>
    %reduce_min3A_69 = arith.constant dense<2147483647> : vector<256xi32>
    %reduce_min3A_70 = vector.multi_reduction <minsi>, %select_n3A_68, %reduce_min3A_69 [1] : vector<256x2048xi32> to vector<256xi32>
    %broadcast_in_dim3A_71 = vector.shape_cast %reduce_min3A_70 : vector<256xi32> to vector<256x1xi32>
    %gt3A_72 = vector.broadcast %broadcast_in_dim3A_63 : vector<256x1xf32> to vector<256x2048xf32>
    %gt3A_73 = arith.cmpf ogt, %sub3A, %gt3A_72 : vector<256x2048xf32>
    %eq3A_74 = vector.broadcast %broadcast_in_dim3A_63 : vector<256x1xf32> to vector<256x2048xf32>
    %eq3A_75 = arith.cmpf oeq, %sub3A, %eq3A_74 : vector<256x2048xf32>
    %gt3A_76 = vector.broadcast %broadcast_in_dim3A_71 : vector<256x1xi32> to vector<256x2048xi32>
    %gt3A_77 = arith.cmpi sgt, %iota3A, %gt3A_76 : vector<256x2048xi32>
    %and3A_78 = arith.andi %eq3A_75, %gt3A_77 : vector<256x2048xi1>
    %or3A_79 = arith.ori %gt3A_73, %and3A_78 : vector<256x2048xi1>
    %jit3A_80 = arith.constant 0x7F800000 : f32
    %broadcast_in_dim3A_81 = vector.broadcast %jit3A_80 : f32 to vector<256x2048xf32>
    %select_n3A_82 = arith.select %or3A_79, %sub3A, %broadcast_in_dim3A_81 : vector<256x2048xi1>, vector<256x2048xf32>
    %reduce_min3A_83 = arith.constant dense<0x7F800000> : vector<256xf32>
    %reduce_min3A_84 = vector.multi_reduction <minimumf>, %select_n3A_82, %reduce_min3A_83 [1] : vector<256x2048xf32> to vector<256xf32>
    %broadcast_in_dim3A_85 = vector.shape_cast %reduce_min3A_84 : vector<256xf32> to vector<256x1xf32>
    %le3A_86 = vector.broadcast %broadcast_in_dim3A_85 : vector<256x1xf32> to vector<256x2048xf32>
    %le3A_87 = arith.cmpf ole, %select_n3A_82, %le3A_86 : vector<256x2048xf32>
    %jit3A_88 = arith.constant 2048 : i32
    %broadcast_in_dim3A_89 = vector.broadcast %jit3A_88 : i32 to vector<256x2048xi32>
    %select_n3A_90 = arith.select %le3A_87, %iota3A, %broadcast_in_dim3A_89 : vector<256x2048xi1>, vector<256x2048xi32>
    %reduce_min3A_91 = arith.constant dense<2147483647> : vector<256xi32>
    %reduce_min3A_92 = vector.multi_reduction <minsi>, %select_n3A_90, %reduce_min3A_91 [1] : vector<256x2048xi32> to vector<256xi32>
    %broadcast_in_dim3A_93 = vector.shape_cast %reduce_min3A_92 : vector<256xi32> to vector<256x1xi32>
    %gt3A_94 = vector.broadcast %broadcast_in_dim3A_85 : vector<256x1xf32> to vector<256x2048xf32>
    %gt3A_95 = arith.cmpf ogt, %sub3A, %gt3A_94 : vector<256x2048xf32>
    %eq3A_96 = vector.broadcast %broadcast_in_dim3A_85 : vector<256x1xf32> to vector<256x2048xf32>
    %eq3A_97 = arith.cmpf oeq, %sub3A, %eq3A_96 : vector<256x2048xf32>
    %gt3A_98 = vector.broadcast %broadcast_in_dim3A_93 : vector<256x1xi32> to vector<256x2048xi32>
    %gt3A_99 = arith.cmpi sgt, %iota3A, %gt3A_98 : vector<256x2048xi32>
    %and3A_100 = arith.andi %eq3A_97, %gt3A_99 : vector<256x2048xi1>
    %or3A_101 = arith.ori %gt3A_95, %and3A_100 : vector<256x2048xi1>
    %jit3A_102 = arith.constant 0x7F800000 : f32
    %broadcast_in_dim3A_103 = vector.broadcast %jit3A_102 : f32 to vector<256x2048xf32>
    %select_n3A_104 = arith.select %or3A_101, %sub3A, %broadcast_in_dim3A_103 : vector<256x2048xi1>, vector<256x2048xf32>
    %reduce_min3A_105 = arith.constant dense<0x7F800000> : vector<256xf32>
    %reduce_min3A_106 = vector.multi_reduction <minimumf>, %select_n3A_104, %reduce_min3A_105 [1] : vector<256x2048xf32> to vector<256xf32>
    %broadcast_in_dim3A_107 = vector.shape_cast %reduce_min3A_106 : vector<256xf32> to vector<256x1xf32>
    %le3A_108 = vector.broadcast %broadcast_in_dim3A_107 : vector<256x1xf32> to vector<256x2048xf32>
    %le3A_109 = arith.cmpf ole, %select_n3A_104, %le3A_108 : vector<256x2048xf32>
    %jit3A_110 = arith.constant 2048 : i32
    %broadcast_in_dim3A_111 = vector.broadcast %jit3A_110 : i32 to vector<256x2048xi32>
    %select_n3A_112 = arith.select %le3A_109, %iota3A, %broadcast_in_dim3A_111 : vector<256x2048xi1>, vector<256x2048xi32>
    %reduce_min3A_113 = arith.constant dense<2147483647> : vector<256xi32>
    %reduce_min3A_114 = vector.multi_reduction <minsi>, %select_n3A_112, %reduce_min3A_113 [1] : vector<256x2048xi32> to vector<256xi32>
    %broadcast_in_dim3A_115 = vector.shape_cast %reduce_min3A_114 : vector<256xi32> to vector<256x1xi32>
    %gt3A_116 = vector.broadcast %broadcast_in_dim3A_107 : vector<256x1xf32> to vector<256x2048xf32>
    %gt3A_117 = arith.cmpf ogt, %sub3A, %gt3A_116 : vector<256x2048xf32>
    %eq3A_118 = vector.broadcast %broadcast_in_dim3A_107 : vector<256x1xf32> to vector<256x2048xf32>
    %eq3A_119 = arith.cmpf oeq, %sub3A, %eq3A_118 : vector<256x2048xf32>
    %gt3A_120 = vector.broadcast %broadcast_in_dim3A_115 : vector<256x1xi32> to vector<256x2048xi32>
    %gt3A_121 = arith.cmpi sgt, %iota3A, %gt3A_120 : vector<256x2048xi32>
    %and3A_122 = arith.andi %eq3A_119, %gt3A_121 : vector<256x2048xi1>
    %or3A_123 = arith.ori %gt3A_117, %and3A_122 : vector<256x2048xi1>
    %jit3A_124 = arith.constant 0x7F800000 : f32
    %broadcast_in_dim3A_125 = vector.broadcast %jit3A_124 : f32 to vector<256x2048xf32>
    %select_n3A_126 = arith.select %or3A_123, %sub3A, %broadcast_in_dim3A_125 : vector<256x2048xi1>, vector<256x2048xf32>
    %reduce_min3A_127 = arith.constant dense<0x7F800000> : vector<256xf32>
    %reduce_min3A_128 = vector.multi_reduction <minimumf>, %select_n3A_126, %reduce_min3A_127 [1] : vector<256x2048xf32> to vector<256xf32>
    %broadcast_in_dim3A_129 = vector.shape_cast %reduce_min3A_128 : vector<256xf32> to vector<256x1xf32>
    %le3A_130 = vector.broadcast %broadcast_in_dim3A_129 : vector<256x1xf32> to vector<256x2048xf32>
    %le3A_131 = arith.cmpf ole, %select_n3A_126, %le3A_130 : vector<256x2048xf32>
    %jit3A_132 = arith.constant 2048 : i32
    %broadcast_in_dim3A_133 = vector.broadcast %jit3A_132 : i32 to vector<256x2048xi32>
    %select_n3A_134 = arith.select %le3A_131, %iota3A, %broadcast_in_dim3A_133 : vector<256x2048xi1>, vector<256x2048xi32>
    %reduce_min3A_135 = arith.constant dense<2147483647> : vector<256xi32>
    %reduce_min3A_136 = vector.multi_reduction <minsi>, %select_n3A_134, %reduce_min3A_135 [1] : vector<256x2048xi32> to vector<256xi32>
    %broadcast_in_dim3A_137 = vector.shape_cast %reduce_min3A_136 : vector<256xi32> to vector<256x1xi32>
    %gt3A_138 = vector.broadcast %broadcast_in_dim3A_129 : vector<256x1xf32> to vector<256x2048xf32>
    %gt3A_139 = arith.cmpf ogt, %sub3A, %gt3A_138 : vector<256x2048xf32>
    %eq3A_140 = vector.broadcast %broadcast_in_dim3A_129 : vector<256x1xf32> to vector<256x2048xf32>
    %eq3A_141 = arith.cmpf oeq, %sub3A, %eq3A_140 : vector<256x2048xf32>
    %gt3A_142 = vector.broadcast %broadcast_in_dim3A_137 : vector<256x1xi32> to vector<256x2048xi32>
    %gt3A_143 = arith.cmpi sgt, %iota3A, %gt3A_142 : vector<256x2048xi32>
    %and3A_144 = arith.andi %eq3A_141, %gt3A_143 : vector<256x2048xi1>
    %or3A_145 = arith.ori %gt3A_139, %and3A_144 : vector<256x2048xi1>
    %jit3A_146 = arith.constant 0x7F800000 : f32
    %broadcast_in_dim3A_147 = vector.broadcast %jit3A_146 : f32 to vector<256x2048xf32>
    %select_n3A_148 = arith.select %or3A_145, %sub3A, %broadcast_in_dim3A_147 : vector<256x2048xi1>, vector<256x2048xf32>
    %reduce_min3A_149 = arith.constant dense<0x7F800000> : vector<256xf32>
    %reduce_min3A_150 = vector.multi_reduction <minimumf>, %select_n3A_148, %reduce_min3A_149 [1] : vector<256x2048xf32> to vector<256xf32>
    %broadcast_in_dim3A_151 = vector.shape_cast %reduce_min3A_150 : vector<256xf32> to vector<256x1xf32>
    %le3A_152 = vector.broadcast %broadcast_in_dim3A_151 : vector<256x1xf32> to vector<256x2048xf32>
    %le3A_153 = arith.cmpf ole, %select_n3A_148, %le3A_152 : vector<256x2048xf32>
    %jit3A_154 = arith.constant 2048 : i32
    %broadcast_in_dim3A_155 = vector.broadcast %jit3A_154 : i32 to vector<256x2048xi32>
    %select_n3A_156 = arith.select %le3A_153, %iota3A, %broadcast_in_dim3A_155 : vector<256x2048xi1>, vector<256x2048xi32>
    %reduce_min3A_157 = arith.constant dense<2147483647> : vector<256xi32>
    %reduce_min3A_158 = vector.multi_reduction <minsi>, %select_n3A_156, %reduce_min3A_157 [1] : vector<256x2048xi32> to vector<256xi32>
    %broadcast_in_dim3A_159 = vector.shape_cast %reduce_min3A_158 : vector<256xi32> to vector<256x1xi32>
    %gt3A_160 = vector.broadcast %broadcast_in_dim3A_151 : vector<256x1xf32> to vector<256x2048xf32>
    %gt3A_161 = arith.cmpf ogt, %sub3A, %gt3A_160 : vector<256x2048xf32>
    %eq3A_162 = vector.broadcast %broadcast_in_dim3A_151 : vector<256x1xf32> to vector<256x2048xf32>
    %eq3A_163 = arith.cmpf oeq, %sub3A, %eq3A_162 : vector<256x2048xf32>
    %gt3A_164 = vector.broadcast %broadcast_in_dim3A_159 : vector<256x1xi32> to vector<256x2048xi32>
    %gt3A_165 = arith.cmpi sgt, %iota3A, %gt3A_164 : vector<256x2048xi32>
    %and3A_166 = arith.andi %eq3A_163, %gt3A_165 : vector<256x2048xi1>
    %or3A_167 = arith.ori %gt3A_161, %and3A_166 : vector<256x2048xi1>
    %jit3A_168 = arith.constant 0x7F800000 : f32
    %broadcast_in_dim3A_169 = vector.broadcast %jit3A_168 : f32 to vector<256x2048xf32>
    %select_n3A_170 = arith.select %or3A_167, %sub3A, %broadcast_in_dim3A_169 : vector<256x2048xi1>, vector<256x2048xf32>
    %reduce_min3A_171 = arith.constant dense<0x7F800000> : vector<256xf32>
    %reduce_min3A_172 = vector.multi_reduction <minimumf>, %select_n3A_170, %reduce_min3A_171 [1] : vector<256x2048xf32> to vector<256xf32>
    %broadcast_in_dim3A_173 = vector.shape_cast %reduce_min3A_172 : vector<256xf32> to vector<256x1xf32>
    %le3A_174 = vector.broadcast %broadcast_in_dim3A_173 : vector<256x1xf32> to vector<256x2048xf32>
    %le3A_175 = arith.cmpf ole, %select_n3A_170, %le3A_174 : vector<256x2048xf32>
    %jit3A_176 = arith.constant 2048 : i32
    %broadcast_in_dim3A_177 = vector.broadcast %jit3A_176 : i32 to vector<256x2048xi32>
    %select_n3A_178 = arith.select %le3A_175, %iota3A, %broadcast_in_dim3A_177 : vector<256x2048xi1>, vector<256x2048xi32>
    %reduce_min3A_179 = arith.constant dense<2147483647> : vector<256xi32>
    %reduce_min3A_180 = vector.multi_reduction <minsi>, %select_n3A_178, %reduce_min3A_179 [1] : vector<256x2048xi32> to vector<256xi32>
    %broadcast_in_dim3A_181 = vector.shape_cast %reduce_min3A_180 : vector<256xi32> to vector<256x1xi32>
    %gt3A_182 = vector.broadcast %broadcast_in_dim3A_173 : vector<256x1xf32> to vector<256x2048xf32>
    %gt3A_183 = arith.cmpf ogt, %sub3A, %gt3A_182 : vector<256x2048xf32>
    %eq3A_184 = vector.broadcast %broadcast_in_dim3A_173 : vector<256x1xf32> to vector<256x2048xf32>
    %eq3A_185 = arith.cmpf oeq, %sub3A, %eq3A_184 : vector<256x2048xf32>
    %gt3A_186 = vector.broadcast %broadcast_in_dim3A_181 : vector<256x1xi32> to vector<256x2048xi32>
    %gt3A_187 = arith.cmpi sgt, %iota3A, %gt3A_186 : vector<256x2048xi32>
    %and3A_188 = arith.andi %eq3A_185, %gt3A_187 : vector<256x2048xi1>
    %or3A_189 = arith.ori %gt3A_183, %and3A_188 : vector<256x2048xi1>
    %jit3A_190 = arith.constant 0x7F800000 : f32
    %broadcast_in_dim3A_191 = vector.broadcast %jit3A_190 : f32 to vector<256x2048xf32>
    %select_n3A_192 = arith.select %or3A_189, %sub3A, %broadcast_in_dim3A_191 : vector<256x2048xi1>, vector<256x2048xf32>
    %reduce_min3A_193 = arith.constant dense<0x7F800000> : vector<256xf32>
    %reduce_min3A_194 = vector.multi_reduction <minimumf>, %select_n3A_192, %reduce_min3A_193 [1] : vector<256x2048xf32> to vector<256xf32>
    %broadcast_in_dim3A_195 = vector.shape_cast %reduce_min3A_194 : vector<256xf32> to vector<256x1xf32>
    %le3A_196 = vector.broadcast %broadcast_in_dim3A_195 : vector<256x1xf32> to vector<256x2048xf32>
    %le3A_197 = arith.cmpf ole, %select_n3A_192, %le3A_196 : vector<256x2048xf32>
    %jit3A_198 = arith.constant 2048 : i32
    %broadcast_in_dim3A_199 = vector.broadcast %jit3A_198 : i32 to vector<256x2048xi32>
    %select_n3A_200 = arith.select %le3A_197, %iota3A, %broadcast_in_dim3A_199 : vector<256x2048xi1>, vector<256x2048xi32>
    %reduce_min3A_201 = arith.constant dense<2147483647> : vector<256xi32>
    %reduce_min3A_202 = vector.multi_reduction <minsi>, %select_n3A_200, %reduce_min3A_201 [1] : vector<256x2048xi32> to vector<256xi32>
    %broadcast_in_dim3A_203 = vector.shape_cast %reduce_min3A_202 : vector<256xi32> to vector<256x1xi32>
    %gt3A_204 = vector.broadcast %broadcast_in_dim3A_195 : vector<256x1xf32> to vector<256x2048xf32>
    %gt3A_205 = arith.cmpf ogt, %sub3A, %gt3A_204 : vector<256x2048xf32>
    %eq3A_206 = vector.broadcast %broadcast_in_dim3A_195 : vector<256x1xf32> to vector<256x2048xf32>
    %eq3A_207 = arith.cmpf oeq, %sub3A, %eq3A_206 : vector<256x2048xf32>
    %gt3A_208 = vector.broadcast %broadcast_in_dim3A_203 : vector<256x1xi32> to vector<256x2048xi32>
    %gt3A_209 = arith.cmpi sgt, %iota3A, %gt3A_208 : vector<256x2048xi32>
    %and3A_210 = arith.andi %eq3A_207, %gt3A_209 : vector<256x2048xi1>
    %or3A_211 = arith.ori %gt3A_205, %and3A_210 : vector<256x2048xi1>
    %jit3A_212 = arith.constant 0x7F800000 : f32
    %broadcast_in_dim3A_213 = vector.broadcast %jit3A_212 : f32 to vector<256x2048xf32>
    %select_n3A_214 = arith.select %or3A_211, %sub3A, %broadcast_in_dim3A_213 : vector<256x2048xi1>, vector<256x2048xf32>
    %reduce_min3A_215 = arith.constant dense<0x7F800000> : vector<256xf32>
    %reduce_min3A_216 = vector.multi_reduction <minimumf>, %select_n3A_214, %reduce_min3A_215 [1] : vector<256x2048xf32> to vector<256xf32>
    %broadcast_in_dim3A_217 = vector.shape_cast %reduce_min3A_216 : vector<256xf32> to vector<256x1xf32>
    %le3A_218 = vector.broadcast %broadcast_in_dim3A_217 : vector<256x1xf32> to vector<256x2048xf32>
    %le3A_219 = arith.cmpf ole, %select_n3A_214, %le3A_218 : vector<256x2048xf32>
    %jit3A_220 = arith.constant 2048 : i32
    %broadcast_in_dim3A_221 = vector.broadcast %jit3A_220 : i32 to vector<256x2048xi32>
    %select_n3A_222 = arith.select %le3A_219, %iota3A, %broadcast_in_dim3A_221 : vector<256x2048xi1>, vector<256x2048xi32>
    %reduce_min3A_223 = arith.constant dense<2147483647> : vector<256xi32>
    %reduce_min3A_224 = vector.multi_reduction <minsi>, %select_n3A_222, %reduce_min3A_223 [1] : vector<256x2048xi32> to vector<256xi32>
    %broadcast_in_dim3A_225 = vector.shape_cast %reduce_min3A_224 : vector<256xi32> to vector<256x1xi32>
    %gt3A_226 = vector.broadcast %broadcast_in_dim3A_217 : vector<256x1xf32> to vector<256x2048xf32>
    %gt3A_227 = arith.cmpf ogt, %sub3A, %gt3A_226 : vector<256x2048xf32>
    %eq3A_228 = vector.broadcast %broadcast_in_dim3A_217 : vector<256x1xf32> to vector<256x2048xf32>
    %eq3A_229 = arith.cmpf oeq, %sub3A, %eq3A_228 : vector<256x2048xf32>
    %gt3A_230 = vector.broadcast %broadcast_in_dim3A_225 : vector<256x1xi32> to vector<256x2048xi32>
    %gt3A_231 = arith.cmpi sgt, %iota3A, %gt3A_230 : vector<256x2048xi32>
    %and3A_232 = arith.andi %eq3A_229, %gt3A_231 : vector<256x2048xi1>
    %or3A_233 = arith.ori %gt3A_227, %and3A_232 : vector<256x2048xi1>
    %jit3A_234 = arith.constant 0x7F800000 : f32
    %broadcast_in_dim3A_235 = vector.broadcast %jit3A_234 : f32 to vector<256x2048xf32>
    %select_n3A_236 = arith.select %or3A_233, %sub3A, %broadcast_in_dim3A_235 : vector<256x2048xi1>, vector<256x2048xf32>
    %reduce_min3A_237 = arith.constant dense<0x7F800000> : vector<256xf32>
    %reduce_min3A_238 = vector.multi_reduction <minimumf>, %select_n3A_236, %reduce_min3A_237 [1] : vector<256x2048xf32> to vector<256xf32>
    %broadcast_in_dim3A_239 = vector.shape_cast %reduce_min3A_238 : vector<256xf32> to vector<256x1xf32>
    %le3A_240 = vector.broadcast %broadcast_in_dim3A_239 : vector<256x1xf32> to vector<256x2048xf32>
    %le3A_241 = arith.cmpf ole, %select_n3A_236, %le3A_240 : vector<256x2048xf32>
    %jit3A_242 = arith.constant 2048 : i32
    %broadcast_in_dim3A_243 = vector.broadcast %jit3A_242 : i32 to vector<256x2048xi32>
    %select_n3A_244 = arith.select %le3A_241, %iota3A, %broadcast_in_dim3A_243 : vector<256x2048xi1>, vector<256x2048xi32>
    %reduce_min3A_245 = arith.constant dense<2147483647> : vector<256xi32>
    %reduce_min3A_246 = vector.multi_reduction <minsi>, %select_n3A_244, %reduce_min3A_245 [1] : vector<256x2048xi32> to vector<256xi32>
    %broadcast_in_dim3A_247 = vector.shape_cast %reduce_min3A_246 : vector<256xi32> to vector<256x1xi32>
    %gt3A_248 = vector.broadcast %broadcast_in_dim3A_239 : vector<256x1xf32> to vector<256x2048xf32>
    %gt3A_249 = arith.cmpf ogt, %sub3A, %gt3A_248 : vector<256x2048xf32>
    %eq3A_250 = vector.broadcast %broadcast_in_dim3A_239 : vector<256x1xf32> to vector<256x2048xf32>
    %eq3A_251 = arith.cmpf oeq, %sub3A, %eq3A_250 : vector<256x2048xf32>
    %gt3A_252 = vector.broadcast %broadcast_in_dim3A_247 : vector<256x1xi32> to vector<256x2048xi32>
    %gt3A_253 = arith.cmpi sgt, %iota3A, %gt3A_252 : vector<256x2048xi32>
    %and3A_254 = arith.andi %eq3A_251, %gt3A_253 : vector<256x2048xi1>
    %or3A_255 = arith.ori %gt3A_249, %and3A_254 : vector<256x2048xi1>
    %jit3A_256 = arith.constant 0x7F800000 : f32
    %broadcast_in_dim3A_257 = vector.broadcast %jit3A_256 : f32 to vector<256x2048xf32>
    %select_n3A_258 = arith.select %or3A_255, %sub3A, %broadcast_in_dim3A_257 : vector<256x2048xi1>, vector<256x2048xf32>
    %reduce_min3A_259 = arith.constant dense<0x7F800000> : vector<256xf32>
    %reduce_min3A_260 = vector.multi_reduction <minimumf>, %select_n3A_258, %reduce_min3A_259 [1] : vector<256x2048xf32> to vector<256xf32>
    %broadcast_in_dim3A_261 = vector.shape_cast %reduce_min3A_260 : vector<256xf32> to vector<256x1xf32>
    %le3A_262 = vector.broadcast %broadcast_in_dim3A_261 : vector<256x1xf32> to vector<256x2048xf32>
    %le3A_263 = arith.cmpf ole, %select_n3A_258, %le3A_262 : vector<256x2048xf32>
    %jit3A_264 = arith.constant 2048 : i32
    %broadcast_in_dim3A_265 = vector.broadcast %jit3A_264 : i32 to vector<256x2048xi32>
    %select_n3A_266 = arith.select %le3A_263, %iota3A, %broadcast_in_dim3A_265 : vector<256x2048xi1>, vector<256x2048xi32>
    %reduce_min3A_267 = arith.constant dense<2147483647> : vector<256xi32>
    %reduce_min3A_268 = vector.multi_reduction <minsi>, %select_n3A_266, %reduce_min3A_267 [1] : vector<256x2048xi32> to vector<256xi32>
    %broadcast_in_dim3A_269 = vector.shape_cast %reduce_min3A_268 : vector<256xi32> to vector<256x1xi32>
    %gt3A_270 = vector.broadcast %broadcast_in_dim3A_261 : vector<256x1xf32> to vector<256x2048xf32>
    %gt3A_271 = arith.cmpf ogt, %sub3A, %gt3A_270 : vector<256x2048xf32>
    %eq3A_272 = vector.broadcast %broadcast_in_dim3A_261 : vector<256x1xf32> to vector<256x2048xf32>
    %eq3A_273 = arith.cmpf oeq, %sub3A, %eq3A_272 : vector<256x2048xf32>
    %gt3A_274 = vector.broadcast %broadcast_in_dim3A_269 : vector<256x1xi32> to vector<256x2048xi32>
    %gt3A_275 = arith.cmpi sgt, %iota3A, %gt3A_274 : vector<256x2048xi32>
    %and3A_276 = arith.andi %eq3A_273, %gt3A_275 : vector<256x2048xi1>
    %or3A_277 = arith.ori %gt3A_271, %and3A_276 : vector<256x2048xi1>
    %jit3A_278 = arith.constant 0x7F800000 : f32
    %broadcast_in_dim3A_279 = vector.broadcast %jit3A_278 : f32 to vector<256x2048xf32>
    %select_n3A_280 = arith.select %or3A_277, %sub3A, %broadcast_in_dim3A_279 : vector<256x2048xi1>, vector<256x2048xf32>
    %reduce_min3A_281 = arith.constant dense<0x7F800000> : vector<256xf32>
    %reduce_min3A_282 = vector.multi_reduction <minimumf>, %select_n3A_280, %reduce_min3A_281 [1] : vector<256x2048xf32> to vector<256xf32>
    %broadcast_in_dim3A_283 = vector.shape_cast %reduce_min3A_282 : vector<256xf32> to vector<256x1xf32>
    %le3A_284 = vector.broadcast %broadcast_in_dim3A_283 : vector<256x1xf32> to vector<256x2048xf32>
    %le3A_285 = arith.cmpf ole, %select_n3A_280, %le3A_284 : vector<256x2048xf32>
    %jit3A_286 = arith.constant 2048 : i32
    %broadcast_in_dim3A_287 = vector.broadcast %jit3A_286 : i32 to vector<256x2048xi32>
    %select_n3A_288 = arith.select %le3A_285, %iota3A, %broadcast_in_dim3A_287 : vector<256x2048xi1>, vector<256x2048xi32>
    %reduce_min3A_289 = arith.constant dense<2147483647> : vector<256xi32>
    %reduce_min3A_290 = vector.multi_reduction <minsi>, %select_n3A_288, %reduce_min3A_289 [1] : vector<256x2048xi32> to vector<256xi32>
    %broadcast_in_dim3A_291 = vector.shape_cast %reduce_min3A_290 : vector<256xi32> to vector<256x1xi32>
    %gt3A_292 = vector.broadcast %broadcast_in_dim3A_283 : vector<256x1xf32> to vector<256x2048xf32>
    %gt3A_293 = arith.cmpf ogt, %sub3A, %gt3A_292 : vector<256x2048xf32>
    %eq3A_294 = vector.broadcast %broadcast_in_dim3A_283 : vector<256x1xf32> to vector<256x2048xf32>
    %eq3A_295 = arith.cmpf oeq, %sub3A, %eq3A_294 : vector<256x2048xf32>
    %gt3A_296 = vector.broadcast %broadcast_in_dim3A_291 : vector<256x1xi32> to vector<256x2048xi32>
    %gt3A_297 = arith.cmpi sgt, %iota3A, %gt3A_296 : vector<256x2048xi32>
    %and3A_298 = arith.andi %eq3A_295, %gt3A_297 : vector<256x2048xi1>
    %or3A_299 = arith.ori %gt3A_293, %and3A_298 : vector<256x2048xi1>
    %jit3A_300 = arith.constant 0x7F800000 : f32
    %broadcast_in_dim3A_301 = vector.broadcast %jit3A_300 : f32 to vector<256x2048xf32>
    %select_n3A_302 = arith.select %or3A_299, %sub3A, %broadcast_in_dim3A_301 : vector<256x2048xi1>, vector<256x2048xf32>
    %reduce_min3A_303 = arith.constant dense<0x7F800000> : vector<256xf32>
    %reduce_min3A_304 = vector.multi_reduction <minimumf>, %select_n3A_302, %reduce_min3A_303 [1] : vector<256x2048xf32> to vector<256xf32>
    %broadcast_in_dim3A_305 = vector.shape_cast %reduce_min3A_304 : vector<256xf32> to vector<256x1xf32>
    %le3A_306 = vector.broadcast %broadcast_in_dim3A_305 : vector<256x1xf32> to vector<256x2048xf32>
    %le3A_307 = arith.cmpf ole, %select_n3A_302, %le3A_306 : vector<256x2048xf32>
    %jit3A_308 = arith.constant 2048 : i32
    %broadcast_in_dim3A_309 = vector.broadcast %jit3A_308 : i32 to vector<256x2048xi32>
    %select_n3A_310 = arith.select %le3A_307, %iota3A, %broadcast_in_dim3A_309 : vector<256x2048xi1>, vector<256x2048xi32>
    %reduce_min3A_311 = arith.constant dense<2147483647> : vector<256xi32>
    %reduce_min3A_312 = vector.multi_reduction <minsi>, %select_n3A_310, %reduce_min3A_311 [1] : vector<256x2048xi32> to vector<256xi32>
    %broadcast_in_dim3A_313 = vector.shape_cast %reduce_min3A_312 : vector<256xi32> to vector<256x1xi32>
    %gt3A_314 = vector.broadcast %broadcast_in_dim3A_305 : vector<256x1xf32> to vector<256x2048xf32>
    %gt3A_315 = arith.cmpf ogt, %sub3A, %gt3A_314 : vector<256x2048xf32>
    %eq3A_316 = vector.broadcast %broadcast_in_dim3A_305 : vector<256x1xf32> to vector<256x2048xf32>
    %eq3A_317 = arith.cmpf oeq, %sub3A, %eq3A_316 : vector<256x2048xf32>
    %gt3A_318 = vector.broadcast %broadcast_in_dim3A_313 : vector<256x1xi32> to vector<256x2048xi32>
    %gt3A_319 = arith.cmpi sgt, %iota3A, %gt3A_318 : vector<256x2048xi32>
    %and3A_320 = arith.andi %eq3A_317, %gt3A_319 : vector<256x2048xi1>
    %or3A_321 = arith.ori %gt3A_315, %and3A_320 : vector<256x2048xi1>
    %jit3A_322 = arith.constant 0x7F800000 : f32
    %broadcast_in_dim3A_323 = vector.broadcast %jit3A_322 : f32 to vector<256x2048xf32>
    %select_n3A_324 = arith.select %or3A_321, %sub3A, %broadcast_in_dim3A_323 : vector<256x2048xi1>, vector<256x2048xf32>
    %reduce_min3A_325 = arith.constant dense<0x7F800000> : vector<256xf32>
    %reduce_min3A_326 = vector.multi_reduction <minimumf>, %select_n3A_324, %reduce_min3A_325 [1] : vector<256x2048xf32> to vector<256xf32>
    %broadcast_in_dim3A_327 = vector.shape_cast %reduce_min3A_326 : vector<256xf32> to vector<256x1xf32>
    %le3A_328 = vector.broadcast %broadcast_in_dim3A_327 : vector<256x1xf32> to vector<256x2048xf32>
    %le3A_329 = arith.cmpf ole, %select_n3A_324, %le3A_328 : vector<256x2048xf32>
    %jit3A_330 = arith.constant 2048 : i32
    %broadcast_in_dim3A_331 = vector.broadcast %jit3A_330 : i32 to vector<256x2048xi32>
    %select_n3A_332 = arith.select %le3A_329, %iota3A, %broadcast_in_dim3A_331 : vector<256x2048xi1>, vector<256x2048xi32>
    %reduce_min3A_333 = arith.constant dense<2147483647> : vector<256xi32>
    %reduce_min3A_334 = vector.multi_reduction <minsi>, %select_n3A_332, %reduce_min3A_333 [1] : vector<256x2048xi32> to vector<256xi32>
    %broadcast_in_dim3A_335 = vector.shape_cast %reduce_min3A_334 : vector<256xi32> to vector<256x1xi32>
    %gt3A_336 = vector.broadcast %broadcast_in_dim3A_327 : vector<256x1xf32> to vector<256x2048xf32>
    %gt3A_337 = arith.cmpf ogt, %sub3A, %gt3A_336 : vector<256x2048xf32>
    %eq3A_338 = vector.broadcast %broadcast_in_dim3A_327 : vector<256x1xf32> to vector<256x2048xf32>
    %eq3A_339 = arith.cmpf oeq, %sub3A, %eq3A_338 : vector<256x2048xf32>
    %gt3A_340 = vector.broadcast %broadcast_in_dim3A_335 : vector<256x1xi32> to vector<256x2048xi32>
    %gt3A_341 = arith.cmpi sgt, %iota3A, %gt3A_340 : vector<256x2048xi32>
    %and3A_342 = arith.andi %eq3A_339, %gt3A_341 : vector<256x2048xi1>
    %or3A_343 = arith.ori %gt3A_337, %and3A_342 : vector<256x2048xi1>
    %jit3A_344 = arith.constant 0x7F800000 : f32
    %broadcast_in_dim3A_345 = vector.broadcast %jit3A_344 : f32 to vector<256x2048xf32>
    %select_n3A_346 = arith.select %or3A_343, %sub3A, %broadcast_in_dim3A_345 : vector<256x2048xi1>, vector<256x2048xf32>
    %reduce_min3A_347 = arith.constant dense<0x7F800000> : vector<256xf32>
    %reduce_min3A_348 = vector.multi_reduction <minimumf>, %select_n3A_346, %reduce_min3A_347 [1] : vector<256x2048xf32> to vector<256xf32>
    %broadcast_in_dim3A_349 = vector.shape_cast %reduce_min3A_348 : vector<256xf32> to vector<256x1xf32>
    %le3A_350 = vector.broadcast %broadcast_in_dim3A_349 : vector<256x1xf32> to vector<256x2048xf32>
    %le3A_351 = arith.cmpf ole, %select_n3A_346, %le3A_350 : vector<256x2048xf32>
    %jit3A_352 = arith.constant 2048 : i32
    %broadcast_in_dim3A_353 = vector.broadcast %jit3A_352 : i32 to vector<256x2048xi32>
    %select_n3A_354 = arith.select %le3A_351, %iota3A, %broadcast_in_dim3A_353 : vector<256x2048xi1>, vector<256x2048xi32>
    %reduce_min3A_355 = arith.constant dense<2147483647> : vector<256xi32>
    %reduce_min3A_356 = vector.multi_reduction <minsi>, %select_n3A_354, %reduce_min3A_355 [1] : vector<256x2048xi32> to vector<256xi32>
    %broadcast_in_dim3A_357 = vector.shape_cast %reduce_min3A_356 : vector<256xi32> to vector<256x1xi32>
    %gt3A_358 = vector.broadcast %broadcast_in_dim3A_349 : vector<256x1xf32> to vector<256x2048xf32>
    %gt3A_359 = arith.cmpf ogt, %sub3A, %gt3A_358 : vector<256x2048xf32>
    %eq3A_360 = vector.broadcast %broadcast_in_dim3A_349 : vector<256x1xf32> to vector<256x2048xf32>
    %eq3A_361 = arith.cmpf oeq, %sub3A, %eq3A_360 : vector<256x2048xf32>
    %gt3A_362 = vector.broadcast %broadcast_in_dim3A_357 : vector<256x1xi32> to vector<256x2048xi32>
    %gt3A_363 = arith.cmpi sgt, %iota3A, %gt3A_362 : vector<256x2048xi32>
    %and3A_364 = arith.andi %eq3A_361, %gt3A_363 : vector<256x2048xi1>
    %or3A_365 = arith.ori %gt3A_359, %and3A_364 : vector<256x2048xi1>
    %jit3A_366 = arith.constant 0x7F800000 : f32
    %broadcast_in_dim3A_367 = vector.broadcast %jit3A_366 : f32 to vector<256x2048xf32>
    %select_n3A_368 = arith.select %or3A_365, %sub3A, %broadcast_in_dim3A_367 : vector<256x2048xi1>, vector<256x2048xf32>
    %reduce_min3A_369 = arith.constant dense<0x7F800000> : vector<256xf32>
    %reduce_min3A_370 = vector.multi_reduction <minimumf>, %select_n3A_368, %reduce_min3A_369 [1] : vector<256x2048xf32> to vector<256xf32>
    %broadcast_in_dim3A_371 = vector.shape_cast %reduce_min3A_370 : vector<256xf32> to vector<256x1xf32>
    %le3A_372 = vector.broadcast %broadcast_in_dim3A_371 : vector<256x1xf32> to vector<256x2048xf32>
    %le3A_373 = arith.cmpf ole, %select_n3A_368, %le3A_372 : vector<256x2048xf32>
    %jit3A_374 = arith.constant 2048 : i32
    %broadcast_in_dim3A_375 = vector.broadcast %jit3A_374 : i32 to vector<256x2048xi32>
    %select_n3A_376 = arith.select %le3A_373, %iota3A, %broadcast_in_dim3A_375 : vector<256x2048xi1>, vector<256x2048xi32>
    %reduce_min3A_377 = arith.constant dense<2147483647> : vector<256xi32>
    %reduce_min3A_378 = vector.multi_reduction <minsi>, %select_n3A_376, %reduce_min3A_377 [1] : vector<256x2048xi32> to vector<256xi32>
    %broadcast_in_dim3A_379 = vector.shape_cast %reduce_min3A_378 : vector<256xi32> to vector<256x1xi32>
    %concatenate3A = tpu.concatenate %broadcast_in_dim3A_49, %broadcast_in_dim3A_71, %broadcast_in_dim3A_93, %broadcast_in_dim3A_115, %broadcast_in_dim3A_137, %broadcast_in_dim3A_159, %broadcast_in_dim3A_181, %broadcast_in_dim3A_203, %broadcast_in_dim3A_225, %broadcast_in_dim3A_247, %broadcast_in_dim3A_269, %broadcast_in_dim3A_291, %broadcast_in_dim3A_313, %broadcast_in_dim3A_335, %broadcast_in_dim3A_357, %broadcast_in_dim3A_379 in 1 : vector<256x1xi32>, vector<256x1xi32>, vector<256x1xi32>, vector<256x1xi32>, vector<256x1xi32>, vector<256x1xi32>, vector<256x1xi32>, vector<256x1xi32>, vector<256x1xi32>, vector<256x1xi32>, vector<256x1xi32>, vector<256x1xi32>, vector<256x1xi32>, vector<256x1xi32>, vector<256x1xi32>, vector<256x1xi32> -> vector<256x16xi32>
    %mul3A_380 = arith.constant 2048 : i32
    %mul3A_381 = arith.muli %arg0, %mul3A_380 : i32
    %add3A_382 = vector.broadcast %mul3A_381 : i32 to vector<256x16xi32>
    %add3A_383 = arith.addi %concatenate3A, %add3A_382 : vector<256x16xi32>
    %swap3A_384 = arith.constant 0 : index
    %swap3A_385 = arith.constant 0 : index
    %swap3A_386 = vector.load %arg10[%swap3A_384, %swap3A_385] : memref<256x16xi32, #tpu.memory_space<vmem>>, vector<256x16xi32>
    tpu.vector_store %arg10[%swap3A_384, %swap3A_385], %add3A_383 {strides = array<i32>} : memref<256x16xi32, #tpu.memory_space<vmem>>, vector<256x16xi32>,
    return
  }
  func.func @transform_0(%arg0: i32, %arg1: i32) -> (i32, i32) {
    %c0_i32 = arith.constant 0 : i32
    %c0_i32_0 = arith.constant 0 : i32
    return %c0_i32, %arg0 : i32, i32
  }
  func.func @transform_1(%arg0: i32, %arg1: i32) -> (i32, i32) {
    %mul3A = arith.constant 8 : i32
    %mul3A_0 = arith.muli %arg0, %mul3A : i32
    %add3A = arith.addi %mul3A_0, %arg1 : i32
    %c0_i32 = arith.constant 0 : i32
    %c0_i32_1 = arith.constant 0 : i32
    return %add3A, %c0_i32 : i32, i32
  }
  func.func @transform_2(%arg0: i32, %arg1: i32) -> (i32, i32) {
    %mul3A = arith.constant 8 : i32
    %mul3A_0 = arith.muli %arg0, %mul3A : i32
    %add3A = arith.addi %mul3A_0, %arg1 : i32
    %c0_i32 = arith.constant 0 : i32
    %c0_i32_1 = arith.constant 0 : i32
    return %add3A, %c0_i32 : i32, i32
  }
  func.func @transform_3(%arg0: i32, %arg1: i32) -> (i32, i32, i32) {
    %c0_i32 = arith.constant 0 : i32
    %c0_i32_0 = arith.constant 0 : i32
    %c0_i32_1 = arith.constant 0 : i32
    return %arg0, %c0_i32, %c0_i32_0 : i32, i32, i32
  }
  func.func @transform_4(%arg0: i32, %arg1: i32) -> (i32, i32) {
    %c0_i32 = arith.constant 0 : i32
    %c0_i32_0 = arith.constant 0 : i32
    %c0_i32_1 = arith.constant 0 : i32
    return %c0_i32, %c0_i32_0 : i32, i32
  }
  func.func @transform_5(%arg0: i32, %arg1: i32) -> (i32, i32) {
    %c0_i32 = arith.constant 0 : i32
    %c0_i32_0 = arith.constant 0 : i32
    %c0_i32_1 = arith.constant 0 : i32
    return %c0_i32, %c0_i32_0 : i32, i32
  }
  func.func @transform_6(%arg0: i32, %arg1: i32) -> (i32, i32) {
    %mul3A = arith.constant 8 : i32
    %mul3A_0 = arith.muli %arg0, %mul3A : i32
    %add3A = arith.addi %mul3A_0, %arg1 : i32
    %c0_i32 = arith.constant 0 : i32
    %c0_i32_1 = arith.constant 0 : i32
    return %add3A, %c0_i32 : i32, i32
  }
  func.func @transform_7(%arg0: i32, %arg1: i32) -> (i32, i32) {
    %mul3A = arith.constant 8 : i32
    %mul3A_0 = arith.muli %arg0, %mul3A : i32
    %add3A = arith.addi %mul3A_0, %arg1 : i32
    %c0_i32 = arith.constant 0 : i32
    %c0_i32_1 = arith.constant 0 : i32
    return %add3A, %c0_i32 : i32, i32
  }
  func.func @transform_8(%arg0: i32, %arg1: i32) -> (i32, i32) {
    %mul3A = arith.constant 8 : i32
    %mul3A_0 = arith.muli %arg0, %mul3A : i32
    %add3A = arith.addi %mul3A_0, %arg1 : i32
    %c0_i32 = arith.constant 0 : i32
    %c0_i32_1 = arith.constant 0 : i32
    return %add3A, %c0_i32 : i32, i32
  }
}

module attributes {stable_mosaic.version = 14 : i64} {
  func.func @_attn_body(%arg0: i32, %arg1: memref<128x512xf32, #tpu.memory_space<vmem>>, %arg2: memref<128x16x512xf32, #tpu.memory_space<vmem>>, %arg3: memref<512x1xf32, #tpu.memory_space<vmem>>, %arg4: memref<128x512xf32, #tpu.memory_space<vmem>>) attributes {dimension_semantics = [#tpu.dimension_semantics<arbitrary>], iteration_bounds = array<i64: 32>, scalar_prefetch = 0 : i64, scratch_operands = 0 : i64, tpu.core_type = #tpu.core_type<tc>, window_params = [{transform_indices = @transform_0, window_bounds = array<i64: 128, 512>}, {transform_indices = @transform_1, window_bounds = array<i64: 128, 16, 512>}, {pipeline_mode = #tpu.pipeline_mode<synchronous>, transform_indices = @transform_2, window_bounds = array<i64: 512, 1>}, {transform_indices = @transform_3, window_bounds = array<i64: 128, 512>}]} {
    %get3A = arith.constant 0 : index
    %get3A_0 = arith.constant 0 : index
    %get3A_1 = vector.load %arg1[%get3A, %get3A_0] : memref<128x512xf32, #tpu.memory_space<vmem>>, vector<128x512xf32>
    %get3A_2 = arith.constant 0 : index
    %get3A_3 = arith.constant 0 : index
    %get3A_4 = arith.constant 0 : index
    %get3A_5 = vector.load %arg2[%get3A_2, %get3A_3, %get3A_4] : memref<128x16x512xf32, #tpu.memory_space<vmem>>, vector<128x16x512xf32>
    %broadcast_in_dim3A = vector.shape_cast %get3A_1 : vector<128x512xf32> to vector<128x1x512xf32>
    %add3A = vector.broadcast %broadcast_in_dim3A : vector<128x1x512xf32> to vector<128x16x512xf32>
    %add3A_6 = arith.addf %add3A, %get3A_5 : vector<128x16x512xf32>
    %ge3A = arith.constant 0.000000e+00 : f32
    %ge3A_7 = vector.broadcast %ge3A : f32 to vector<128x16x512xf32>
    %ge3A_8 = arith.cmpf oge, %add3A_6, %ge3A_7 : vector<128x16x512xf32>
    %mul3A = arith.constant 2.000000e-01 : f32
    %mul3A_9 = vector.broadcast %mul3A : f32 to vector<128x16x512xf32>
    %mul3A_10 = arith.mulf %mul3A_9, %add3A_6 : vector<128x16x512xf32>
    %select_n3A = arith.select %ge3A_8, %add3A_6, %mul3A_10 : vector<128x16x512xi1>, vector<128x16x512xf32>
    %reshape3A = vector.shape_cast %select_n3A : vector<128x16x512xf32> to vector<2048x512xf32>
    %convert_element_type3A = arith.truncf %reshape3A : vector<2048x512xf32> to vector<2048x512xbf16>
    %get3A_11 = arith.constant 0 : index
    %get3A_12 = arith.constant 0 : index
    %get3A_13 = vector.load %arg3[%get3A_11, %get3A_12] : memref<512x1xf32, #tpu.memory_space<vmem>>, vector<512x1xf32>
    %convert_element_type3A_14 = arith.truncf %get3A_13 : vector<512x1xf32> to vector<512x1xbf16>
    %dot_general3A = arith.constant dense<0.000000e+00> : vector<2048x1xf32>
    %dot_general3A_15 = tpu.matmul %convert_element_type3A, %convert_element_type3A_14, %dot_general3A {dimension_numbers = #tpu.dot_dimension_numbers<[1], [0], [0], [1], [0, 0, 1, 1], [], []>, transpose_lhs_hint = false} : vector<2048x512xbf16>, vector<512x1xbf16>, vector<2048x1xf32> -> vector<2048x1xf32>
    %reshape3A_16 = vector.shape_cast %dot_general3A_15 : vector<2048x1xf32> to vector<128x16xf32>
    %reduce_max3A = arith.constant dense<0xFF800000> : vector<128xf32>
    %reduce_max3A_17 = vector.multi_reduction <maximumf>, %reshape3A_16, %reduce_max3A [1] : vector<128x16xf32> to vector<128xf32>
    %broadcast_in_dim3A_18 = vector.shape_cast %reduce_max3A_17 : vector<128xf32> to vector<128x1xf32>
    %sub3A = vector.broadcast %broadcast_in_dim3A_18 : vector<128x1xf32> to vector<128x16xf32>
    %sub3A_19 = arith.subf %reshape3A_16, %sub3A : vector<128x16xf32>
    %exp3A = math.exp %sub3A_19 : vector<128x16xf32>
    %slice3A = vector.extract_strided_slice %exp3A {offsets = [0, 0], sizes = [128, 8], strides = [1, 1]} : vector<128x16xf32> to vector<128x8xf32>
    %slice3A_20 = vector.extract_strided_slice %exp3A {offsets = [0, 8], sizes = [128, 8], strides = [1, 1]} : vector<128x16xf32> to vector<128x8xf32>
    %add3A_21 = arith.addf %slice3A, %slice3A_20 : vector<128x8xf32>
    %slice3A_22 = vector.extract_strided_slice %add3A_21 {offsets = [0, 0], sizes = [128, 4], strides = [1, 1]} : vector<128x8xf32> to vector<128x4xf32>
    %slice3A_23 = vector.extract_strided_slice %add3A_21 {offsets = [0, 4], sizes = [128, 4], strides = [1, 1]} : vector<128x8xf32> to vector<128x4xf32>
    %add3A_24 = arith.addf %slice3A_22, %slice3A_23 : vector<128x4xf32>
    %slice3A_25 = vector.extract_strided_slice %add3A_24 {offsets = [0, 0], sizes = [128, 2], strides = [1, 1]} : vector<128x4xf32> to vector<128x2xf32>
    %slice3A_26 = vector.extract_strided_slice %add3A_24 {offsets = [0, 2], sizes = [128, 2], strides = [1, 1]} : vector<128x4xf32> to vector<128x2xf32>
    %add3A_27 = arith.addf %slice3A_25, %slice3A_26 : vector<128x2xf32>
    %slice3A_28 = vector.extract_strided_slice %add3A_27 {offsets = [0, 0], sizes = [128, 1], strides = [1, 1]} : vector<128x2xf32> to vector<128x1xf32>
    %slice3A_29 = vector.extract_strided_slice %add3A_27 {offsets = [0, 1], sizes = [128, 1], strides = [1, 1]} : vector<128x2xf32> to vector<128x1xf32>
    %add3A_30 = arith.addf %slice3A_28, %slice3A_29 : vector<128x1xf32>
    %div3A = vector.broadcast %add3A_30 : vector<128x1xf32> to vector<128x16xf32>
    %div3A_31 = arith.divf %exp3A, %div3A : vector<128x16xf32>
    %broadcast_in_dim3A_32 = vector.shape_cast %div3A_31 : vector<128x16xf32> to vector<128x16x1xf32>
    %mul3A_33 = vector.broadcast %broadcast_in_dim3A_32 : vector<128x16x1xf32> to vector<128x16x512xf32>
    %mul3A_34 = arith.mulf %mul3A_33, %get3A_5 : vector<128x16x512xf32>
    %reduce_sum3A = arith.constant dense<0.000000e+00> : vector<128x512xf32>
    %reduce_sum3A_35 = vector.multi_reduction <add>, %mul3A_34, %reduce_sum3A [1] : vector<128x16x512xf32> to vector<128x512xf32>
    %swap3A = arith.constant 0 : index
    %swap3A_36 = arith.constant 0 : index
    %swap3A_37 = vector.load %arg4[%swap3A, %swap3A_36] : memref<128x512xf32, #tpu.memory_space<vmem>>, vector<128x512xf32>
    tpu.vector_store %arg4[%swap3A, %swap3A_36], %reduce_sum3A_35 {strides = array<i32>} : memref<128x512xf32, #tpu.memory_space<vmem>>, vector<128x512xf32>,
    return
  }
  func.func @transform_0(%arg0: i32) -> (i32, i32) {
    %c0_i32 = arith.constant 0 : i32
    %c0_i32_0 = arith.constant 0 : i32
    return %arg0, %c0_i32 : i32, i32
  }
  func.func @transform_1(%arg0: i32) -> (i32, i32, i32) {
    %c0_i32 = arith.constant 0 : i32
    %c0_i32_0 = arith.constant 0 : i32
    %c0_i32_1 = arith.constant 0 : i32
    return %arg0, %c0_i32, %c0_i32_0 : i32, i32, i32
  }
  func.func @transform_2(%arg0: i32) -> (i32, i32) {
    %c0_i32 = arith.constant 0 : i32
    %c0_i32_0 = arith.constant 0 : i32
    %c0_i32_1 = arith.constant 0 : i32
    return %c0_i32, %c0_i32_0 : i32, i32
  }
  func.func @transform_3(%arg0: i32) -> (i32, i32) {
    %c0_i32 = arith.constant 0 : i32
    %c0_i32_0 = arith.constant 0 : i32
    return %arg0, %c0_i32 : i32, i32
  }
}

module attributes {stable_mosaic.version = 14 : i64} {
  func.func @_proj_topk_body(%arg0: i32, %arg1: i32, %arg2: memref<768x2048xf32, #tpu.memory_space<vmem>>, %arg3: memref<256x768xf32, #tpu.memory_space<vmem>>, %arg4: memref<256x1xf32, #tpu.memory_space<vmem>>, %arg5: memref<1x1x2048xf32, #tpu.memory_space<vmem>>, %arg6: memref<768x512xf32, #tpu.memory_space<vmem>>, %arg7: memref<768x512xf32, #tpu.memory_space<vmem>>, %arg8: memref<256x512xf32, #tpu.memory_space<vmem>>, %arg9: memref<256x512xf32, #tpu.memory_space<vmem>>, %arg10: memref<256x16xi32, #tpu.memory_space<vmem>>) attributes {dimension_semantics = [#tpu.dimension_semantics<arbitrary>, #tpu.dimension_semantics<arbitrary>], iteration_bounds = array<i64: 2, 8>, scalar_prefetch = 0 : i64, scratch_operands = 0 : i64, tpu.core_type = #tpu.core_type<tc>, window_params = [{transform_indices = @transform_0, window_bounds = array<i64: 768, 2048>}, {transform_indices = @transform_1, window_bounds = array<i64: 256, 768>}, {transform_indices = @transform_2, window_bounds = array<i64: 256, 1>}, {transform_indices = @transform_3, window_bounds = array<i64: 1, 1, 2048>}, {pipeline_mode = #tpu.pipeline_mode<synchronous>, transform_indices = @transform_4, window_bounds = array<i64: 768, 512>}, {pipeline_mode = #tpu.pipeline_mode<synchronous>, transform_indices = @transform_5, window_bounds = array<i64: 768, 512>}, {transform_indices = @transform_6, window_bounds = array<i64: 256, 512>}, {transform_indices = @transform_7, window_bounds = array<i64: 256, 512>}, {transform_indices = @transform_8, window_bounds = array<i64: 256, 16>}]} {
    %get3A = arith.constant 0 : index
    %get3A_0 = arith.constant 0 : index
    %get3A_1 = vector.load %arg3[%get3A, %get3A_0] : memref<256x768xf32, #tpu.memory_space<vmem>>, vector<256x768xf32>
    %get3A_2 = arith.constant 0 : index
    %get3A_3 = arith.constant 0 : index
    %get3A_4 = vector.load %arg6[%get3A_2, %get3A_3] : memref<768x512xf32, #tpu.memory_space<vmem>>, vector<768x512xf32>
    %dot_general3A = arith.constant dense<0.000000e+00> : vector<256x512xf32>
    %dot_general3A_5 = tpu.matmul %get3A_1, %get3A_4, %dot_general3A {dimension_numbers = #tpu.dot_dimension_numbers<[1], [0], [0], [1], [0, 0, 1, 1], [], []>, transpose_lhs_hint = false} : vector<256x768xf32>, vector<768x512xf32>, vector<256x512xf32> -> vector<256x512xf32>
    %swap3A = arith.constant 0 : index
    %swap3A_6 = arith.constant 0 : index
    %swap3A_7 = vector.load %arg8[%swap3A, %swap3A_6] : memref<256x512xf32, #tpu.memory_space<vmem>>, vector<256x512xf32>
    tpu.vector_store %arg8[%swap3A, %swap3A_6], %dot_general3A_5 {strides = array<i32>} : memref<256x512xf32, #tpu.memory_space<vmem>>, vector<256x512xf32>,
    %get3A_8 = arith.constant 0 : index
    %get3A_9 = arith.constant 0 : index
    %get3A_10 = vector.load %arg7[%get3A_8, %get3A_9] : memref<768x512xf32, #tpu.memory_space<vmem>>, vector<768x512xf32>
    %dot_general3A_11 = arith.constant dense<0.000000e+00> : vector<256x512xf32>
    %dot_general3A_12 = tpu.matmul %get3A_1, %get3A_10, %dot_general3A_11 {dimension_numbers = #tpu.dot_dimension_numbers<[1], [0], [0], [1], [0, 0, 1, 1], [], []>, transpose_lhs_hint = false} : vector<256x768xf32>, vector<768x512xf32>, vector<256x512xf32> -> vector<256x512xf32>
    %swap3A_13 = arith.constant 0 : index
    %swap3A_14 = arith.constant 0 : index
    %swap3A_15 = vector.load %arg9[%swap3A_13, %swap3A_14] : memref<256x512xf32, #tpu.memory_space<vmem>>, vector<256x512xf32>
    tpu.vector_store %arg9[%swap3A_13, %swap3A_14], %dot_general3A_12 {strides = array<i32>} : memref<256x512xf32, #tpu.memory_space<vmem>>, vector<256x512xf32>,
    %get3A_16 = arith.constant 0 : index
    %get3A_17 = arith.constant 0 : index
    %get3A_18 = vector.load %arg2[%get3A_16, %get3A_17] : memref<768x2048xf32, #tpu.memory_space<vmem>>, vector<768x2048xf32>
    %dot_general3A_19 = arith.constant dense<0.000000e+00> : vector<256x2048xf32>
    %dot_general3A_20 = tpu.matmul %get3A_1, %get3A_18, %dot_general3A_19 {dimension_numbers = #tpu.dot_dimension_numbers<[1], [0], [0], [1], [0, 0, 1, 1], [], []>, transpose_lhs_hint = false} : vector<256x768xf32>, vector<768x2048xf32>, vector<256x2048xf32> -> vector<256x2048xf32>
    %get3A_21 = arith.constant 0 : index
    %get3A_22 = arith.constant 0 : index
    %get3A_23 = vector.load %arg4[%get3A_21, %get3A_22] : memref<256x1xf32, #tpu.memory_space<vmem>>, vector<256x1xf32>
    %get3A_24 = arith.constant 0 : index
    %get3A_25 = arith.constant 0 : index
    %get3A_26 = arith.constant 0 : index
    %get3A_27 = vector.load %arg5[%get3A_24, %get3A_25, %get3A_26] : memref<1x1x2048xf32, #tpu.memory_space<vmem>>, vector<1x1x2048xf32>
    %get3A_28 = vector.shape_cast %get3A_27 : vector<1x1x2048xf32> to vector<1x2048xf32>
    %add3A = vector.broadcast %get3A_23 : vector<256x1xf32> to vector<256x2048xf32>
    %add3A_29 = vector.broadcast %get3A_28 : vector<1x2048xf32> to vector<256x2048xf32>
    %add3A_30 = arith.addf %add3A, %add3A_29 : vector<256x2048xf32>
    %mul3A = arith.constant 2.000000e+00 : f32
    %mul3A_31 = vector.broadcast %mul3A : f32 to vector<256x2048xf32>
    %mul3A_32 = arith.mulf %mul3A_31, %dot_general3A_20 : vector<256x2048xf32>
    %sub3A = arith.subf %add3A_30, %mul3A_32 : vector<256x2048xf32>
    %iota3A = tpu.iota {dimensions = array<i32: 1>} : vector<256x2048xi32>
    %broadcast_in_dim3A = arith.constant 0xFF800000 : f32
    %broadcast_in_dim3A_33 = vector.broadcast %broadcast_in_dim3A : f32 to vector<256x1xf32>
    %broadcast_in_dim3A_34 = arith.constant -1 : i32
    %broadcast_in_dim3A_35 = vector.broadcast %broadcast_in_dim3A_34 : i32 to vector<256x1xi32>
    %gt3A = vector.broadcast %broadcast_in_dim3A_33 : vector<256x1xf32> to vector<256x2048xf32>
    %gt3A_36 = arith.cmpf ogt, %sub3A, %gt3A : vector<256x2048xf32>
    %eq3A = vector.broadcast %broadcast_in_dim3A_33 : vector<256x1xf32> to vector<256x2048xf32>
    %eq3A_37 = arith.cmpf oeq, %sub3A, %eq3A : vector<256x2048xf32>
    %gt3A_38 = vector.broadcast %broadcast_in_dim3A_35 : vector<256x1xi32> to vector<256x2048xi32>
    %gt3A_39 = arith.cmpi sgt, %iota3A, %gt3A_38 : vector<256x2048xi32>
    %and3A = arith.andi %eq3A_37, %gt3A_39 : vector<256x2048xi1>
    %or3A = arith.ori %gt3A_36, %and3A : vector<256x2048xi1>
    %jit3A = arith.constant 0x7F800000 : f32
    %broadcast_in_dim3A_40 = vector.broadcast %jit3A : f32 to vector<256x2048xf32>
    %select_n3A = arith.select %or3A, %sub3A, %broadcast_in_dim3A_40 : vector<256x2048xi1>, vector<256x2048xf32>
    %reduce_min3A = arith.constant dense<0x7F800000> : vector<256xf32>
    %reduce_min3A_41 = vector.multi_reduction <minimumf>, %select_n3A, %reduce_min3A [1] : vector<256x2048xf32> to vector<256xf32>
    %broadcast_in_dim3A_42 = vector.shape_cast %reduce_min3A_41 : vector<256xf32> to vector<256x1xf32>
    %le3A = vector.broadcast %broadcast_in_dim3A_42 : vector<256x1xf32> to vector<256x2048xf32>
    %le3A_43 = arith.cmpf ole, %select_n3A, %le3A : vector<256x2048xf32>
    %jit3A_44 = arith.constant 2048 : i32
    %broadcast_in_dim3A_45 = vector.broadcast %jit3A_44 : i32 to vector<256x2048xi32>
    %select_n3A_46 = arith.select %le3A_43, %iota3A, %broadcast_in_dim3A_45 : vector<256x2048xi1>, vector<256x2048xi32>
    %reduce_min3A_47 = arith.constant dense<2147483647> : vector<256xi32>
    %reduce_min3A_48 = vector.multi_reduction <minsi>, %select_n3A_46, %reduce_min3A_47 [1] : vector<256x2048xi32> to vector<256xi32>
    %broadcast_in_dim3A_49 = vector.shape_cast %reduce_min3A_48 : vector<256xi32> to vector<256x1xi32>
    %gt3A_50 = vector.broadcast %broadcast_in_dim3A_42 : vector<256x1xf32> to vector<256x2048xf32>
    %gt3A_51 = arith.cmpf ogt, %sub3A, %gt3A_50 : vector<256x2048xf32>
    %eq3A_52 = vector.broadcast %broadcast_in_dim3A_42 : vector<256x1xf32> to vector<256x2048xf32>
    %eq3A_53 = arith.cmpf oeq, %sub3A, %eq3A_52 : vector<256x2048xf32>
    %gt3A_54 = vector.broadcast %broadcast_in_dim3A_49 : vector<256x1xi32> to vector<256x2048xi32>
    %gt3A_55 = arith.cmpi sgt, %iota3A, %gt3A_54 : vector<256x2048xi32>
    %and3A_56 = arith.andi %eq3A_53, %gt3A_55 : vector<256x2048xi1>
    %or3A_57 = arith.ori %gt3A_51, %and3A_56 : vector<256x2048xi1>
    %jit3A_58 = arith.constant 0x7F800000 : f32
    %broadcast_in_dim3A_59 = vector.broadcast %jit3A_58 : f32 to vector<256x2048xf32>
    %select_n3A_60 = arith.select %or3A_57, %sub3A, %broadcast_in_dim3A_59 : vector<256x2048xi1>, vector<256x2048xf32>
    %reduce_min3A_61 = arith.constant dense<0x7F800000> : vector<256xf32>
    %reduce_min3A_62 = vector.multi_reduction <minimumf>, %select_n3A_60, %reduce_min3A_61 [1] : vector<256x2048xf32> to vector<256xf32>
    %broadcast_in_dim3A_63 = vector.shape_cast %reduce_min3A_62 : vector<256xf32> to vector<256x1xf32>
    %le3A_64 = vector.broadcast %broadcast_in_dim3A_63 : vector<256x1xf32> to vector<256x2048xf32>
    %le3A_65 = arith.cmpf ole, %select_n3A_60, %le3A_64 : vector<256x2048xf32>
    %jit3A_66 = arith.constant 2048 : i32
    %broadcast_in_dim3A_67 = vector.broadcast %jit3A_66 : i32 to vector<256x2048xi32>
    %select_n3A_68 = arith.select %le3A_65, %iota3A, %broadcast_in_dim3A_67 : vector<256x2048xi1>, vector<256x2048xi32>
    %reduce_min3A_69 = arith.constant dense<2147483647> : vector<256xi32>
    %reduce_min3A_70 = vector.multi_reduction <minsi>, %select_n3A_68, %reduce_min3A_69 [1] : vector<256x2048xi32> to vector<256xi32>
    %broadcast_in_dim3A_71 = vector.shape_cast %reduce_min3A_70 : vector<256xi32> to vector<256x1xi32>
    %gt3A_72 = vector.broadcast %broadcast_in_dim3A_63 : vector<256x1xf32> to vector<256x2048xf32>
    %gt3A_73 = arith.cmpf ogt, %sub3A, %gt3A_72 : vector<256x2048xf32>
    %eq3A_74 = vector.broadcast %broadcast_in_dim3A_63 : vector<256x1xf32> to vector<256x2048xf32>
    %eq3A_75 = arith.cmpf oeq, %sub3A, %eq3A_74 : vector<256x2048xf32>
    %gt3A_76 = vector.broadcast %broadcast_in_dim3A_71 : vector<256x1xi32> to vector<256x2048xi32>
    %gt3A_77 = arith.cmpi sgt, %iota3A, %gt3A_76 : vector<256x2048xi32>
    %and3A_78 = arith.andi %eq3A_75, %gt3A_77 : vector<256x2048xi1>
    %or3A_79 = arith.ori %gt3A_73, %and3A_78 : vector<256x2048xi1>
    %jit3A_80 = arith.constant 0x7F800000 : f32
    %broadcast_in_dim3A_81 = vector.broadcast %jit3A_80 : f32 to vector<256x2048xf32>
    %select_n3A_82 = arith.select %or3A_79, %sub3A, %broadcast_in_dim3A_81 : vector<256x2048xi1>, vector<256x2048xf32>
    %reduce_min3A_83 = arith.constant dense<0x7F800000> : vector<256xf32>
    %reduce_min3A_84 = vector.multi_reduction <minimumf>, %select_n3A_82, %reduce_min3A_83 [1] : vector<256x2048xf32> to vector<256xf32>
    %broadcast_in_dim3A_85 = vector.shape_cast %reduce_min3A_84 : vector<256xf32> to vector<256x1xf32>
    %le3A_86 = vector.broadcast %broadcast_in_dim3A_85 : vector<256x1xf32> to vector<256x2048xf32>
    %le3A_87 = arith.cmpf ole, %select_n3A_82, %le3A_86 : vector<256x2048xf32>
    %jit3A_88 = arith.constant 2048 : i32
    %broadcast_in_dim3A_89 = vector.broadcast %jit3A_88 : i32 to vector<256x2048xi32>
    %select_n3A_90 = arith.select %le3A_87, %iota3A, %broadcast_in_dim3A_89 : vector<256x2048xi1>, vector<256x2048xi32>
    %reduce_min3A_91 = arith.constant dense<2147483647> : vector<256xi32>
    %reduce_min3A_92 = vector.multi_reduction <minsi>, %select_n3A_90, %reduce_min3A_91 [1] : vector<256x2048xi32> to vector<256xi32>
    %broadcast_in_dim3A_93 = vector.shape_cast %reduce_min3A_92 : vector<256xi32> to vector<256x1xi32>
    %gt3A_94 = vector.broadcast %broadcast_in_dim3A_85 : vector<256x1xf32> to vector<256x2048xf32>
    %gt3A_95 = arith.cmpf ogt, %sub3A, %gt3A_94 : vector<256x2048xf32>
    %eq3A_96 = vector.broadcast %broadcast_in_dim3A_85 : vector<256x1xf32> to vector<256x2048xf32>
    %eq3A_97 = arith.cmpf oeq, %sub3A, %eq3A_96 : vector<256x2048xf32>
    %gt3A_98 = vector.broadcast %broadcast_in_dim3A_93 : vector<256x1xi32> to vector<256x2048xi32>
    %gt3A_99 = arith.cmpi sgt, %iota3A, %gt3A_98 : vector<256x2048xi32>
    %and3A_100 = arith.andi %eq3A_97, %gt3A_99 : vector<256x2048xi1>
    %or3A_101 = arith.ori %gt3A_95, %and3A_100 : vector<256x2048xi1>
    %jit3A_102 = arith.constant 0x7F800000 : f32
    %broadcast_in_dim3A_103 = vector.broadcast %jit3A_102 : f32 to vector<256x2048xf32>
    %select_n3A_104 = arith.select %or3A_101, %sub3A, %broadcast_in_dim3A_103 : vector<256x2048xi1>, vector<256x2048xf32>
    %reduce_min3A_105 = arith.constant dense<0x7F800000> : vector<256xf32>
    %reduce_min3A_106 = vector.multi_reduction <minimumf>, %select_n3A_104, %reduce_min3A_105 [1] : vector<256x2048xf32> to vector<256xf32>
    %broadcast_in_dim3A_107 = vector.shape_cast %reduce_min3A_106 : vector<256xf32> to vector<256x1xf32>
    %le3A_108 = vector.broadcast %broadcast_in_dim3A_107 : vector<256x1xf32> to vector<256x2048xf32>
    %le3A_109 = arith.cmpf ole, %select_n3A_104, %le3A_108 : vector<256x2048xf32>
    %jit3A_110 = arith.constant 2048 : i32
    %broadcast_in_dim3A_111 = vector.broadcast %jit3A_110 : i32 to vector<256x2048xi32>
    %select_n3A_112 = arith.select %le3A_109, %iota3A, %broadcast_in_dim3A_111 : vector<256x2048xi1>, vector<256x2048xi32>
    %reduce_min3A_113 = arith.constant dense<2147483647> : vector<256xi32>
    %reduce_min3A_114 = vector.multi_reduction <minsi>, %select_n3A_112, %reduce_min3A_113 [1] : vector<256x2048xi32> to vector<256xi32>
    %broadcast_in_dim3A_115 = vector.shape_cast %reduce_min3A_114 : vector<256xi32> to vector<256x1xi32>
    %gt3A_116 = vector.broadcast %broadcast_in_dim3A_107 : vector<256x1xf32> to vector<256x2048xf32>
    %gt3A_117 = arith.cmpf ogt, %sub3A, %gt3A_116 : vector<256x2048xf32>
    %eq3A_118 = vector.broadcast %broadcast_in_dim3A_107 : vector<256x1xf32> to vector<256x2048xf32>
    %eq3A_119 = arith.cmpf oeq, %sub3A, %eq3A_118 : vector<256x2048xf32>
    %gt3A_120 = vector.broadcast %broadcast_in_dim3A_115 : vector<256x1xi32> to vector<256x2048xi32>
    %gt3A_121 = arith.cmpi sgt, %iota3A, %gt3A_120 : vector<256x2048xi32>
    %and3A_122 = arith.andi %eq3A_119, %gt3A_121 : vector<256x2048xi1>
    %or3A_123 = arith.ori %gt3A_117, %and3A_122 : vector<256x2048xi1>
    %jit3A_124 = arith.constant 0x7F800000 : f32
    %broadcast_in_dim3A_125 = vector.broadcast %jit3A_124 : f32 to vector<256x2048xf32>
    %select_n3A_126 = arith.select %or3A_123, %sub3A, %broadcast_in_dim3A_125 : vector<256x2048xi1>, vector<256x2048xf32>
    %reduce_min3A_127 = arith.constant dense<0x7F800000> : vector<256xf32>
    %reduce_min3A_128 = vector.multi_reduction <minimumf>, %select_n3A_126, %reduce_min3A_127 [1] : vector<256x2048xf32> to vector<256xf32>
    %broadcast_in_dim3A_129 = vector.shape_cast %reduce_min3A_128 : vector<256xf32> to vector<256x1xf32>
    %le3A_130 = vector.broadcast %broadcast_in_dim3A_129 : vector<256x1xf32> to vector<256x2048xf32>
    %le3A_131 = arith.cmpf ole, %select_n3A_126, %le3A_130 : vector<256x2048xf32>
    %jit3A_132 = arith.constant 2048 : i32
    %broadcast_in_dim3A_133 = vector.broadcast %jit3A_132 : i32 to vector<256x2048xi32>
    %select_n3A_134 = arith.select %le3A_131, %iota3A, %broadcast_in_dim3A_133 : vector<256x2048xi1>, vector<256x2048xi32>
    %reduce_min3A_135 = arith.constant dense<2147483647> : vector<256xi32>
    %reduce_min3A_136 = vector.multi_reduction <minsi>, %select_n3A_134, %reduce_min3A_135 [1] : vector<256x2048xi32> to vector<256xi32>
    %broadcast_in_dim3A_137 = vector.shape_cast %reduce_min3A_136 : vector<256xi32> to vector<256x1xi32>
    %gt3A_138 = vector.broadcast %broadcast_in_dim3A_129 : vector<256x1xf32> to vector<256x2048xf32>
    %gt3A_139 = arith.cmpf ogt, %sub3A, %gt3A_138 : vector<256x2048xf32>
    %eq3A_140 = vector.broadcast %broadcast_in_dim3A_129 : vector<256x1xf32> to vector<256x2048xf32>
    %eq3A_141 = arith.cmpf oeq, %sub3A, %eq3A_140 : vector<256x2048xf32>
    %gt3A_142 = vector.broadcast %broadcast_in_dim3A_137 : vector<256x1xi32> to vector<256x2048xi32>
    %gt3A_143 = arith.cmpi sgt, %iota3A, %gt3A_142 : vector<256x2048xi32>
    %and3A_144 = arith.andi %eq3A_141, %gt3A_143 : vector<256x2048xi1>
    %or3A_145 = arith.ori %gt3A_139, %and3A_144 : vector<256x2048xi1>
    %jit3A_146 = arith.constant 0x7F800000 : f32
    %broadcast_in_dim3A_147 = vector.broadcast %jit3A_146 : f32 to vector<256x2048xf32>
    %select_n3A_148 = arith.select %or3A_145, %sub3A, %broadcast_in_dim3A_147 : vector<256x2048xi1>, vector<256x2048xf32>
    %reduce_min3A_149 = arith.constant dense<0x7F800000> : vector<256xf32>
    %reduce_min3A_150 = vector.multi_reduction <minimumf>, %select_n3A_148, %reduce_min3A_149 [1] : vector<256x2048xf32> to vector<256xf32>
    %broadcast_in_dim3A_151 = vector.shape_cast %reduce_min3A_150 : vector<256xf32> to vector<256x1xf32>
    %le3A_152 = vector.broadcast %broadcast_in_dim3A_151 : vector<256x1xf32> to vector<256x2048xf32>
    %le3A_153 = arith.cmpf ole, %select_n3A_148, %le3A_152 : vector<256x2048xf32>
    %jit3A_154 = arith.constant 2048 : i32
    %broadcast_in_dim3A_155 = vector.broadcast %jit3A_154 : i32 to vector<256x2048xi32>
    %select_n3A_156 = arith.select %le3A_153, %iota3A, %broadcast_in_dim3A_155 : vector<256x2048xi1>, vector<256x2048xi32>
    %reduce_min3A_157 = arith.constant dense<2147483647> : vector<256xi32>
    %reduce_min3A_158 = vector.multi_reduction <minsi>, %select_n3A_156, %reduce_min3A_157 [1] : vector<256x2048xi32> to vector<256xi32>
    %broadcast_in_dim3A_159 = vector.shape_cast %reduce_min3A_158 : vector<256xi32> to vector<256x1xi32>
    %gt3A_160 = vector.broadcast %broadcast_in_dim3A_151 : vector<256x1xf32> to vector<256x2048xf32>
    %gt3A_161 = arith.cmpf ogt, %sub3A, %gt3A_160 : vector<256x2048xf32>
    %eq3A_162 = vector.broadcast %broadcast_in_dim3A_151 : vector<256x1xf32> to vector<256x2048xf32>
    %eq3A_163 = arith.cmpf oeq, %sub3A, %eq3A_162 : vector<256x2048xf32>
    %gt3A_164 = vector.broadcast %broadcast_in_dim3A_159 : vector<256x1xi32> to vector<256x2048xi32>
    %gt3A_165 = arith.cmpi sgt, %iota3A, %gt3A_164 : vector<256x2048xi32>
    %and3A_166 = arith.andi %eq3A_163, %gt3A_165 : vector<256x2048xi1>
    %or3A_167 = arith.ori %gt3A_161, %and3A_166 : vector<256x2048xi1>
    %jit3A_168 = arith.constant 0x7F800000 : f32
    %broadcast_in_dim3A_169 = vector.broadcast %jit3A_168 : f32 to vector<256x2048xf32>
    %select_n3A_170 = arith.select %or3A_167, %sub3A, %broadcast_in_dim3A_169 : vector<256x2048xi1>, vector<256x2048xf32>
    %reduce_min3A_171 = arith.constant dense<0x7F800000> : vector<256xf32>
    %reduce_min3A_172 = vector.multi_reduction <minimumf>, %select_n3A_170, %reduce_min3A_171 [1] : vector<256x2048xf32> to vector<256xf32>
    %broadcast_in_dim3A_173 = vector.shape_cast %reduce_min3A_172 : vector<256xf32> to vector<256x1xf32>
    %le3A_174 = vector.broadcast %broadcast_in_dim3A_173 : vector<256x1xf32> to vector<256x2048xf32>
    %le3A_175 = arith.cmpf ole, %select_n3A_170, %le3A_174 : vector<256x2048xf32>
    %jit3A_176 = arith.constant 2048 : i32
    %broadcast_in_dim3A_177 = vector.broadcast %jit3A_176 : i32 to vector<256x2048xi32>
    %select_n3A_178 = arith.select %le3A_175, %iota3A, %broadcast_in_dim3A_177 : vector<256x2048xi1>, vector<256x2048xi32>
    %reduce_min3A_179 = arith.constant dense<2147483647> : vector<256xi32>
    %reduce_min3A_180 = vector.multi_reduction <minsi>, %select_n3A_178, %reduce_min3A_179 [1] : vector<256x2048xi32> to vector<256xi32>
    %broadcast_in_dim3A_181 = vector.shape_cast %reduce_min3A_180 : vector<256xi32> to vector<256x1xi32>
    %gt3A_182 = vector.broadcast %broadcast_in_dim3A_173 : vector<256x1xf32> to vector<256x2048xf32>
    %gt3A_183 = arith.cmpf ogt, %sub3A, %gt3A_182 : vector<256x2048xf32>
    %eq3A_184 = vector.broadcast %broadcast_in_dim3A_173 : vector<256x1xf32> to vector<256x2048xf32>
    %eq3A_185 = arith.cmpf oeq, %sub3A, %eq3A_184 : vector<256x2048xf32>
    %gt3A_186 = vector.broadcast %broadcast_in_dim3A_181 : vector<256x1xi32> to vector<256x2048xi32>
    %gt3A_187 = arith.cmpi sgt, %iota3A, %gt3A_186 : vector<256x2048xi32>
    %and3A_188 = arith.andi %eq3A_185, %gt3A_187 : vector<256x2048xi1>
    %or3A_189 = arith.ori %gt3A_183, %and3A_188 : vector<256x2048xi1>
    %jit3A_190 = arith.constant 0x7F800000 : f32
    %broadcast_in_dim3A_191 = vector.broadcast %jit3A_190 : f32 to vector<256x2048xf32>
    %select_n3A_192 = arith.select %or3A_189, %sub3A, %broadcast_in_dim3A_191 : vector<256x2048xi1>, vector<256x2048xf32>
    %reduce_min3A_193 = arith.constant dense<0x7F800000> : vector<256xf32>
    %reduce_min3A_194 = vector.multi_reduction <minimumf>, %select_n3A_192, %reduce_min3A_193 [1] : vector<256x2048xf32> to vector<256xf32>
    %broadcast_in_dim3A_195 = vector.shape_cast %reduce_min3A_194 : vector<256xf32> to vector<256x1xf32>
    %le3A_196 = vector.broadcast %broadcast_in_dim3A_195 : vector<256x1xf32> to vector<256x2048xf32>
    %le3A_197 = arith.cmpf ole, %select_n3A_192, %le3A_196 : vector<256x2048xf32>
    %jit3A_198 = arith.constant 2048 : i32
    %broadcast_in_dim3A_199 = vector.broadcast %jit3A_198 : i32 to vector<256x2048xi32>
    %select_n3A_200 = arith.select %le3A_197, %iota3A, %broadcast_in_dim3A_199 : vector<256x2048xi1>, vector<256x2048xi32>
    %reduce_min3A_201 = arith.constant dense<2147483647> : vector<256xi32>
    %reduce_min3A_202 = vector.multi_reduction <minsi>, %select_n3A_200, %reduce_min3A_201 [1] : vector<256x2048xi32> to vector<256xi32>
    %broadcast_in_dim3A_203 = vector.shape_cast %reduce_min3A_202 : vector<256xi32> to vector<256x1xi32>
    %gt3A_204 = vector.broadcast %broadcast_in_dim3A_195 : vector<256x1xf32> to vector<256x2048xf32>
    %gt3A_205 = arith.cmpf ogt, %sub3A, %gt3A_204 : vector<256x2048xf32>
    %eq3A_206 = vector.broadcast %broadcast_in_dim3A_195 : vector<256x1xf32> to vector<256x2048xf32>
    %eq3A_207 = arith.cmpf oeq, %sub3A, %eq3A_206 : vector<256x2048xf32>
    %gt3A_208 = vector.broadcast %broadcast_in_dim3A_203 : vector<256x1xi32> to vector<256x2048xi32>
    %gt3A_209 = arith.cmpi sgt, %iota3A, %gt3A_208 : vector<256x2048xi32>
    %and3A_210 = arith.andi %eq3A_207, %gt3A_209 : vector<256x2048xi1>
    %or3A_211 = arith.ori %gt3A_205, %and3A_210 : vector<256x2048xi1>
    %jit3A_212 = arith.constant 0x7F800000 : f32
    %broadcast_in_dim3A_213 = vector.broadcast %jit3A_212 : f32 to vector<256x2048xf32>
    %select_n3A_214 = arith.select %or3A_211, %sub3A, %broadcast_in_dim3A_213 : vector<256x2048xi1>, vector<256x2048xf32>
    %reduce_min3A_215 = arith.constant dense<0x7F800000> : vector<256xf32>
    %reduce_min3A_216 = vector.multi_reduction <minimumf>, %select_n3A_214, %reduce_min3A_215 [1] : vector<256x2048xf32> to vector<256xf32>
    %broadcast_in_dim3A_217 = vector.shape_cast %reduce_min3A_216 : vector<256xf32> to vector<256x1xf32>
    %le3A_218 = vector.broadcast %broadcast_in_dim3A_217 : vector<256x1xf32> to vector<256x2048xf32>
    %le3A_219 = arith.cmpf ole, %select_n3A_214, %le3A_218 : vector<256x2048xf32>
    %jit3A_220 = arith.constant 2048 : i32
    %broadcast_in_dim3A_221 = vector.broadcast %jit3A_220 : i32 to vector<256x2048xi32>
    %select_n3A_222 = arith.select %le3A_219, %iota3A, %broadcast_in_dim3A_221 : vector<256x2048xi1>, vector<256x2048xi32>
    %reduce_min3A_223 = arith.constant dense<2147483647> : vector<256xi32>
    %reduce_min3A_224 = vector.multi_reduction <minsi>, %select_n3A_222, %reduce_min3A_223 [1] : vector<256x2048xi32> to vector<256xi32>
    %broadcast_in_dim3A_225 = vector.shape_cast %reduce_min3A_224 : vector<256xi32> to vector<256x1xi32>
    %gt3A_226 = vector.broadcast %broadcast_in_dim3A_217 : vector<256x1xf32> to vector<256x2048xf32>
    %gt3A_227 = arith.cmpf ogt, %sub3A, %gt3A_226 : vector<256x2048xf32>
    %eq3A_228 = vector.broadcast %broadcast_in_dim3A_217 : vector<256x1xf32> to vector<256x2048xf32>
    %eq3A_229 = arith.cmpf oeq, %sub3A, %eq3A_228 : vector<256x2048xf32>
    %gt3A_230 = vector.broadcast %broadcast_in_dim3A_225 : vector<256x1xi32> to vector<256x2048xi32>
    %gt3A_231 = arith.cmpi sgt, %iota3A, %gt3A_230 : vector<256x2048xi32>
    %and3A_232 = arith.andi %eq3A_229, %gt3A_231 : vector<256x2048xi1>
    %or3A_233 = arith.ori %gt3A_227, %and3A_232 : vector<256x2048xi1>
    %jit3A_234 = arith.constant 0x7F800000 : f32
    %broadcast_in_dim3A_235 = vector.broadcast %jit3A_234 : f32 to vector<256x2048xf32>
    %select_n3A_236 = arith.select %or3A_233, %sub3A, %broadcast_in_dim3A_235 : vector<256x2048xi1>, vector<256x2048xf32>
    %reduce_min3A_237 = arith.constant dense<0x7F800000> : vector<256xf32>
    %reduce_min3A_238 = vector.multi_reduction <minimumf>, %select_n3A_236, %reduce_min3A_237 [1] : vector<256x2048xf32> to vector<256xf32>
    %broadcast_in_dim3A_239 = vector.shape_cast %reduce_min3A_238 : vector<256xf32> to vector<256x1xf32>
    %le3A_240 = vector.broadcast %broadcast_in_dim3A_239 : vector<256x1xf32> to vector<256x2048xf32>
    %le3A_241 = arith.cmpf ole, %select_n3A_236, %le3A_240 : vector<256x2048xf32>
    %jit3A_242 = arith.constant 2048 : i32
    %broadcast_in_dim3A_243 = vector.broadcast %jit3A_242 : i32 to vector<256x2048xi32>
    %select_n3A_244 = arith.select %le3A_241, %iota3A, %broadcast_in_dim3A_243 : vector<256x2048xi1>, vector<256x2048xi32>
    %reduce_min3A_245 = arith.constant dense<2147483647> : vector<256xi32>
    %reduce_min3A_246 = vector.multi_reduction <minsi>, %select_n3A_244, %reduce_min3A_245 [1] : vector<256x2048xi32> to vector<256xi32>
    %broadcast_in_dim3A_247 = vector.shape_cast %reduce_min3A_246 : vector<256xi32> to vector<256x1xi32>
    %gt3A_248 = vector.broadcast %broadcast_in_dim3A_239 : vector<256x1xf32> to vector<256x2048xf32>
    %gt3A_249 = arith.cmpf ogt, %sub3A, %gt3A_248 : vector<256x2048xf32>
    %eq3A_250 = vector.broadcast %broadcast_in_dim3A_239 : vector<256x1xf32> to vector<256x2048xf32>
    %eq3A_251 = arith.cmpf oeq, %sub3A, %eq3A_250 : vector<256x2048xf32>
    %gt3A_252 = vector.broadcast %broadcast_in_dim3A_247 : vector<256x1xi32> to vector<256x2048xi32>
    %gt3A_253 = arith.cmpi sgt, %iota3A, %gt3A_252 : vector<256x2048xi32>
    %and3A_254 = arith.andi %eq3A_251, %gt3A_253 : vector<256x2048xi1>
    %or3A_255 = arith.ori %gt3A_249, %and3A_254 : vector<256x2048xi1>
    %jit3A_256 = arith.constant 0x7F800000 : f32
    %broadcast_in_dim3A_257 = vector.broadcast %jit3A_256 : f32 to vector<256x2048xf32>
    %select_n3A_258 = arith.select %or3A_255, %sub3A, %broadcast_in_dim3A_257 : vector<256x2048xi1>, vector<256x2048xf32>
    %reduce_min3A_259 = arith.constant dense<0x7F800000> : vector<256xf32>
    %reduce_min3A_260 = vector.multi_reduction <minimumf>, %select_n3A_258, %reduce_min3A_259 [1] : vector<256x2048xf32> to vector<256xf32>
    %broadcast_in_dim3A_261 = vector.shape_cast %reduce_min3A_260 : vector<256xf32> to vector<256x1xf32>
    %le3A_262 = vector.broadcast %broadcast_in_dim3A_261 : vector<256x1xf32> to vector<256x2048xf32>
    %le3A_263 = arith.cmpf ole, %select_n3A_258, %le3A_262 : vector<256x2048xf32>
    %jit3A_264 = arith.constant 2048 : i32
    %broadcast_in_dim3A_265 = vector.broadcast %jit3A_264 : i32 to vector<256x2048xi32>
    %select_n3A_266 = arith.select %le3A_263, %iota3A, %broadcast_in_dim3A_265 : vector<256x2048xi1>, vector<256x2048xi32>
    %reduce_min3A_267 = arith.constant dense<2147483647> : vector<256xi32>
    %reduce_min3A_268 = vector.multi_reduction <minsi>, %select_n3A_266, %reduce_min3A_267 [1] : vector<256x2048xi32> to vector<256xi32>
    %broadcast_in_dim3A_269 = vector.shape_cast %reduce_min3A_268 : vector<256xi32> to vector<256x1xi32>
    %gt3A_270 = vector.broadcast %broadcast_in_dim3A_261 : vector<256x1xf32> to vector<256x2048xf32>
    %gt3A_271 = arith.cmpf ogt, %sub3A, %gt3A_270 : vector<256x2048xf32>
    %eq3A_272 = vector.broadcast %broadcast_in_dim3A_261 : vector<256x1xf32> to vector<256x2048xf32>
    %eq3A_273 = arith.cmpf oeq, %sub3A, %eq3A_272 : vector<256x2048xf32>
    %gt3A_274 = vector.broadcast %broadcast_in_dim3A_269 : vector<256x1xi32> to vector<256x2048xi32>
    %gt3A_275 = arith.cmpi sgt, %iota3A, %gt3A_274 : vector<256x2048xi32>
    %and3A_276 = arith.andi %eq3A_273, %gt3A_275 : vector<256x2048xi1>
    %or3A_277 = arith.ori %gt3A_271, %and3A_276 : vector<256x2048xi1>
    %jit3A_278 = arith.constant 0x7F800000 : f32
    %broadcast_in_dim3A_279 = vector.broadcast %jit3A_278 : f32 to vector<256x2048xf32>
    %select_n3A_280 = arith.select %or3A_277, %sub3A, %broadcast_in_dim3A_279 : vector<256x2048xi1>, vector<256x2048xf32>
    %reduce_min3A_281 = arith.constant dense<0x7F800000> : vector<256xf32>
    %reduce_min3A_282 = vector.multi_reduction <minimumf>, %select_n3A_280, %reduce_min3A_281 [1] : vector<256x2048xf32> to vector<256xf32>
    %broadcast_in_dim3A_283 = vector.shape_cast %reduce_min3A_282 : vector<256xf32> to vector<256x1xf32>
    %le3A_284 = vector.broadcast %broadcast_in_dim3A_283 : vector<256x1xf32> to vector<256x2048xf32>
    %le3A_285 = arith.cmpf ole, %select_n3A_280, %le3A_284 : vector<256x2048xf32>
    %jit3A_286 = arith.constant 2048 : i32
    %broadcast_in_dim3A_287 = vector.broadcast %jit3A_286 : i32 to vector<256x2048xi32>
    %select_n3A_288 = arith.select %le3A_285, %iota3A, %broadcast_in_dim3A_287 : vector<256x2048xi1>, vector<256x2048xi32>
    %reduce_min3A_289 = arith.constant dense<2147483647> : vector<256xi32>
    %reduce_min3A_290 = vector.multi_reduction <minsi>, %select_n3A_288, %reduce_min3A_289 [1] : vector<256x2048xi32> to vector<256xi32>
    %broadcast_in_dim3A_291 = vector.shape_cast %reduce_min3A_290 : vector<256xi32> to vector<256x1xi32>
    %gt3A_292 = vector.broadcast %broadcast_in_dim3A_283 : vector<256x1xf32> to vector<256x2048xf32>
    %gt3A_293 = arith.cmpf ogt, %sub3A, %gt3A_292 : vector<256x2048xf32>
    %eq3A_294 = vector.broadcast %broadcast_in_dim3A_283 : vector<256x1xf32> to vector<256x2048xf32>
    %eq3A_295 = arith.cmpf oeq, %sub3A, %eq3A_294 : vector<256x2048xf32>
    %gt3A_296 = vector.broadcast %broadcast_in_dim3A_291 : vector<256x1xi32> to vector<256x2048xi32>
    %gt3A_297 = arith.cmpi sgt, %iota3A, %gt3A_296 : vector<256x2048xi32>
    %and3A_298 = arith.andi %eq3A_295, %gt3A_297 : vector<256x2048xi1>
    %or3A_299 = arith.ori %gt3A_293, %and3A_298 : vector<256x2048xi1>
    %jit3A_300 = arith.constant 0x7F800000 : f32
    %broadcast_in_dim3A_301 = vector.broadcast %jit3A_300 : f32 to vector<256x2048xf32>
    %select_n3A_302 = arith.select %or3A_299, %sub3A, %broadcast_in_dim3A_301 : vector<256x2048xi1>, vector<256x2048xf32>
    %reduce_min3A_303 = arith.constant dense<0x7F800000> : vector<256xf32>
    %reduce_min3A_304 = vector.multi_reduction <minimumf>, %select_n3A_302, %reduce_min3A_303 [1] : vector<256x2048xf32> to vector<256xf32>
    %broadcast_in_dim3A_305 = vector.shape_cast %reduce_min3A_304 : vector<256xf32> to vector<256x1xf32>
    %le3A_306 = vector.broadcast %broadcast_in_dim3A_305 : vector<256x1xf32> to vector<256x2048xf32>
    %le3A_307 = arith.cmpf ole, %select_n3A_302, %le3A_306 : vector<256x2048xf32>
    %jit3A_308 = arith.constant 2048 : i32
    %broadcast_in_dim3A_309 = vector.broadcast %jit3A_308 : i32 to vector<256x2048xi32>
    %select_n3A_310 = arith.select %le3A_307, %iota3A, %broadcast_in_dim3A_309 : vector<256x2048xi1>, vector<256x2048xi32>
    %reduce_min3A_311 = arith.constant dense<2147483647> : vector<256xi32>
    %reduce_min3A_312 = vector.multi_reduction <minsi>, %select_n3A_310, %reduce_min3A_311 [1] : vector<256x2048xi32> to vector<256xi32>
    %broadcast_in_dim3A_313 = vector.shape_cast %reduce_min3A_312 : vector<256xi32> to vector<256x1xi32>
    %gt3A_314 = vector.broadcast %broadcast_in_dim3A_305 : vector<256x1xf32> to vector<256x2048xf32>
    %gt3A_315 = arith.cmpf ogt, %sub3A, %gt3A_314 : vector<256x2048xf32>
    %eq3A_316 = vector.broadcast %broadcast_in_dim3A_305 : vector<256x1xf32> to vector<256x2048xf32>
    %eq3A_317 = arith.cmpf oeq, %sub3A, %eq3A_316 : vector<256x2048xf32>
    %gt3A_318 = vector.broadcast %broadcast_in_dim3A_313 : vector<256x1xi32> to vector<256x2048xi32>
    %gt3A_319 = arith.cmpi sgt, %iota3A, %gt3A_318 : vector<256x2048xi32>
    %and3A_320 = arith.andi %eq3A_317, %gt3A_319 : vector<256x2048xi1>
    %or3A_321 = arith.ori %gt3A_315, %and3A_320 : vector<256x2048xi1>
    %jit3A_322 = arith.constant 0x7F800000 : f32
    %broadcast_in_dim3A_323 = vector.broadcast %jit3A_322 : f32 to vector<256x2048xf32>
    %select_n3A_324 = arith.select %or3A_321, %sub3A, %broadcast_in_dim3A_323 : vector<256x2048xi1>, vector<256x2048xf32>
    %reduce_min3A_325 = arith.constant dense<0x7F800000> : vector<256xf32>
    %reduce_min3A_326 = vector.multi_reduction <minimumf>, %select_n3A_324, %reduce_min3A_325 [1] : vector<256x2048xf32> to vector<256xf32>
    %broadcast_in_dim3A_327 = vector.shape_cast %reduce_min3A_326 : vector<256xf32> to vector<256x1xf32>
    %le3A_328 = vector.broadcast %broadcast_in_dim3A_327 : vector<256x1xf32> to vector<256x2048xf32>
    %le3A_329 = arith.cmpf ole, %select_n3A_324, %le3A_328 : vector<256x2048xf32>
    %jit3A_330 = arith.constant 2048 : i32
    %broadcast_in_dim3A_331 = vector.broadcast %jit3A_330 : i32 to vector<256x2048xi32>
    %select_n3A_332 = arith.select %le3A_329, %iota3A, %broadcast_in_dim3A_331 : vector<256x2048xi1>, vector<256x2048xi32>
    %reduce_min3A_333 = arith.constant dense<2147483647> : vector<256xi32>
    %reduce_min3A_334 = vector.multi_reduction <minsi>, %select_n3A_332, %reduce_min3A_333 [1] : vector<256x2048xi32> to vector<256xi32>
    %broadcast_in_dim3A_335 = vector.shape_cast %reduce_min3A_334 : vector<256xi32> to vector<256x1xi32>
    %gt3A_336 = vector.broadcast %broadcast_in_dim3A_327 : vector<256x1xf32> to vector<256x2048xf32>
    %gt3A_337 = arith.cmpf ogt, %sub3A, %gt3A_336 : vector<256x2048xf32>
    %eq3A_338 = vector.broadcast %broadcast_in_dim3A_327 : vector<256x1xf32> to vector<256x2048xf32>
    %eq3A_339 = arith.cmpf oeq, %sub3A, %eq3A_338 : vector<256x2048xf32>
    %gt3A_340 = vector.broadcast %broadcast_in_dim3A_335 : vector<256x1xi32> to vector<256x2048xi32>
    %gt3A_341 = arith.cmpi sgt, %iota3A, %gt3A_340 : vector<256x2048xi32>
    %and3A_342 = arith.andi %eq3A_339, %gt3A_341 : vector<256x2048xi1>
    %or3A_343 = arith.ori %gt3A_337, %and3A_342 : vector<256x2048xi1>
    %jit3A_344 = arith.constant 0x7F800000 : f32
    %broadcast_in_dim3A_345 = vector.broadcast %jit3A_344 : f32 to vector<256x2048xf32>
    %select_n3A_346 = arith.select %or3A_343, %sub3A, %broadcast_in_dim3A_345 : vector<256x2048xi1>, vector<256x2048xf32>
    %reduce_min3A_347 = arith.constant dense<0x7F800000> : vector<256xf32>
    %reduce_min3A_348 = vector.multi_reduction <minimumf>, %select_n3A_346, %reduce_min3A_347 [1] : vector<256x2048xf32> to vector<256xf32>
    %broadcast_in_dim3A_349 = vector.shape_cast %reduce_min3A_348 : vector<256xf32> to vector<256x1xf32>
    %le3A_350 = vector.broadcast %broadcast_in_dim3A_349 : vector<256x1xf32> to vector<256x2048xf32>
    %le3A_351 = arith.cmpf ole, %select_n3A_346, %le3A_350 : vector<256x2048xf32>
    %jit3A_352 = arith.constant 2048 : i32
    %broadcast_in_dim3A_353 = vector.broadcast %jit3A_352 : i32 to vector<256x2048xi32>
    %select_n3A_354 = arith.select %le3A_351, %iota3A, %broadcast_in_dim3A_353 : vector<256x2048xi1>, vector<256x2048xi32>
    %reduce_min3A_355 = arith.constant dense<2147483647> : vector<256xi32>
    %reduce_min3A_356 = vector.multi_reduction <minsi>, %select_n3A_354, %reduce_min3A_355 [1] : vector<256x2048xi32> to vector<256xi32>
    %broadcast_in_dim3A_357 = vector.shape_cast %reduce_min3A_356 : vector<256xi32> to vector<256x1xi32>
    %gt3A_358 = vector.broadcast %broadcast_in_dim3A_349 : vector<256x1xf32> to vector<256x2048xf32>
    %gt3A_359 = arith.cmpf ogt, %sub3A, %gt3A_358 : vector<256x2048xf32>
    %eq3A_360 = vector.broadcast %broadcast_in_dim3A_349 : vector<256x1xf32> to vector<256x2048xf32>
    %eq3A_361 = arith.cmpf oeq, %sub3A, %eq3A_360 : vector<256x2048xf32>
    %gt3A_362 = vector.broadcast %broadcast_in_dim3A_357 : vector<256x1xi32> to vector<256x2048xi32>
    %gt3A_363 = arith.cmpi sgt, %iota3A, %gt3A_362 : vector<256x2048xi32>
    %and3A_364 = arith.andi %eq3A_361, %gt3A_363 : vector<256x2048xi1>
    %or3A_365 = arith.ori %gt3A_359, %and3A_364 : vector<256x2048xi1>
    %jit3A_366 = arith.constant 0x7F800000 : f32
    %broadcast_in_dim3A_367 = vector.broadcast %jit3A_366 : f32 to vector<256x2048xf32>
    %select_n3A_368 = arith.select %or3A_365, %sub3A, %broadcast_in_dim3A_367 : vector<256x2048xi1>, vector<256x2048xf32>
    %reduce_min3A_369 = arith.constant dense<0x7F800000> : vector<256xf32>
    %reduce_min3A_370 = vector.multi_reduction <minimumf>, %select_n3A_368, %reduce_min3A_369 [1] : vector<256x2048xf32> to vector<256xf32>
    %broadcast_in_dim3A_371 = vector.shape_cast %reduce_min3A_370 : vector<256xf32> to vector<256x1xf32>
    %le3A_372 = vector.broadcast %broadcast_in_dim3A_371 : vector<256x1xf32> to vector<256x2048xf32>
    %le3A_373 = arith.cmpf ole, %select_n3A_368, %le3A_372 : vector<256x2048xf32>
    %jit3A_374 = arith.constant 2048 : i32
    %broadcast_in_dim3A_375 = vector.broadcast %jit3A_374 : i32 to vector<256x2048xi32>
    %select_n3A_376 = arith.select %le3A_373, %iota3A, %broadcast_in_dim3A_375 : vector<256x2048xi1>, vector<256x2048xi32>
    %reduce_min3A_377 = arith.constant dense<2147483647> : vector<256xi32>
    %reduce_min3A_378 = vector.multi_reduction <minsi>, %select_n3A_376, %reduce_min3A_377 [1] : vector<256x2048xi32> to vector<256xi32>
    %broadcast_in_dim3A_379 = vector.shape_cast %reduce_min3A_378 : vector<256xi32> to vector<256x1xi32>
    %concatenate3A = tpu.concatenate %broadcast_in_dim3A_49, %broadcast_in_dim3A_71, %broadcast_in_dim3A_93, %broadcast_in_dim3A_115, %broadcast_in_dim3A_137, %broadcast_in_dim3A_159, %broadcast_in_dim3A_181, %broadcast_in_dim3A_203, %broadcast_in_dim3A_225, %broadcast_in_dim3A_247, %broadcast_in_dim3A_269, %broadcast_in_dim3A_291, %broadcast_in_dim3A_313, %broadcast_in_dim3A_335, %broadcast_in_dim3A_357, %broadcast_in_dim3A_379 in 1 : vector<256x1xi32>, vector<256x1xi32>, vector<256x1xi32>, vector<256x1xi32>, vector<256x1xi32>, vector<256x1xi32>, vector<256x1xi32>, vector<256x1xi32>, vector<256x1xi32>, vector<256x1xi32>, vector<256x1xi32>, vector<256x1xi32>, vector<256x1xi32>, vector<256x1xi32>, vector<256x1xi32>, vector<256x1xi32> -> vector<256x16xi32>
    %mul3A_380 = arith.constant 2048 : i32
    %mul3A_381 = arith.muli %arg0, %mul3A_380 : i32
    %add3A_382 = vector.broadcast %mul3A_381 : i32 to vector<256x16xi32>
    %add3A_383 = arith.addi %concatenate3A, %add3A_382 : vector<256x16xi32>
    %swap3A_384 = arith.constant 0 : index
    %swap3A_385 = arith.constant 0 : index
    %swap3A_386 = vector.load %arg10[%swap3A_384, %swap3A_385] : memref<256x16xi32, #tpu.memory_space<vmem>>, vector<256x16xi32>
    tpu.vector_store %arg10[%swap3A_384, %swap3A_385], %add3A_383 {strides = array<i32>} : memref<256x16xi32, #tpu.memory_space<vmem>>, vector<256x16xi32>,
    return
  }
  func.func @transform_0(%arg0: i32, %arg1: i32) -> (i32, i32) {
    %c0_i32 = arith.constant 0 : i32
    %c0_i32_0 = arith.constant 0 : i32
    return %c0_i32, %arg0 : i32, i32
  }
  func.func @transform_1(%arg0: i32, %arg1: i32) -> (i32, i32) {
    %mul3A = arith.constant 8 : i32
    %mul3A_0 = arith.muli %arg0, %mul3A : i32
    %add3A = arith.addi %mul3A_0, %arg1 : i32
    %c0_i32 = arith.constant 0 : i32
    %c0_i32_1 = arith.constant 0 : i32
    return %add3A, %c0_i32 : i32, i32
  }
  func.func @transform_2(%arg0: i32, %arg1: i32) -> (i32, i32) {
    %mul3A = arith.constant 8 : i32
    %mul3A_0 = arith.muli %arg0, %mul3A : i32
    %add3A = arith.addi %mul3A_0, %arg1 : i32
    %c0_i32 = arith.constant 0 : i32
    %c0_i32_1 = arith.constant 0 : i32
    return %add3A, %c0_i32 : i32, i32
  }
  func.func @transform_3(%arg0: i32, %arg1: i32) -> (i32, i32, i32) {
    %c0_i32 = arith.constant 0 : i32
    %c0_i32_0 = arith.constant 0 : i32
    %c0_i32_1 = arith.constant 0 : i32
    return %arg0, %c0_i32, %c0_i32_0 : i32, i32, i32
  }
  func.func @transform_4(%arg0: i32, %arg1: i32) -> (i32, i32) {
    %c0_i32 = arith.constant 0 : i32
    %c0_i32_0 = arith.constant 0 : i32
    %c0_i32_1 = arith.constant 0 : i32
    return %c0_i32, %c0_i32_0 : i32, i32
  }
  func.func @transform_5(%arg0: i32, %arg1: i32) -> (i32, i32) {
    %c0_i32 = arith.constant 0 : i32
    %c0_i32_0 = arith.constant 0 : i32
    %c0_i32_1 = arith.constant 0 : i32
    return %c0_i32, %c0_i32_0 : i32, i32
  }
  func.func @transform_6(%arg0: i32, %arg1: i32) -> (i32, i32) {
    %mul3A = arith.constant 8 : i32
    %mul3A_0 = arith.muli %arg0, %mul3A : i32
    %add3A = arith.addi %mul3A_0, %arg1 : i32
    %c0_i32 = arith.constant 0 : i32
    %c0_i32_1 = arith.constant 0 : i32
    return %add3A, %c0_i32 : i32, i32
  }
  func.func @transform_7(%arg0: i32, %arg1: i32) -> (i32, i32) {
    %mul3A = arith.constant 8 : i32
    %mul3A_0 = arith.muli %arg0, %mul3A : i32
    %add3A = arith.addi %mul3A_0, %arg1 : i32
    %c0_i32 = arith.constant 0 : i32
    %c0_i32_1 = arith.constant 0 : i32
    return %add3A, %c0_i32 : i32, i32
  }
  func.func @transform_8(%arg0: i32, %arg1: i32) -> (i32, i32) {
    %mul3A = arith.constant 8 : i32
    %mul3A_0 = arith.muli %arg0, %mul3A : i32
    %add3A = arith.addi %mul3A_0, %arg1 : i32
    %c0_i32 = arith.constant 0 : i32
    %c0_i32_1 = arith.constant 0 : i32
    return %add3A, %c0_i32 : i32, i32
  }
}

module attributes {stable_mosaic.version = 14 : i64} {
  func.func @_proj_topk_body(%arg0: i32, %arg1: i32, %arg2: memref<1024x2048xf32, #tpu.memory_space<vmem>>, %arg3: memref<256x1024xf32, #tpu.memory_space<vmem>>, %arg4: memref<256x1xf32, #tpu.memory_space<vmem>>, %arg5: memref<1x1x2048xf32, #tpu.memory_space<vmem>>, %arg6: memref<1024x256xf32, #tpu.memory_space<vmem>>, %arg7: memref<1024x256xf32, #tpu.memory_space<vmem>>, %arg8: memref<256x256xf32, #tpu.memory_space<vmem>>, %arg9: memref<256x256xf32, #tpu.memory_space<vmem>>, %arg10: memref<256x16xi32, #tpu.memory_space<vmem>>) attributes {dimension_semantics = [#tpu.dimension_semantics<arbitrary>, #tpu.dimension_semantics<arbitrary>], iteration_bounds = array<i64: 2, 8>, scalar_prefetch = 0 : i64, scratch_operands = 0 : i64, tpu.core_type = #tpu.core_type<tc>, window_params = [{transform_indices = @transform_0, window_bounds = array<i64: 1024, 2048>}, {transform_indices = @transform_1, window_bounds = array<i64: 256, 1024>}, {transform_indices = @transform_2, window_bounds = array<i64: 256, 1>}, {transform_indices = @transform_3, window_bounds = array<i64: 1, 1, 2048>}, {pipeline_mode = #tpu.pipeline_mode<synchronous>, transform_indices = @transform_4, window_bounds = array<i64: 1024, 256>}, {pipeline_mode = #tpu.pipeline_mode<synchronous>, transform_indices = @transform_5, window_bounds = array<i64: 1024, 256>}, {transform_indices = @transform_6, window_bounds = array<i64: 256, 256>}, {transform_indices = @transform_7, window_bounds = array<i64: 256, 256>}, {transform_indices = @transform_8, window_bounds = array<i64: 256, 16>}]} {
    %get3A = arith.constant 0 : index
    %get3A_0 = arith.constant 0 : index
    %get3A_1 = vector.load %arg3[%get3A, %get3A_0] : memref<256x1024xf32, #tpu.memory_space<vmem>>, vector<256x1024xf32>
    %get3A_2 = arith.constant 0 : index
    %get3A_3 = arith.constant 0 : index
    %get3A_4 = vector.load %arg6[%get3A_2, %get3A_3] : memref<1024x256xf32, #tpu.memory_space<vmem>>, vector<1024x256xf32>
    %dot_general3A = arith.constant dense<0.000000e+00> : vector<256x256xf32>
    %dot_general3A_5 = tpu.matmul %get3A_1, %get3A_4, %dot_general3A {dimension_numbers = #tpu.dot_dimension_numbers<[1], [0], [0], [1], [0, 0, 1, 1], [], []>, transpose_lhs_hint = false} : vector<256x1024xf32>, vector<1024x256xf32>, vector<256x256xf32> -> vector<256x256xf32>
    %swap3A = arith.constant 0 : index
    %swap3A_6 = arith.constant 0 : index
    %swap3A_7 = vector.load %arg8[%swap3A, %swap3A_6] : memref<256x256xf32, #tpu.memory_space<vmem>>, vector<256x256xf32>
    tpu.vector_store %arg8[%swap3A, %swap3A_6], %dot_general3A_5 {strides = array<i32>} : memref<256x256xf32, #tpu.memory_space<vmem>>, vector<256x256xf32>,
    %get3A_8 = arith.constant 0 : index
    %get3A_9 = arith.constant 0 : index
    %get3A_10 = vector.load %arg7[%get3A_8, %get3A_9] : memref<1024x256xf32, #tpu.memory_space<vmem>>, vector<1024x256xf32>
    %dot_general3A_11 = arith.constant dense<0.000000e+00> : vector<256x256xf32>
    %dot_general3A_12 = tpu.matmul %get3A_1, %get3A_10, %dot_general3A_11 {dimension_numbers = #tpu.dot_dimension_numbers<[1], [0], [0], [1], [0, 0, 1, 1], [], []>, transpose_lhs_hint = false} : vector<256x1024xf32>, vector<1024x256xf32>, vector<256x256xf32> -> vector<256x256xf32>
    %swap3A_13 = arith.constant 0 : index
    %swap3A_14 = arith.constant 0 : index
    %swap3A_15 = vector.load %arg9[%swap3A_13, %swap3A_14] : memref<256x256xf32, #tpu.memory_space<vmem>>, vector<256x256xf32>
    tpu.vector_store %arg9[%swap3A_13, %swap3A_14], %dot_general3A_12 {strides = array<i32>} : memref<256x256xf32, #tpu.memory_space<vmem>>, vector<256x256xf32>,
    %get3A_16 = arith.constant 0 : index
    %get3A_17 = arith.constant 0 : index
    %get3A_18 = vector.load %arg2[%get3A_16, %get3A_17] : memref<1024x2048xf32, #tpu.memory_space<vmem>>, vector<1024x2048xf32>
    %dot_general3A_19 = arith.constant dense<0.000000e+00> : vector<256x2048xf32>
    %dot_general3A_20 = tpu.matmul %get3A_1, %get3A_18, %dot_general3A_19 {dimension_numbers = #tpu.dot_dimension_numbers<[1], [0], [0], [1], [0, 0, 1, 1], [], []>, transpose_lhs_hint = false} : vector<256x1024xf32>, vector<1024x2048xf32>, vector<256x2048xf32> -> vector<256x2048xf32>
    %get3A_21 = arith.constant 0 : index
    %get3A_22 = arith.constant 0 : index
    %get3A_23 = vector.load %arg4[%get3A_21, %get3A_22] : memref<256x1xf32, #tpu.memory_space<vmem>>, vector<256x1xf32>
    %get3A_24 = arith.constant 0 : index
    %get3A_25 = arith.constant 0 : index
    %get3A_26 = arith.constant 0 : index
    %get3A_27 = vector.load %arg5[%get3A_24, %get3A_25, %get3A_26] : memref<1x1x2048xf32, #tpu.memory_space<vmem>>, vector<1x1x2048xf32>
    %get3A_28 = vector.shape_cast %get3A_27 : vector<1x1x2048xf32> to vector<1x2048xf32>
    %add3A = vector.broadcast %get3A_23 : vector<256x1xf32> to vector<256x2048xf32>
    %add3A_29 = vector.broadcast %get3A_28 : vector<1x2048xf32> to vector<256x2048xf32>
    %add3A_30 = arith.addf %add3A, %add3A_29 : vector<256x2048xf32>
    %mul3A = arith.constant 2.000000e+00 : f32
    %mul3A_31 = vector.broadcast %mul3A : f32 to vector<256x2048xf32>
    %mul3A_32 = arith.mulf %mul3A_31, %dot_general3A_20 : vector<256x2048xf32>
    %sub3A = arith.subf %add3A_30, %mul3A_32 : vector<256x2048xf32>
    %iota3A = tpu.iota {dimensions = array<i32: 1>} : vector<256x2048xi32>
    %broadcast_in_dim3A = arith.constant 0xFF800000 : f32
    %broadcast_in_dim3A_33 = vector.broadcast %broadcast_in_dim3A : f32 to vector<256x1xf32>
    %broadcast_in_dim3A_34 = arith.constant -1 : i32
    %broadcast_in_dim3A_35 = vector.broadcast %broadcast_in_dim3A_34 : i32 to vector<256x1xi32>
    %gt3A = vector.broadcast %broadcast_in_dim3A_33 : vector<256x1xf32> to vector<256x2048xf32>
    %gt3A_36 = arith.cmpf ogt, %sub3A, %gt3A : vector<256x2048xf32>
    %eq3A = vector.broadcast %broadcast_in_dim3A_33 : vector<256x1xf32> to vector<256x2048xf32>
    %eq3A_37 = arith.cmpf oeq, %sub3A, %eq3A : vector<256x2048xf32>
    %gt3A_38 = vector.broadcast %broadcast_in_dim3A_35 : vector<256x1xi32> to vector<256x2048xi32>
    %gt3A_39 = arith.cmpi sgt, %iota3A, %gt3A_38 : vector<256x2048xi32>
    %and3A = arith.andi %eq3A_37, %gt3A_39 : vector<256x2048xi1>
    %or3A = arith.ori %gt3A_36, %and3A : vector<256x2048xi1>
    %jit3A = arith.constant 0x7F800000 : f32
    %broadcast_in_dim3A_40 = vector.broadcast %jit3A : f32 to vector<256x2048xf32>
    %select_n3A = arith.select %or3A, %sub3A, %broadcast_in_dim3A_40 : vector<256x2048xi1>, vector<256x2048xf32>
    %reduce_min3A = arith.constant dense<0x7F800000> : vector<256xf32>
    %reduce_min3A_41 = vector.multi_reduction <minimumf>, %select_n3A, %reduce_min3A [1] : vector<256x2048xf32> to vector<256xf32>
    %broadcast_in_dim3A_42 = vector.shape_cast %reduce_min3A_41 : vector<256xf32> to vector<256x1xf32>
    %le3A = vector.broadcast %broadcast_in_dim3A_42 : vector<256x1xf32> to vector<256x2048xf32>
    %le3A_43 = arith.cmpf ole, %select_n3A, %le3A : vector<256x2048xf32>
    %jit3A_44 = arith.constant 2048 : i32
    %broadcast_in_dim3A_45 = vector.broadcast %jit3A_44 : i32 to vector<256x2048xi32>
    %select_n3A_46 = arith.select %le3A_43, %iota3A, %broadcast_in_dim3A_45 : vector<256x2048xi1>, vector<256x2048xi32>
    %reduce_min3A_47 = arith.constant dense<2147483647> : vector<256xi32>
    %reduce_min3A_48 = vector.multi_reduction <minsi>, %select_n3A_46, %reduce_min3A_47 [1] : vector<256x2048xi32> to vector<256xi32>
    %broadcast_in_dim3A_49 = vector.shape_cast %reduce_min3A_48 : vector<256xi32> to vector<256x1xi32>
    %gt3A_50 = vector.broadcast %broadcast_in_dim3A_42 : vector<256x1xf32> to vector<256x2048xf32>
    %gt3A_51 = arith.cmpf ogt, %sub3A, %gt3A_50 : vector<256x2048xf32>
    %eq3A_52 = vector.broadcast %broadcast_in_dim3A_42 : vector<256x1xf32> to vector<256x2048xf32>
    %eq3A_53 = arith.cmpf oeq, %sub3A, %eq3A_52 : vector<256x2048xf32>
    %gt3A_54 = vector.broadcast %broadcast_in_dim3A_49 : vector<256x1xi32> to vector<256x2048xi32>
    %gt3A_55 = arith.cmpi sgt, %iota3A, %gt3A_54 : vector<256x2048xi32>
    %and3A_56 = arith.andi %eq3A_53, %gt3A_55 : vector<256x2048xi1>
    %or3A_57 = arith.ori %gt3A_51, %and3A_56 : vector<256x2048xi1>
    %jit3A_58 = arith.constant 0x7F800000 : f32
    %broadcast_in_dim3A_59 = vector.broadcast %jit3A_58 : f32 to vector<256x2048xf32>
    %select_n3A_60 = arith.select %or3A_57, %sub3A, %broadcast_in_dim3A_59 : vector<256x2048xi1>, vector<256x2048xf32>
    %reduce_min3A_61 = arith.constant dense<0x7F800000> : vector<256xf32>
    %reduce_min3A_62 = vector.multi_reduction <minimumf>, %select_n3A_60, %reduce_min3A_61 [1] : vector<256x2048xf32> to vector<256xf32>
    %broadcast_in_dim3A_63 = vector.shape_cast %reduce_min3A_62 : vector<256xf32> to vector<256x1xf32>
    %le3A_64 = vector.broadcast %broadcast_in_dim3A_63 : vector<256x1xf32> to vector<256x2048xf32>
    %le3A_65 = arith.cmpf ole, %select_n3A_60, %le3A_64 : vector<256x2048xf32>
    %jit3A_66 = arith.constant 2048 : i32
    %broadcast_in_dim3A_67 = vector.broadcast %jit3A_66 : i32 to vector<256x2048xi32>
    %select_n3A_68 = arith.select %le3A_65, %iota3A, %broadcast_in_dim3A_67 : vector<256x2048xi1>, vector<256x2048xi32>
    %reduce_min3A_69 = arith.constant dense<2147483647> : vector<256xi32>
    %reduce_min3A_70 = vector.multi_reduction <minsi>, %select_n3A_68, %reduce_min3A_69 [1] : vector<256x2048xi32> to vector<256xi32>
    %broadcast_in_dim3A_71 = vector.shape_cast %reduce_min3A_70 : vector<256xi32> to vector<256x1xi32>
    %gt3A_72 = vector.broadcast %broadcast_in_dim3A_63 : vector<256x1xf32> to vector<256x2048xf32>
    %gt3A_73 = arith.cmpf ogt, %sub3A, %gt3A_72 : vector<256x2048xf32>
    %eq3A_74 = vector.broadcast %broadcast_in_dim3A_63 : vector<256x1xf32> to vector<256x2048xf32>
    %eq3A_75 = arith.cmpf oeq, %sub3A, %eq3A_74 : vector<256x2048xf32>
    %gt3A_76 = vector.broadcast %broadcast_in_dim3A_71 : vector<256x1xi32> to vector<256x2048xi32>
    %gt3A_77 = arith.cmpi sgt, %iota3A, %gt3A_76 : vector<256x2048xi32>
    %and3A_78 = arith.andi %eq3A_75, %gt3A_77 : vector<256x2048xi1>
    %or3A_79 = arith.ori %gt3A_73, %and3A_78 : vector<256x2048xi1>
    %jit3A_80 = arith.constant 0x7F800000 : f32
    %broadcast_in_dim3A_81 = vector.broadcast %jit3A_80 : f32 to vector<256x2048xf32>
    %select_n3A_82 = arith.select %or3A_79, %sub3A, %broadcast_in_dim3A_81 : vector<256x2048xi1>, vector<256x2048xf32>
    %reduce_min3A_83 = arith.constant dense<0x7F800000> : vector<256xf32>
    %reduce_min3A_84 = vector.multi_reduction <minimumf>, %select_n3A_82, %reduce_min3A_83 [1] : vector<256x2048xf32> to vector<256xf32>
    %broadcast_in_dim3A_85 = vector.shape_cast %reduce_min3A_84 : vector<256xf32> to vector<256x1xf32>
    %le3A_86 = vector.broadcast %broadcast_in_dim3A_85 : vector<256x1xf32> to vector<256x2048xf32>
    %le3A_87 = arith.cmpf ole, %select_n3A_82, %le3A_86 : vector<256x2048xf32>
    %jit3A_88 = arith.constant 2048 : i32
    %broadcast_in_dim3A_89 = vector.broadcast %jit3A_88 : i32 to vector<256x2048xi32>
    %select_n3A_90 = arith.select %le3A_87, %iota3A, %broadcast_in_dim3A_89 : vector<256x2048xi1>, vector<256x2048xi32>
    %reduce_min3A_91 = arith.constant dense<2147483647> : vector<256xi32>
    %reduce_min3A_92 = vector.multi_reduction <minsi>, %select_n3A_90, %reduce_min3A_91 [1] : vector<256x2048xi32> to vector<256xi32>
    %broadcast_in_dim3A_93 = vector.shape_cast %reduce_min3A_92 : vector<256xi32> to vector<256x1xi32>
    %gt3A_94 = vector.broadcast %broadcast_in_dim3A_85 : vector<256x1xf32> to vector<256x2048xf32>
    %gt3A_95 = arith.cmpf ogt, %sub3A, %gt3A_94 : vector<256x2048xf32>
    %eq3A_96 = vector.broadcast %broadcast_in_dim3A_85 : vector<256x1xf32> to vector<256x2048xf32>
    %eq3A_97 = arith.cmpf oeq, %sub3A, %eq3A_96 : vector<256x2048xf32>
    %gt3A_98 = vector.broadcast %broadcast_in_dim3A_93 : vector<256x1xi32> to vector<256x2048xi32>
    %gt3A_99 = arith.cmpi sgt, %iota3A, %gt3A_98 : vector<256x2048xi32>
    %and3A_100 = arith.andi %eq3A_97, %gt3A_99 : vector<256x2048xi1>
    %or3A_101 = arith.ori %gt3A_95, %and3A_100 : vector<256x2048xi1>
    %jit3A_102 = arith.constant 0x7F800000 : f32
    %broadcast_in_dim3A_103 = vector.broadcast %jit3A_102 : f32 to vector<256x2048xf32>
    %select_n3A_104 = arith.select %or3A_101, %sub3A, %broadcast_in_dim3A_103 : vector<256x2048xi1>, vector<256x2048xf32>
    %reduce_min3A_105 = arith.constant dense<0x7F800000> : vector<256xf32>
    %reduce_min3A_106 = vector.multi_reduction <minimumf>, %select_n3A_104, %reduce_min3A_105 [1] : vector<256x2048xf32> to vector<256xf32>
    %broadcast_in_dim3A_107 = vector.shape_cast %reduce_min3A_106 : vector<256xf32> to vector<256x1xf32>
    %le3A_108 = vector.broadcast %broadcast_in_dim3A_107 : vector<256x1xf32> to vector<256x2048xf32>
    %le3A_109 = arith.cmpf ole, %select_n3A_104, %le3A_108 : vector<256x2048xf32>
    %jit3A_110 = arith.constant 2048 : i32
    %broadcast_in_dim3A_111 = vector.broadcast %jit3A_110 : i32 to vector<256x2048xi32>
    %select_n3A_112 = arith.select %le3A_109, %iota3A, %broadcast_in_dim3A_111 : vector<256x2048xi1>, vector<256x2048xi32>
    %reduce_min3A_113 = arith.constant dense<2147483647> : vector<256xi32>
    %reduce_min3A_114 = vector.multi_reduction <minsi>, %select_n3A_112, %reduce_min3A_113 [1] : vector<256x2048xi32> to vector<256xi32>
    %broadcast_in_dim3A_115 = vector.shape_cast %reduce_min3A_114 : vector<256xi32> to vector<256x1xi32>
    %gt3A_116 = vector.broadcast %broadcast_in_dim3A_107 : vector<256x1xf32> to vector<256x2048xf32>
    %gt3A_117 = arith.cmpf ogt, %sub3A, %gt3A_116 : vector<256x2048xf32>
    %eq3A_118 = vector.broadcast %broadcast_in_dim3A_107 : vector<256x1xf32> to vector<256x2048xf32>
    %eq3A_119 = arith.cmpf oeq, %sub3A, %eq3A_118 : vector<256x2048xf32>
    %gt3A_120 = vector.broadcast %broadcast_in_dim3A_115 : vector<256x1xi32> to vector<256x2048xi32>
    %gt3A_121 = arith.cmpi sgt, %iota3A, %gt3A_120 : vector<256x2048xi32>
    %and3A_122 = arith.andi %eq3A_119, %gt3A_121 : vector<256x2048xi1>
    %or3A_123 = arith.ori %gt3A_117, %and3A_122 : vector<256x2048xi1>
    %jit3A_124 = arith.constant 0x7F800000 : f32
    %broadcast_in_dim3A_125 = vector.broadcast %jit3A_124 : f32 to vector<256x2048xf32>
    %select_n3A_126 = arith.select %or3A_123, %sub3A, %broadcast_in_dim3A_125 : vector<256x2048xi1>, vector<256x2048xf32>
    %reduce_min3A_127 = arith.constant dense<0x7F800000> : vector<256xf32>
    %reduce_min3A_128 = vector.multi_reduction <minimumf>, %select_n3A_126, %reduce_min3A_127 [1] : vector<256x2048xf32> to vector<256xf32>
    %broadcast_in_dim3A_129 = vector.shape_cast %reduce_min3A_128 : vector<256xf32> to vector<256x1xf32>
    %le3A_130 = vector.broadcast %broadcast_in_dim3A_129 : vector<256x1xf32> to vector<256x2048xf32>
    %le3A_131 = arith.cmpf ole, %select_n3A_126, %le3A_130 : vector<256x2048xf32>
    %jit3A_132 = arith.constant 2048 : i32
    %broadcast_in_dim3A_133 = vector.broadcast %jit3A_132 : i32 to vector<256x2048xi32>
    %select_n3A_134 = arith.select %le3A_131, %iota3A, %broadcast_in_dim3A_133 : vector<256x2048xi1>, vector<256x2048xi32>
    %reduce_min3A_135 = arith.constant dense<2147483647> : vector<256xi32>
    %reduce_min3A_136 = vector.multi_reduction <minsi>, %select_n3A_134, %reduce_min3A_135 [1] : vector<256x2048xi32> to vector<256xi32>
    %broadcast_in_dim3A_137 = vector.shape_cast %reduce_min3A_136 : vector<256xi32> to vector<256x1xi32>
    %gt3A_138 = vector.broadcast %broadcast_in_dim3A_129 : vector<256x1xf32> to vector<256x2048xf32>
    %gt3A_139 = arith.cmpf ogt, %sub3A, %gt3A_138 : vector<256x2048xf32>
    %eq3A_140 = vector.broadcast %broadcast_in_dim3A_129 : vector<256x1xf32> to vector<256x2048xf32>
    %eq3A_141 = arith.cmpf oeq, %sub3A, %eq3A_140 : vector<256x2048xf32>
    %gt3A_142 = vector.broadcast %broadcast_in_dim3A_137 : vector<256x1xi32> to vector<256x2048xi32>
    %gt3A_143 = arith.cmpi sgt, %iota3A, %gt3A_142 : vector<256x2048xi32>
    %and3A_144 = arith.andi %eq3A_141, %gt3A_143 : vector<256x2048xi1>
    %or3A_145 = arith.ori %gt3A_139, %and3A_144 : vector<256x2048xi1>
    %jit3A_146 = arith.constant 0x7F800000 : f32
    %broadcast_in_dim3A_147 = vector.broadcast %jit3A_146 : f32 to vector<256x2048xf32>
    %select_n3A_148 = arith.select %or3A_145, %sub3A, %broadcast_in_dim3A_147 : vector<256x2048xi1>, vector<256x2048xf32>
    %reduce_min3A_149 = arith.constant dense<0x7F800000> : vector<256xf32>
    %reduce_min3A_150 = vector.multi_reduction <minimumf>, %select_n3A_148, %reduce_min3A_149 [1] : vector<256x2048xf32> to vector<256xf32>
    %broadcast_in_dim3A_151 = vector.shape_cast %reduce_min3A_150 : vector<256xf32> to vector<256x1xf32>
    %le3A_152 = vector.broadcast %broadcast_in_dim3A_151 : vector<256x1xf32> to vector<256x2048xf32>
    %le3A_153 = arith.cmpf ole, %select_n3A_148, %le3A_152 : vector<256x2048xf32>
    %jit3A_154 = arith.constant 2048 : i32
    %broadcast_in_dim3A_155 = vector.broadcast %jit3A_154 : i32 to vector<256x2048xi32>
    %select_n3A_156 = arith.select %le3A_153, %iota3A, %broadcast_in_dim3A_155 : vector<256x2048xi1>, vector<256x2048xi32>
    %reduce_min3A_157 = arith.constant dense<2147483647> : vector<256xi32>
    %reduce_min3A_158 = vector.multi_reduction <minsi>, %select_n3A_156, %reduce_min3A_157 [1] : vector<256x2048xi32> to vector<256xi32>
    %broadcast_in_dim3A_159 = vector.shape_cast %reduce_min3A_158 : vector<256xi32> to vector<256x1xi32>
    %gt3A_160 = vector.broadcast %broadcast_in_dim3A_151 : vector<256x1xf32> to vector<256x2048xf32>
    %gt3A_161 = arith.cmpf ogt, %sub3A, %gt3A_160 : vector<256x2048xf32>
    %eq3A_162 = vector.broadcast %broadcast_in_dim3A_151 : vector<256x1xf32> to vector<256x2048xf32>
    %eq3A_163 = arith.cmpf oeq, %sub3A, %eq3A_162 : vector<256x2048xf32>
    %gt3A_164 = vector.broadcast %broadcast_in_dim3A_159 : vector<256x1xi32> to vector<256x2048xi32>
    %gt3A_165 = arith.cmpi sgt, %iota3A, %gt3A_164 : vector<256x2048xi32>
    %and3A_166 = arith.andi %eq3A_163, %gt3A_165 : vector<256x2048xi1>
    %or3A_167 = arith.ori %gt3A_161, %and3A_166 : vector<256x2048xi1>
    %jit3A_168 = arith.constant 0x7F800000 : f32
    %broadcast_in_dim3A_169 = vector.broadcast %jit3A_168 : f32 to vector<256x2048xf32>
    %select_n3A_170 = arith.select %or3A_167, %sub3A, %broadcast_in_dim3A_169 : vector<256x2048xi1>, vector<256x2048xf32>
    %reduce_min3A_171 = arith.constant dense<0x7F800000> : vector<256xf32>
    %reduce_min3A_172 = vector.multi_reduction <minimumf>, %select_n3A_170, %reduce_min3A_171 [1] : vector<256x2048xf32> to vector<256xf32>
    %broadcast_in_dim3A_173 = vector.shape_cast %reduce_min3A_172 : vector<256xf32> to vector<256x1xf32>
    %le3A_174 = vector.broadcast %broadcast_in_dim3A_173 : vector<256x1xf32> to vector<256x2048xf32>
    %le3A_175 = arith.cmpf ole, %select_n3A_170, %le3A_174 : vector<256x2048xf32>
    %jit3A_176 = arith.constant 2048 : i32
    %broadcast_in_dim3A_177 = vector.broadcast %jit3A_176 : i32 to vector<256x2048xi32>
    %select_n3A_178 = arith.select %le3A_175, %iota3A, %broadcast_in_dim3A_177 : vector<256x2048xi1>, vector<256x2048xi32>
    %reduce_min3A_179 = arith.constant dense<2147483647> : vector<256xi32>
    %reduce_min3A_180 = vector.multi_reduction <minsi>, %select_n3A_178, %reduce_min3A_179 [1] : vector<256x2048xi32> to vector<256xi32>
    %broadcast_in_dim3A_181 = vector.shape_cast %reduce_min3A_180 : vector<256xi32> to vector<256x1xi32>
    %gt3A_182 = vector.broadcast %broadcast_in_dim3A_173 : vector<256x1xf32> to vector<256x2048xf32>
    %gt3A_183 = arith.cmpf ogt, %sub3A, %gt3A_182 : vector<256x2048xf32>
    %eq3A_184 = vector.broadcast %broadcast_in_dim3A_173 : vector<256x1xf32> to vector<256x2048xf32>
    %eq3A_185 = arith.cmpf oeq, %sub3A, %eq3A_184 : vector<256x2048xf32>
    %gt3A_186 = vector.broadcast %broadcast_in_dim3A_181 : vector<256x1xi32> to vector<256x2048xi32>
    %gt3A_187 = arith.cmpi sgt, %iota3A, %gt3A_186 : vector<256x2048xi32>
    %and3A_188 = arith.andi %eq3A_185, %gt3A_187 : vector<256x2048xi1>
    %or3A_189 = arith.ori %gt3A_183, %and3A_188 : vector<256x2048xi1>
    %jit3A_190 = arith.constant 0x7F800000 : f32
    %broadcast_in_dim3A_191 = vector.broadcast %jit3A_190 : f32 to vector<256x2048xf32>
    %select_n3A_192 = arith.select %or3A_189, %sub3A, %broadcast_in_dim3A_191 : vector<256x2048xi1>, vector<256x2048xf32>
    %reduce_min3A_193 = arith.constant dense<0x7F800000> : vector<256xf32>
    %reduce_min3A_194 = vector.multi_reduction <minimumf>, %select_n3A_192, %reduce_min3A_193 [1] : vector<256x2048xf32> to vector<256xf32>
    %broadcast_in_dim3A_195 = vector.shape_cast %reduce_min3A_194 : vector<256xf32> to vector<256x1xf32>
    %le3A_196 = vector.broadcast %broadcast_in_dim3A_195 : vector<256x1xf32> to vector<256x2048xf32>
    %le3A_197 = arith.cmpf ole, %select_n3A_192, %le3A_196 : vector<256x2048xf32>
    %jit3A_198 = arith.constant 2048 : i32
    %broadcast_in_dim3A_199 = vector.broadcast %jit3A_198 : i32 to vector<256x2048xi32>
    %select_n3A_200 = arith.select %le3A_197, %iota3A, %broadcast_in_dim3A_199 : vector<256x2048xi1>, vector<256x2048xi32>
    %reduce_min3A_201 = arith.constant dense<2147483647> : vector<256xi32>
    %reduce_min3A_202 = vector.multi_reduction <minsi>, %select_n3A_200, %reduce_min3A_201 [1] : vector<256x2048xi32> to vector<256xi32>
    %broadcast_in_dim3A_203 = vector.shape_cast %reduce_min3A_202 : vector<256xi32> to vector<256x1xi32>
    %gt3A_204 = vector.broadcast %broadcast_in_dim3A_195 : vector<256x1xf32> to vector<256x2048xf32>
    %gt3A_205 = arith.cmpf ogt, %sub3A, %gt3A_204 : vector<256x2048xf32>
    %eq3A_206 = vector.broadcast %broadcast_in_dim3A_195 : vector<256x1xf32> to vector<256x2048xf32>
    %eq3A_207 = arith.cmpf oeq, %sub3A, %eq3A_206 : vector<256x2048xf32>
    %gt3A_208 = vector.broadcast %broadcast_in_dim3A_203 : vector<256x1xi32> to vector<256x2048xi32>
    %gt3A_209 = arith.cmpi sgt, %iota3A, %gt3A_208 : vector<256x2048xi32>
    %and3A_210 = arith.andi %eq3A_207, %gt3A_209 : vector<256x2048xi1>
    %or3A_211 = arith.ori %gt3A_205, %and3A_210 : vector<256x2048xi1>
    %jit3A_212 = arith.constant 0x7F800000 : f32
    %broadcast_in_dim3A_213 = vector.broadcast %jit3A_212 : f32 to vector<256x2048xf32>
    %select_n3A_214 = arith.select %or3A_211, %sub3A, %broadcast_in_dim3A_213 : vector<256x2048xi1>, vector<256x2048xf32>
    %reduce_min3A_215 = arith.constant dense<0x7F800000> : vector<256xf32>
    %reduce_min3A_216 = vector.multi_reduction <minimumf>, %select_n3A_214, %reduce_min3A_215 [1] : vector<256x2048xf32> to vector<256xf32>
    %broadcast_in_dim3A_217 = vector.shape_cast %reduce_min3A_216 : vector<256xf32> to vector<256x1xf32>
    %le3A_218 = vector.broadcast %broadcast_in_dim3A_217 : vector<256x1xf32> to vector<256x2048xf32>
    %le3A_219 = arith.cmpf ole, %select_n3A_214, %le3A_218 : vector<256x2048xf32>
    %jit3A_220 = arith.constant 2048 : i32
    %broadcast_in_dim3A_221 = vector.broadcast %jit3A_220 : i32 to vector<256x2048xi32>
    %select_n3A_222 = arith.select %le3A_219, %iota3A, %broadcast_in_dim3A_221 : vector<256x2048xi1>, vector<256x2048xi32>
    %reduce_min3A_223 = arith.constant dense<2147483647> : vector<256xi32>
    %reduce_min3A_224 = vector.multi_reduction <minsi>, %select_n3A_222, %reduce_min3A_223 [1] : vector<256x2048xi32> to vector<256xi32>
    %broadcast_in_dim3A_225 = vector.shape_cast %reduce_min3A_224 : vector<256xi32> to vector<256x1xi32>
    %gt3A_226 = vector.broadcast %broadcast_in_dim3A_217 : vector<256x1xf32> to vector<256x2048xf32>
    %gt3A_227 = arith.cmpf ogt, %sub3A, %gt3A_226 : vector<256x2048xf32>
    %eq3A_228 = vector.broadcast %broadcast_in_dim3A_217 : vector<256x1xf32> to vector<256x2048xf32>
    %eq3A_229 = arith.cmpf oeq, %sub3A, %eq3A_228 : vector<256x2048xf32>
    %gt3A_230 = vector.broadcast %broadcast_in_dim3A_225 : vector<256x1xi32> to vector<256x2048xi32>
    %gt3A_231 = arith.cmpi sgt, %iota3A, %gt3A_230 : vector<256x2048xi32>
    %and3A_232 = arith.andi %eq3A_229, %gt3A_231 : vector<256x2048xi1>
    %or3A_233 = arith.ori %gt3A_227, %and3A_232 : vector<256x2048xi1>
    %jit3A_234 = arith.constant 0x7F800000 : f32
    %broadcast_in_dim3A_235 = vector.broadcast %jit3A_234 : f32 to vector<256x2048xf32>
    %select_n3A_236 = arith.select %or3A_233, %sub3A, %broadcast_in_dim3A_235 : vector<256x2048xi1>, vector<256x2048xf32>
    %reduce_min3A_237 = arith.constant dense<0x7F800000> : vector<256xf32>
    %reduce_min3A_238 = vector.multi_reduction <minimumf>, %select_n3A_236, %reduce_min3A_237 [1] : vector<256x2048xf32> to vector<256xf32>
    %broadcast_in_dim3A_239 = vector.shape_cast %reduce_min3A_238 : vector<256xf32> to vector<256x1xf32>
    %le3A_240 = vector.broadcast %broadcast_in_dim3A_239 : vector<256x1xf32> to vector<256x2048xf32>
    %le3A_241 = arith.cmpf ole, %select_n3A_236, %le3A_240 : vector<256x2048xf32>
    %jit3A_242 = arith.constant 2048 : i32
    %broadcast_in_dim3A_243 = vector.broadcast %jit3A_242 : i32 to vector<256x2048xi32>
    %select_n3A_244 = arith.select %le3A_241, %iota3A, %broadcast_in_dim3A_243 : vector<256x2048xi1>, vector<256x2048xi32>
    %reduce_min3A_245 = arith.constant dense<2147483647> : vector<256xi32>
    %reduce_min3A_246 = vector.multi_reduction <minsi>, %select_n3A_244, %reduce_min3A_245 [1] : vector<256x2048xi32> to vector<256xi32>
    %broadcast_in_dim3A_247 = vector.shape_cast %reduce_min3A_246 : vector<256xi32> to vector<256x1xi32>
    %gt3A_248 = vector.broadcast %broadcast_in_dim3A_239 : vector<256x1xf32> to vector<256x2048xf32>
    %gt3A_249 = arith.cmpf ogt, %sub3A, %gt3A_248 : vector<256x2048xf32>
    %eq3A_250 = vector.broadcast %broadcast_in_dim3A_239 : vector<256x1xf32> to vector<256x2048xf32>
    %eq3A_251 = arith.cmpf oeq, %sub3A, %eq3A_250 : vector<256x2048xf32>
    %gt3A_252 = vector.broadcast %broadcast_in_dim3A_247 : vector<256x1xi32> to vector<256x2048xi32>
    %gt3A_253 = arith.cmpi sgt, %iota3A, %gt3A_252 : vector<256x2048xi32>
    %and3A_254 = arith.andi %eq3A_251, %gt3A_253 : vector<256x2048xi1>
    %or3A_255 = arith.ori %gt3A_249, %and3A_254 : vector<256x2048xi1>
    %jit3A_256 = arith.constant 0x7F800000 : f32
    %broadcast_in_dim3A_257 = vector.broadcast %jit3A_256 : f32 to vector<256x2048xf32>
    %select_n3A_258 = arith.select %or3A_255, %sub3A, %broadcast_in_dim3A_257 : vector<256x2048xi1>, vector<256x2048xf32>
    %reduce_min3A_259 = arith.constant dense<0x7F800000> : vector<256xf32>
    %reduce_min3A_260 = vector.multi_reduction <minimumf>, %select_n3A_258, %reduce_min3A_259 [1] : vector<256x2048xf32> to vector<256xf32>
    %broadcast_in_dim3A_261 = vector.shape_cast %reduce_min3A_260 : vector<256xf32> to vector<256x1xf32>
    %le3A_262 = vector.broadcast %broadcast_in_dim3A_261 : vector<256x1xf32> to vector<256x2048xf32>
    %le3A_263 = arith.cmpf ole, %select_n3A_258, %le3A_262 : vector<256x2048xf32>
    %jit3A_264 = arith.constant 2048 : i32
    %broadcast_in_dim3A_265 = vector.broadcast %jit3A_264 : i32 to vector<256x2048xi32>
    %select_n3A_266 = arith.select %le3A_263, %iota3A, %broadcast_in_dim3A_265 : vector<256x2048xi1>, vector<256x2048xi32>
    %reduce_min3A_267 = arith.constant dense<2147483647> : vector<256xi32>
    %reduce_min3A_268 = vector.multi_reduction <minsi>, %select_n3A_266, %reduce_min3A_267 [1] : vector<256x2048xi32> to vector<256xi32>
    %broadcast_in_dim3A_269 = vector.shape_cast %reduce_min3A_268 : vector<256xi32> to vector<256x1xi32>
    %gt3A_270 = vector.broadcast %broadcast_in_dim3A_261 : vector<256x1xf32> to vector<256x2048xf32>
    %gt3A_271 = arith.cmpf ogt, %sub3A, %gt3A_270 : vector<256x2048xf32>
    %eq3A_272 = vector.broadcast %broadcast_in_dim3A_261 : vector<256x1xf32> to vector<256x2048xf32>
    %eq3A_273 = arith.cmpf oeq, %sub3A, %eq3A_272 : vector<256x2048xf32>
    %gt3A_274 = vector.broadcast %broadcast_in_dim3A_269 : vector<256x1xi32> to vector<256x2048xi32>
    %gt3A_275 = arith.cmpi sgt, %iota3A, %gt3A_274 : vector<256x2048xi32>
    %and3A_276 = arith.andi %eq3A_273, %gt3A_275 : vector<256x2048xi1>
    %or3A_277 = arith.ori %gt3A_271, %and3A_276 : vector<256x2048xi1>
    %jit3A_278 = arith.constant 0x7F800000 : f32
    %broadcast_in_dim3A_279 = vector.broadcast %jit3A_278 : f32 to vector<256x2048xf32>
    %select_n3A_280 = arith.select %or3A_277, %sub3A, %broadcast_in_dim3A_279 : vector<256x2048xi1>, vector<256x2048xf32>
    %reduce_min3A_281 = arith.constant dense<0x7F800000> : vector<256xf32>
    %reduce_min3A_282 = vector.multi_reduction <minimumf>, %select_n3A_280, %reduce_min3A_281 [1] : vector<256x2048xf32> to vector<256xf32>
    %broadcast_in_dim3A_283 = vector.shape_cast %reduce_min3A_282 : vector<256xf32> to vector<256x1xf32>
    %le3A_284 = vector.broadcast %broadcast_in_dim3A_283 : vector<256x1xf32> to vector<256x2048xf32>
    %le3A_285 = arith.cmpf ole, %select_n3A_280, %le3A_284 : vector<256x2048xf32>
    %jit3A_286 = arith.constant 2048 : i32
    %broadcast_in_dim3A_287 = vector.broadcast %jit3A_286 : i32 to vector<256x2048xi32>
    %select_n3A_288 = arith.select %le3A_285, %iota3A, %broadcast_in_dim3A_287 : vector<256x2048xi1>, vector<256x2048xi32>
    %reduce_min3A_289 = arith.constant dense<2147483647> : vector<256xi32>
    %reduce_min3A_290 = vector.multi_reduction <minsi>, %select_n3A_288, %reduce_min3A_289 [1] : vector<256x2048xi32> to vector<256xi32>
    %broadcast_in_dim3A_291 = vector.shape_cast %reduce_min3A_290 : vector<256xi32> to vector<256x1xi32>
    %gt3A_292 = vector.broadcast %broadcast_in_dim3A_283 : vector<256x1xf32> to vector<256x2048xf32>
    %gt3A_293 = arith.cmpf ogt, %sub3A, %gt3A_292 : vector<256x2048xf32>
    %eq3A_294 = vector.broadcast %broadcast_in_dim3A_283 : vector<256x1xf32> to vector<256x2048xf32>
    %eq3A_295 = arith.cmpf oeq, %sub3A, %eq3A_294 : vector<256x2048xf32>
    %gt3A_296 = vector.broadcast %broadcast_in_dim3A_291 : vector<256x1xi32> to vector<256x2048xi32>
    %gt3A_297 = arith.cmpi sgt, %iota3A, %gt3A_296 : vector<256x2048xi32>
    %and3A_298 = arith.andi %eq3A_295, %gt3A_297 : vector<256x2048xi1>
    %or3A_299 = arith.ori %gt3A_293, %and3A_298 : vector<256x2048xi1>
    %jit3A_300 = arith.constant 0x7F800000 : f32
    %broadcast_in_dim3A_301 = vector.broadcast %jit3A_300 : f32 to vector<256x2048xf32>
    %select_n3A_302 = arith.select %or3A_299, %sub3A, %broadcast_in_dim3A_301 : vector<256x2048xi1>, vector<256x2048xf32>
    %reduce_min3A_303 = arith.constant dense<0x7F800000> : vector<256xf32>
    %reduce_min3A_304 = vector.multi_reduction <minimumf>, %select_n3A_302, %reduce_min3A_303 [1] : vector<256x2048xf32> to vector<256xf32>
    %broadcast_in_dim3A_305 = vector.shape_cast %reduce_min3A_304 : vector<256xf32> to vector<256x1xf32>
    %le3A_306 = vector.broadcast %broadcast_in_dim3A_305 : vector<256x1xf32> to vector<256x2048xf32>
    %le3A_307 = arith.cmpf ole, %select_n3A_302, %le3A_306 : vector<256x2048xf32>
    %jit3A_308 = arith.constant 2048 : i32
    %broadcast_in_dim3A_309 = vector.broadcast %jit3A_308 : i32 to vector<256x2048xi32>
    %select_n3A_310 = arith.select %le3A_307, %iota3A, %broadcast_in_dim3A_309 : vector<256x2048xi1>, vector<256x2048xi32>
    %reduce_min3A_311 = arith.constant dense<2147483647> : vector<256xi32>
    %reduce_min3A_312 = vector.multi_reduction <minsi>, %select_n3A_310, %reduce_min3A_311 [1] : vector<256x2048xi32> to vector<256xi32>
    %broadcast_in_dim3A_313 = vector.shape_cast %reduce_min3A_312 : vector<256xi32> to vector<256x1xi32>
    %gt3A_314 = vector.broadcast %broadcast_in_dim3A_305 : vector<256x1xf32> to vector<256x2048xf32>
    %gt3A_315 = arith.cmpf ogt, %sub3A, %gt3A_314 : vector<256x2048xf32>
    %eq3A_316 = vector.broadcast %broadcast_in_dim3A_305 : vector<256x1xf32> to vector<256x2048xf32>
    %eq3A_317 = arith.cmpf oeq, %sub3A, %eq3A_316 : vector<256x2048xf32>
    %gt3A_318 = vector.broadcast %broadcast_in_dim3A_313 : vector<256x1xi32> to vector<256x2048xi32>
    %gt3A_319 = arith.cmpi sgt, %iota3A, %gt3A_318 : vector<256x2048xi32>
    %and3A_320 = arith.andi %eq3A_317, %gt3A_319 : vector<256x2048xi1>
    %or3A_321 = arith.ori %gt3A_315, %and3A_320 : vector<256x2048xi1>
    %jit3A_322 = arith.constant 0x7F800000 : f32
    %broadcast_in_dim3A_323 = vector.broadcast %jit3A_322 : f32 to vector<256x2048xf32>
    %select_n3A_324 = arith.select %or3A_321, %sub3A, %broadcast_in_dim3A_323 : vector<256x2048xi1>, vector<256x2048xf32>
    %reduce_min3A_325 = arith.constant dense<0x7F800000> : vector<256xf32>
    %reduce_min3A_326 = vector.multi_reduction <minimumf>, %select_n3A_324, %reduce_min3A_325 [1] : vector<256x2048xf32> to vector<256xf32>
    %broadcast_in_dim3A_327 = vector.shape_cast %reduce_min3A_326 : vector<256xf32> to vector<256x1xf32>
    %le3A_328 = vector.broadcast %broadcast_in_dim3A_327 : vector<256x1xf32> to vector<256x2048xf32>
    %le3A_329 = arith.cmpf ole, %select_n3A_324, %le3A_328 : vector<256x2048xf32>
    %jit3A_330 = arith.constant 2048 : i32
    %broadcast_in_dim3A_331 = vector.broadcast %jit3A_330 : i32 to vector<256x2048xi32>
    %select_n3A_332 = arith.select %le3A_329, %iota3A, %broadcast_in_dim3A_331 : vector<256x2048xi1>, vector<256x2048xi32>
    %reduce_min3A_333 = arith.constant dense<2147483647> : vector<256xi32>
    %reduce_min3A_334 = vector.multi_reduction <minsi>, %select_n3A_332, %reduce_min3A_333 [1] : vector<256x2048xi32> to vector<256xi32>
    %broadcast_in_dim3A_335 = vector.shape_cast %reduce_min3A_334 : vector<256xi32> to vector<256x1xi32>
    %gt3A_336 = vector.broadcast %broadcast_in_dim3A_327 : vector<256x1xf32> to vector<256x2048xf32>
    %gt3A_337 = arith.cmpf ogt, %sub3A, %gt3A_336 : vector<256x2048xf32>
    %eq3A_338 = vector.broadcast %broadcast_in_dim3A_327 : vector<256x1xf32> to vector<256x2048xf32>
    %eq3A_339 = arith.cmpf oeq, %sub3A, %eq3A_338 : vector<256x2048xf32>
    %gt3A_340 = vector.broadcast %broadcast_in_dim3A_335 : vector<256x1xi32> to vector<256x2048xi32>
    %gt3A_341 = arith.cmpi sgt, %iota3A, %gt3A_340 : vector<256x2048xi32>
    %and3A_342 = arith.andi %eq3A_339, %gt3A_341 : vector<256x2048xi1>
    %or3A_343 = arith.ori %gt3A_337, %and3A_342 : vector<256x2048xi1>
    %jit3A_344 = arith.constant 0x7F800000 : f32
    %broadcast_in_dim3A_345 = vector.broadcast %jit3A_344 : f32 to vector<256x2048xf32>
    %select_n3A_346 = arith.select %or3A_343, %sub3A, %broadcast_in_dim3A_345 : vector<256x2048xi1>, vector<256x2048xf32>
    %reduce_min3A_347 = arith.constant dense<0x7F800000> : vector<256xf32>
    %reduce_min3A_348 = vector.multi_reduction <minimumf>, %select_n3A_346, %reduce_min3A_347 [1] : vector<256x2048xf32> to vector<256xf32>
    %broadcast_in_dim3A_349 = vector.shape_cast %reduce_min3A_348 : vector<256xf32> to vector<256x1xf32>
    %le3A_350 = vector.broadcast %broadcast_in_dim3A_349 : vector<256x1xf32> to vector<256x2048xf32>
    %le3A_351 = arith.cmpf ole, %select_n3A_346, %le3A_350 : vector<256x2048xf32>
    %jit3A_352 = arith.constant 2048 : i32
    %broadcast_in_dim3A_353 = vector.broadcast %jit3A_352 : i32 to vector<256x2048xi32>
    %select_n3A_354 = arith.select %le3A_351, %iota3A, %broadcast_in_dim3A_353 : vector<256x2048xi1>, vector<256x2048xi32>
    %reduce_min3A_355 = arith.constant dense<2147483647> : vector<256xi32>
    %reduce_min3A_356 = vector.multi_reduction <minsi>, %select_n3A_354, %reduce_min3A_355 [1] : vector<256x2048xi32> to vector<256xi32>
    %broadcast_in_dim3A_357 = vector.shape_cast %reduce_min3A_356 : vector<256xi32> to vector<256x1xi32>
    %gt3A_358 = vector.broadcast %broadcast_in_dim3A_349 : vector<256x1xf32> to vector<256x2048xf32>
    %gt3A_359 = arith.cmpf ogt, %sub3A, %gt3A_358 : vector<256x2048xf32>
    %eq3A_360 = vector.broadcast %broadcast_in_dim3A_349 : vector<256x1xf32> to vector<256x2048xf32>
    %eq3A_361 = arith.cmpf oeq, %sub3A, %eq3A_360 : vector<256x2048xf32>
    %gt3A_362 = vector.broadcast %broadcast_in_dim3A_357 : vector<256x1xi32> to vector<256x2048xi32>
    %gt3A_363 = arith.cmpi sgt, %iota3A, %gt3A_362 : vector<256x2048xi32>
    %and3A_364 = arith.andi %eq3A_361, %gt3A_363 : vector<256x2048xi1>
    %or3A_365 = arith.ori %gt3A_359, %and3A_364 : vector<256x2048xi1>
    %jit3A_366 = arith.constant 0x7F800000 : f32
    %broadcast_in_dim3A_367 = vector.broadcast %jit3A_366 : f32 to vector<256x2048xf32>
    %select_n3A_368 = arith.select %or3A_365, %sub3A, %broadcast_in_dim3A_367 : vector<256x2048xi1>, vector<256x2048xf32>
    %reduce_min3A_369 = arith.constant dense<0x7F800000> : vector<256xf32>
    %reduce_min3A_370 = vector.multi_reduction <minimumf>, %select_n3A_368, %reduce_min3A_369 [1] : vector<256x2048xf32> to vector<256xf32>
    %broadcast_in_dim3A_371 = vector.shape_cast %reduce_min3A_370 : vector<256xf32> to vector<256x1xf32>
    %le3A_372 = vector.broadcast %broadcast_in_dim3A_371 : vector<256x1xf32> to vector<256x2048xf32>
    %le3A_373 = arith.cmpf ole, %select_n3A_368, %le3A_372 : vector<256x2048xf32>
    %jit3A_374 = arith.constant 2048 : i32
    %broadcast_in_dim3A_375 = vector.broadcast %jit3A_374 : i32 to vector<256x2048xi32>
    %select_n3A_376 = arith.select %le3A_373, %iota3A, %broadcast_in_dim3A_375 : vector<256x2048xi1>, vector<256x2048xi32>
    %reduce_min3A_377 = arith.constant dense<2147483647> : vector<256xi32>
    %reduce_min3A_378 = vector.multi_reduction <minsi>, %select_n3A_376, %reduce_min3A_377 [1] : vector<256x2048xi32> to vector<256xi32>
    %broadcast_in_dim3A_379 = vector.shape_cast %reduce_min3A_378 : vector<256xi32> to vector<256x1xi32>
    %concatenate3A = tpu.concatenate %broadcast_in_dim3A_49, %broadcast_in_dim3A_71, %broadcast_in_dim3A_93, %broadcast_in_dim3A_115, %broadcast_in_dim3A_137, %broadcast_in_dim3A_159, %broadcast_in_dim3A_181, %broadcast_in_dim3A_203, %broadcast_in_dim3A_225, %broadcast_in_dim3A_247, %broadcast_in_dim3A_269, %broadcast_in_dim3A_291, %broadcast_in_dim3A_313, %broadcast_in_dim3A_335, %broadcast_in_dim3A_357, %broadcast_in_dim3A_379 in 1 : vector<256x1xi32>, vector<256x1xi32>, vector<256x1xi32>, vector<256x1xi32>, vector<256x1xi32>, vector<256x1xi32>, vector<256x1xi32>, vector<256x1xi32>, vector<256x1xi32>, vector<256x1xi32>, vector<256x1xi32>, vector<256x1xi32>, vector<256x1xi32>, vector<256x1xi32>, vector<256x1xi32>, vector<256x1xi32> -> vector<256x16xi32>
    %mul3A_380 = arith.constant 2048 : i32
    %mul3A_381 = arith.muli %arg0, %mul3A_380 : i32
    %add3A_382 = vector.broadcast %mul3A_381 : i32 to vector<256x16xi32>
    %add3A_383 = arith.addi %concatenate3A, %add3A_382 : vector<256x16xi32>
    %swap3A_384 = arith.constant 0 : index
    %swap3A_385 = arith.constant 0 : index
    %swap3A_386 = vector.load %arg10[%swap3A_384, %swap3A_385] : memref<256x16xi32, #tpu.memory_space<vmem>>, vector<256x16xi32>
    tpu.vector_store %arg10[%swap3A_384, %swap3A_385], %add3A_383 {strides = array<i32>} : memref<256x16xi32, #tpu.memory_space<vmem>>, vector<256x16xi32>,
    return
  }
  func.func @transform_0(%arg0: i32, %arg1: i32) -> (i32, i32) {
    %c0_i32 = arith.constant 0 : i32
    %c0_i32_0 = arith.constant 0 : i32
    return %c0_i32, %arg0 : i32, i32
  }
  func.func @transform_1(%arg0: i32, %arg1: i32) -> (i32, i32) {
    %mul3A = arith.constant 8 : i32
    %mul3A_0 = arith.muli %arg0, %mul3A : i32
    %add3A = arith.addi %mul3A_0, %arg1 : i32
    %c0_i32 = arith.constant 0 : i32
    %c0_i32_1 = arith.constant 0 : i32
    return %add3A, %c0_i32 : i32, i32
  }
  func.func @transform_2(%arg0: i32, %arg1: i32) -> (i32, i32) {
    %mul3A = arith.constant 8 : i32
    %mul3A_0 = arith.muli %arg0, %mul3A : i32
    %add3A = arith.addi %mul3A_0, %arg1 : i32
    %c0_i32 = arith.constant 0 : i32
    %c0_i32_1 = arith.constant 0 : i32
    return %add3A, %c0_i32 : i32, i32
  }
  func.func @transform_3(%arg0: i32, %arg1: i32) -> (i32, i32, i32) {
    %c0_i32 = arith.constant 0 : i32
    %c0_i32_0 = arith.constant 0 : i32
    %c0_i32_1 = arith.constant 0 : i32
    return %arg0, %c0_i32, %c0_i32_0 : i32, i32, i32
  }
  func.func @transform_4(%arg0: i32, %arg1: i32) -> (i32, i32) {
    %c0_i32 = arith.constant 0 : i32
    %c0_i32_0 = arith.constant 0 : i32
    %c0_i32_1 = arith.constant 0 : i32
    return %c0_i32, %c0_i32_0 : i32, i32
  }
  func.func @transform_5(%arg0: i32, %arg1: i32) -> (i32, i32) {
    %c0_i32 = arith.constant 0 : i32
    %c0_i32_0 = arith.constant 0 : i32
    %c0_i32_1 = arith.constant 0 : i32
    return %c0_i32, %c0_i32_0 : i32, i32
  }
  func.func @transform_6(%arg0: i32, %arg1: i32) -> (i32, i32) {
    %mul3A = arith.constant 8 : i32
    %mul3A_0 = arith.muli %arg0, %mul3A : i32
    %add3A = arith.addi %mul3A_0, %arg1 : i32
    %c0_i32 = arith.constant 0 : i32
    %c0_i32_1 = arith.constant 0 : i32
    return %add3A, %c0_i32 : i32, i32
  }
  func.func @transform_7(%arg0: i32, %arg1: i32) -> (i32, i32) {
    %mul3A = arith.constant 8 : i32
    %mul3A_0 = arith.muli %arg0, %mul3A : i32
    %add3A = arith.addi %mul3A_0, %arg1 : i32
    %c0_i32 = arith.constant 0 : i32
    %c0_i32_1 = arith.constant 0 : i32
    return %add3A, %c0_i32 : i32, i32
  }
  func.func @transform_8(%arg0: i32, %arg1: i32) -> (i32, i32) {
    %mul3A = arith.constant 8 : i32
    %mul3A_0 = arith.muli %arg0, %mul3A : i32
    %add3A = arith.addi %mul3A_0, %arg1 : i32
    %c0_i32 = arith.constant 0 : i32
    %c0_i32_1 = arith.constant 0 : i32
    return %add3A, %c0_i32 : i32, i32
  }
}

module attributes {stable_mosaic.version = 14 : i64} {
  func.func @_mlp_body(%arg0: memref<2048x512xf32, #tpu.memory_space<vmem>>, %arg1: memref<512x256xf32, #tpu.memory_space<vmem>>, %arg2: memref<1x256xf32, #tpu.memory_space<vmem>>, %arg3: memref<256x64xf32, #tpu.memory_space<vmem>>, %arg4: memref<1x64xf32, #tpu.memory_space<vmem>>, %arg5: memref<64x3xf32, #tpu.memory_space<vmem>>, %arg6: memref<1x3xf32, #tpu.memory_space<vmem>>, %arg7: memref<2048x1xf32, #tpu.memory_space<vmem>>, %arg8: memref<1xf32, #tpu.memory_space<smem>>, %arg9: memref<2048x3xf32, #tpu.memory_space<vmem>>) attributes {dimension_semantics = [], scalar_prefetch = 0 : i64, scratch_operands = 0 : i64, tpu.core_type = #tpu.core_type<tc>} {
    %get3A = arith.constant 0 : index
    %get3A_0 = arith.constant 0 : index
    %get3A_1 = vector.load %arg0[%get3A, %get3A_0] : memref<2048x512xf32, #tpu.memory_space<vmem>>, vector<2048x512xf32>
    %get3A_2 = arith.constant 0 : index
    %get3A_3 = arith.constant 0 : index
    %get3A_4 = vector.load %arg1[%get3A_2, %get3A_3] : memref<512x256xf32, #tpu.memory_space<vmem>>, vector<512x256xf32>
    %dot_general3A = arith.constant dense<0.000000e+00> : vector<2048x256xf32>
    %dot_general3A_5 = tpu.matmul %get3A_1, %get3A_4, %dot_general3A {dimension_numbers = #tpu.dot_dimension_numbers<[1], [0], [0], [1], [0, 0, 1, 1], [], []>, transpose_lhs_hint = false} : vector<2048x512xf32>, vector<512x256xf32>, vector<2048x256xf32> -> vector<2048x256xf32>
    %get3A_6 = arith.constant 0 : index
    %get3A_7 = arith.constant 0 : index
    %get3A_8 = vector.load %arg2[%get3A_6, %get3A_7] : memref<1x256xf32, #tpu.memory_space<vmem>>, vector<1x256xf32>
    %add3A = vector.broadcast %get3A_8 : vector<1x256xf32> to vector<2048x256xf32>
    %add3A_9 = arith.addf %dot_general3A_5, %add3A : vector<2048x256xf32>
    %max3A = arith.constant 0.000000e+00 : f32
    %max3A_10 = vector.broadcast %max3A : f32 to vector<2048x256xf32>
    %max3A_11 = arith.maximumf %add3A_9, %max3A_10 : vector<2048x256xf32>
    %get3A_12 = arith.constant 0 : index
    %get3A_13 = arith.constant 0 : index
    %get3A_14 = vector.load %arg3[%get3A_12, %get3A_13] : memref<256x64xf32, #tpu.memory_space<vmem>>, vector<256x64xf32>
    %dot_general3A_15 = arith.constant dense<0.000000e+00> : vector<2048x64xf32>
    %dot_general3A_16 = tpu.matmul %max3A_11, %get3A_14, %dot_general3A_15 {dimension_numbers = #tpu.dot_dimension_numbers<[1], [0], [0], [1], [0, 0, 1, 1], [], []>, transpose_lhs_hint = false} : vector<2048x256xf32>, vector<256x64xf32>, vector<2048x64xf32> -> vector<2048x64xf32>
    %get3A_17 = arith.constant 0 : index
    %get3A_18 = arith.constant 0 : index
    %get3A_19 = vector.load %arg4[%get3A_17, %get3A_18] : memref<1x64xf32, #tpu.memory_space<vmem>>, vector<1x64xf32>
    %add3A_20 = vector.broadcast %get3A_19 : vector<1x64xf32> to vector<2048x64xf32>
    %add3A_21 = arith.addf %dot_general3A_16, %add3A_20 : vector<2048x64xf32>
    %max3A_22 = arith.constant 0.000000e+00 : f32
    %max3A_23 = vector.broadcast %max3A_22 : f32 to vector<2048x64xf32>
    %max3A_24 = arith.maximumf %add3A_21, %max3A_23 : vector<2048x64xf32>
    %get3A_25 = arith.constant 0 : index
    %get3A_26 = arith.constant 0 : index
    %get3A_27 = vector.load %arg5[%get3A_25, %get3A_26] : memref<64x3xf32, #tpu.memory_space<vmem>>, vector<64x3xf32>
    %dot_general3A_28 = arith.constant dense<0.000000e+00> : vector<2048x3xf32>
    %dot_general3A_29 = tpu.matmul %max3A_24, %get3A_27, %dot_general3A_28 {dimension_numbers = #tpu.dot_dimension_numbers<[1], [0], [0], [1], [0, 0, 1, 1], [], []>, transpose_lhs_hint = false} : vector<2048x64xf32>, vector<64x3xf32>, vector<2048x3xf32> -> vector<2048x3xf32>
    %get3A_30 = arith.constant 0 : index
    %get3A_31 = arith.constant 0 : index
    %get3A_32 = vector.load %arg6[%get3A_30, %get3A_31] : memref<1x3xf32, #tpu.memory_space<vmem>>, vector<1x3xf32>
    %add3A_33 = vector.broadcast %get3A_32 : vector<1x3xf32> to vector<2048x3xf32>
    %add3A_34 = arith.addf %dot_general3A_29, %add3A_33 : vector<2048x3xf32>
    %get3A_35 = arith.constant 0 : index
    %get3A_36 = memref.load %arg8[%get3A_35] : memref<1xf32, #tpu.memory_space<smem>>
    %mul3A = vector.broadcast %get3A_36 : f32 to vector<2048x3xf32>
    %mul3A_37 = arith.mulf %mul3A, %add3A_34 : vector<2048x3xf32>
    %tanh3A = math.tanh %mul3A_37 : vector<2048x3xf32>
    %get3A_38 = arith.constant 0 : index
    %get3A_39 = arith.constant 0 : index
    %get3A_40 = vector.load %arg7[%get3A_38, %get3A_39] : memref<2048x1xf32, #tpu.memory_space<vmem>>, vector<2048x1xf32>
    %mul3A_41 = vector.broadcast %get3A_40 : vector<2048x1xf32> to vector<2048x3xf32>
    %mul3A_42 = arith.mulf %tanh3A, %mul3A_41 : vector<2048x3xf32>
    %swap3A = arith.constant 0 : index
    %swap3A_43 = arith.constant 0 : index
    %swap3A_44 = vector.load %arg9[%swap3A, %swap3A_43] : memref<2048x3xf32, #tpu.memory_space<vmem>>, vector<2048x3xf32>
    tpu.vector_store %arg9[%swap3A, %swap3A_43], %mul3A_42 {strides = array<i32>} : memref<2048x3xf32, #tpu.memory_space<vmem>>, vector<2048x3xf32>,
    return
  }
}

</mosaic_0001>

<sc_bundles>
// kernel: kernel.16.cloned.1.call-start
scs
__scs_entry_jumppad:
0x0: {  	(pc) =	sbr.rel $0x88, $3  }
0x1: {  	(tag) =	ssettag $0x0;
	lr =	simm.s32 $0x1  }
0x2: {  	[smem:$0x3F89] =	sst lr;
	_ =	strace $0xD0000000  }
0x3: {  	_ = 	snop  }
0x4: {  	_ = 	snop  }
0x5: {  	_ = 	snop  }
0x6: {  	_ = 	snop  }
0x7: {  	_ = 	snop  }
__scs_overlays_trampoline_lowered:
0x8: {  	[smem:$0x3F98] =	sst s0  }
0x9: {  	[smem:$0x3F99] =	sst s1  }
0xa: {  	[smem:$0x3F9A] =	sst s2  }
0xb: {  	[smem:$0x3F9B] =	sst s3  }
0xc: {  	[smem:$0x3F9C] =	sst s4  }
0xd: {  	[smem:$0x3F9D] =	sst s5  }
0xe: {  	[smem:$0x3F9E] =	sst s6  }
0xf: {  	[smem:$0x3F9F] =	sst s7  }
0x10: {  	[smem:$0x3FA0] =	sst s8  }
0x11: {  	[smem:$0x3FA1] =	sst s9;
	s0 =	simm.s32 @!p0 $0x0  }
0x12: {  	s1 =	sld [smem:$0x3F87];
	s0 =	simm.s32 @p0 $0x1  }
0x13: {  	[smem:$0x3FA2] =	sst s0;
	s0 =	simm.s32 @!p1 $0x0  }
0x14: {  	s2 =	sld [smem:$0x3F86];
	s0 =	simm.s32 @p1 $0x1  }
0x15: {  	[smem:$0x3FA3] =	sst s0;
	s0 =	simm.s32 @!p2 $0x0  }
0x16: {  	s3 =	sld [smem:$0x3FDB];
	s0 =	simm.s32 @p2 $0x1  }
0x17: {  	s4 =	simm.s32 $0x1BF5;
	[smem:$0x3FA5] =	sst s0  }
0x18: {  	s0 =	sld [smem:$0x3F88];
	_ =	swait.ge [sflag:s4], $0x0  }
0x19: {  	s7 =	sld [smem:$0x3F89]  }
0x1a: {  	s8 =	sadd.s32 $0xFFFFE003, lr  }
0x1b: {  	s9 =	sadd.s32 $0xFFFFFEF7, lr;
	s5 =	simm.s32 $0xFFFFFFFF;
	p2 =	slt.u32 s8, $0xFFFFF086  }
0x1c: {  	p1 =	slt.u32 s9, $0xF7A;
	s5 =	simm.s32 @!p2 $0x0  }
0x1d: {  	s5 =	simm.s32 @p1 $0x1;
	p0 =	seq.s32 s7, s2  }
0x1e: {  	s7 =	smul.u32 @!p0 $0xF7A, s2;
	p2 =	seq.s32 @!p0 s5, $0x0  }
0x1f: {  	s9 =	smul.u32 $0xF7A, s1;
	s8 =	simm.s32 @!p0 $0x1BF5;
	p2 =	por !p2, p0  }
0x20: {  	[sflag:s8] =	ssyncset.s32 @!p0 $0xFFFFF086;
	s6 =	sadd.s32 @!p0 s3, s7;
	s7 =	simm.s32 @!p0 $0x108  }
0x21: {  	s3 =	sadd.s32 s3, s9;
	s6 =	sadd.s32 @!p0 $0x88, s6;
	s7 =	simm.s32 @p2 $0x1082  }
0x22: {  	[simem:s7], [sflag:s8] =	dma.local @!p0 [hbm:s6], $0xF7A  }
0x23: {  	s9 =	sor.u32 $0xD0000000, s2;
	s6 =	simm.s32 $0x108;
	_ =	swait.ge @!p0 [sflag:s8], $0x0  }
0x24: {  	s3 =	sadd.s32 $0x88, s3;
	s6 =	simm.s32 @!p1 $0x1082;
	[sflag:s4] =	ssyncset.s32 $0xFFFFF086  }
0x25: {  	[simem:s6], [sflag:s4] =	dma.local [hbm:s3], $0xF7A  }
0x26: {  	[smem:$0x3F89] =	sst s1;
	(tag) =	ssettag s2;
	_ =	strace s9  }
0x27: {  	s1 =	sld [smem:$0x3F99]  }
0x28: {  	s2 =	sld [smem:$0x3F9A]  }
0x29: {  	s4 =	sld [smem:$0x3F9C]  }
0x2a: {  	p0 =	seq.s32 s5, $0x0;
	s5 =	sld [smem:$0x3F9D]  }
0x2b: {  	s6 =	sld [smem:$0x3F9E]  }
0x2c: {  	s7 =	sld [smem:$0x3F9F]  }
0x2d: {  	s3 =	simm.s32 $0x108;
	s8 =	sld [smem:$0x3FA0]  }
0x2e: {  	s3 =	simm.s32 @!p0 $0x1082;
	s9 =	sld [smem:$0x3FA1]  }
0x2f: {  	lr =	sadd.s32 s0, s3;
	s0 =	sld [smem:$0x3F98]  }
0x30: {  	s3 =	sld [smem:$0x3F9B]  }
0x31: {  	[smem:$0x3FA4] =	sst s10  }
0x32: {  	s10 =	sld [smem:$0x3FA2];
	_ =	sdelay $0x3  }
0x33: {  	p0 =	seq.s32 s10, $0x1;
	s10 =	sld [smem:$0x3FA4];
	_ =	sdelay $0x3  }
0x34: {  	[smem:$0x3FA4] =	sst s10  }
0x35: {  	s10 =	sld [smem:$0x3FA3];
	_ =	sdelay $0x3  }
0x36: {  	p1 =	seq.s32 s10, $0x1;
	s10 =	sld [smem:$0x3FA4];
	_ =	sdelay $0x3  }
0x37: {  	[smem:$0x3FA4] =	sst s10  }
0x38: {  	s10 =	sld [smem:$0x3FA5]  }
0x39: {  	_ = 	snop;
	(pc) =	sbr.ind lr, $3  }
0x3a: {  	_ = 	snop  }
0x3b: {  	_ = 	snop  }
0x3c: {  	p2 =	seq.s32 s10, $0x1;
	s10 =	sld [smem:$0x3FA4]  }
0x3d: {  	_ =	shalt  }
0x3e: {  	_ =	shalt  }
0x3f: {  	_ =	shalt  }
0x40: {  	_ =	shalt  }
0x41: {  	_ =	shalt  }
0x42: {  	_ =	shalt  }
0x43: {  	_ =	shalt  }
0x44: {  	_ =	shalt  }
0x45: {  	_ =	shalt  }
0x46: {  	_ =	shalt  }
0x47: {  	_ =	shalt  }
0x48: {  	_ =	shalt  }
0x49: {  	_ =	shalt  }
0x4a: {  	_ =	shalt  }
0x4b: {  	_ =	shalt  }
0x4c: {  	_ =	shalt  }
0x4d: {  	_ =	shalt  }
0x4e: {  	_ =	shalt  }
0x4f: {  	_ =	shalt  }
0x50: {  	_ =	shalt  }
0x51: {  	_ =	shalt  }
0x52: {  	_ =	shalt  }
0x53: {  	_ =	shalt  }
0x54: {  	_ =	shalt  }
0x55: {  	_ =	shalt  }
0x56: {  	_ =	shalt  }
0x57: {  	_ =	shalt  }
0x58: {  	_ =	shalt  }
0x59: {  	_ =	shalt  }
0x5a: {  	_ =	shalt  }
0x5b: {  	_ =	shalt  }
0x5c: {  	_ =	shalt  }
0x5d: {  	_ =	shalt  }
0x5e: {  	_ =	shalt  }
0x5f: {  	_ =	shalt  }
0x60: {  	_ =	shalt  }
0x61: {  	_ =	shalt  }
0x62: {  	_ =	shalt  }
0x63: {  	_ =	shalt  }
0x64: {  	_ =	shalt  }
0x65: {  	_ =	shalt  }
0x66: {  	_ =	shalt  }
0x67: {  	_ =	shalt  }
0x68: {  	_ =	shalt  }
0x69: {  	_ =	shalt  }
0x6a: {  	_ =	shalt  }
0x6b: {  	_ =	shalt  }
0x6c: {  	_ =	shalt  }
0x6d: {  	_ =	shalt  }
0x6e: {  	_ =	shalt  }
0x6f: {  	_ =	shalt  }
0x70: {  	_ =	shalt  }
0x71: {  	_ =	shalt  }
0x72: {  	_ =	shalt  }
0x73: {  	_ =	shalt  }
0x74: {  	_ =	shalt  }
0x75: {  	_ =	shalt  }
0x76: {  	_ =	shalt  }
0x77: {  	_ =	shalt  }
0x78: {  	_ =	shalt  }
0x79: {  	_ =	shalt  }
0x7a: {  	_ =	shalt  }
0x7b: {  	_ =	shalt  }
0x7c: {  	_ =	shalt  }
0x7d: {  	_ =	shalt  }
0x7e: {  	_ =	shalt  }
0x7f: {  	_ =	shalt  }
0x80: {  	_ =	shalt  }
0x81: {  	_ =	shalt  }
0x82: {  	_ =	shalt  }
0x83: {  	_ =	shalt  }
0x84: {  	_ =	shalt  }
0x85: {  	_ =	shalt  }
0x86: {  	_ =	shalt  }
0x87: {  	_ =	shalt  }
.Lfunc_end0:
.L_simem_size_0:
called_computation_lowered:
.L_overlay_start_0:
0x88: {  	s2 =	sld [smem:$0x3FD9]  }
0x89: {  	s3 =	sld [smem:$0x3FFE];
	_ =	sdelay $0x1  }
0x8a: {  	s1 =	srdreg.scid  }
0x8b: {  	s0 =	sand.u32 $0x1, s1  }
0x8c: {  	s16 =	sshll.u32 s0, $0xA;
	s2 =	sadd.s32 s3, s2  }
0x8d: {  	s2 =	sadd.s32 s2, s16  }
0x8e: {  	[smem:$0x3FB0] =	sst s2  }
0x8f: {  	_ = 	snop  }
0x90: {  	(tm) =	ssettm $0x1  }
0x91: {  	s17 =	sld [smem:$0x3FFB];
	_ =	sdelay $0x3  }
0x92: {  	_ =	strace s17  }
0x93: {  	s2 =	sld [smem:$0x3FFC];
	_ =	sdelay $0x3  }
0x94: {  	_ =	strace s2  }
0x95: {  	s2 =	sld [smem:$0x3FFD];
	_ =	sdelay $0x3  }
0x96: {  	_ =	strace s2  }
0x97: {  	_ =	strace $0x8FFFFFFF  }
0x98: {  	s18 =	sld [smem:$0x3FDB];
	_ =	sdelay $0x1  }
0x99: {  	s19 =	simm.s32 $_scs_section_size  }
0x9a: {  	s4 =	simm.s32 $_size__tile_overlayer_lowered;
	s5 =	simm.s32 $_tile_overlayer_lowered  }
0x9b: {  	s22 =	simm.s32 $0x1BFF;
	s21 =	sshll.u32 s5, $0x1;
	s2 =	sadd.s32 s19, s18  }
0x9c: {  	s6 =	simm.s32 $0x0;
	s20 =	sshll.u32 s4, $0x1;
	s4 =	sadd.s32 s21, s2  }
0x9d: {  	[timem:s6], [sflag:s22] =	dma.local [hbm:s4], s20  }
0x9e: {  	_ =	swait.ge [sflag:s22], s20  }
0x9f: {  	s3 =	ssub.s32 $0x0, s20;
	[sflag:s22] =	ssyncset.done $0x0  }
0xa0: {  	[sflag:s22] =	ssyncadd.s32 s3;
	_ =	sdelay $0x1  }
0xa1: {  	s23 =	simm.s32 $0x1B8B  }
0xa2: {  	_ =	swait.ge [sflag:s23], $0x1  }
0xa3: {  	[sflag:s23] =	ssyncset.done $0x0  }
0xa4: {  	s25 =	simm.s32 $0x1B8E;
	s24 =	sld [smem:$0x3FFE];
	[sflag:s23] =	ssyncadd.s32 $0xFFFFFFFF  }
0xa5: {  	s26 =	simm.s32 $execute0_lowered;
	[smem:$0x3FD2] =	sst s25  }
0xa6: {  	s4 =	sshll.u32 s26, $0x1;
	_ =	strace $0x80000046;
	[dreg:$0x1] =	wrdreg $0xFFFFFFFF  }
0xa7: {  	s28 =	simm.s32 $_size_execute0_lowered;
	s2 =	sadd.s32 s2, s4;
	[dreg:$0x0] =	wrdreg $0x0  }
0xa8: {  	s4 =	sshll.u32 s28, $0x1;
	[dreg:$0x2] =	wrdreg s2  }
0xa9: {  	[dreg:$0x3] =	wrdreg s4  }
0xaa: {  	[dreg:$0x4] =	wrdreg $0xC0  }
0xab: {  	_ =	task [dreg:s6], $0x5FFFF  }
0xac: {  	[dreg:$0x1] =	wrdreg $0xFFFFFFFF  }
0xad: {  	[dreg:$0x0] =	wrdreg $0x60  }
0xae: {  	[dreg:$0x2] =	wrdreg s24  }
0xaf: {  	[dreg:$0x3] =	wrdreg $0x9  }
0xb0: {  	_ =	task.clear_ibuf [dreg:s6], $0x4FFFF;
	_ =	strace $0x90000046  }
0xb1: {  	s29 =	simm.s32 $0x9;
	_ =	strace $0x80000048  }
0xb2: {  	_ =	swait.ge [sflag:s29], $0x1  }
0xb3: {  	[sflag:s29] =	ssyncadd.s32 $0xFFFFFFFF  }
0xb4: {  	_ =	strace $0x90000048  }
0xb5: {  	_ =	sfence  }
0xb6: {  	s30 =	sld [smem:$0x0];
	_ =	sdelay $0x2  }
0xb7: {  	s31 =	sshll.u32 s1, $0xD;
	s1 =	sshrl.u32 s1, $0x2  }
0xb8: {  	s3 =	sand.u32 $0x4000, s31;
	s1 =	sadd.s32 s1, s30  }
0xb9: {  	s0 =	sor.u32 s3, s0;
	s1 =	sshll.u32 s1, $0x11  }
0xba: {  	s0 =	sor.u32 s1, s0  }
0xbb: {  	s0 =	sadd.s32 $0x8F2B, s0  }
0xbc: {  	[sflag:s0] =	ssyncadd.remote.s32 $0x1  }
0xbd: {  	_ =	sfence.sel $0xFFFF  }
0xbe: {  	[dreg:$0x0] =	wrdreg $0xFFFFFFFF;
	(pc) =	sbr.abs _section_cstart, $3  }
0xbf: {  	[dreg:$0x1] =	wrdreg $0xFFFFFFFF  }
0xc0: {  	_ =	task.clear_ibuf [dreg:s6], $0x2FFFF;
	_ =	strace $0x9FFFFFFF  }
0xc1: {  	(tm) =	ssettm $0x7FFFFFFF  }
tec
execute0_lowered:
.L_overlay_start_1:
0x0: {  	(tag) =	ssettag $0x1  }
0x1: {  	s4 =	rddreg [dreg:$0x0]  }
0x2: {  	s0 =	rddreg [dreg:$0x1];
	s2 =	simm.s32 $0x0;
	s3 =	srdreg.scid  }
0x3: {  	s1 =	stileid.u32;
	s10 =	simm.s32 $0x1080;
	s11 =	simm.s32 $0x1880  }
0x4: {  	s12 =	simm.s32 $0x2080;
	s13 =	simm.s32 $0x2880;
	s14 =	simm.s32 $0x3080  }
0x5: {  	s15 =	simm.s32 $0x3880;
	s16 =	simm.s32 $0x4080;
	s17 =	simm.s32 $0x4880  }
0x6: {  	s18 =	simm.s32 $0x5080;
	s19 =	simm.s32 $0x5880;
	s20 =	simm.s32 $0x6080  }
0x7: {  	s21 =	simm.s32 $0x6880;
	s22 =	simm.s32 $0x7080;
	s23 =	simm.s32 $0x7880  }
0x8: {  	s24 =	simm.s32 $0x1;
	s25 =	simm.s32 $0x0;
	[smem:$0x7FF] =	sst s2  }
0x9: {  	s5 =	sand.u32 $0x1, s3;
	s6 =	sshll.u32 s1, $0xC;
	s3 =	sadd.s32 $0x4800, s4  }
0xa: {  	s8 =	sshll.u32 s1, $0x11;
	_ =	strace $0x80000047;
	s7 =	sshll.u32 s5, $0xB  }
0xb: {  	s31 =	ssub.s32 $0x2, s5;
	s8 =	sadd.s32 s8, s4;
	s5 =	sshll.u32 s5, $0x10  }
0xc: {  	s6 =	sor.u32 s7, s6;
	s9 =	sshrl.u32 s31, $0x1;
	s5 =	sadd.s32 s5, s8  }
0xd: {  	v2 =	vlaneseq.u32;
	s8 =	simm.s32 $0x80;
	s6 =	sshrl.u32 s6, $0x3;
	s7 =	ssub.s32 s31, s9  }
0xe: {  	vm0 =	vmmov $0xffff;
	v1 =	vshrl.u32 v2, $0x3;
	s5 =	sadd.s32 $0x26800, s5;
	s9 =	simm.s32 $0x880;
	s6 =	sadd.s32 s6, s4  }
0xf: {  	v0 =	vand.u32 $0x7, v2;
	v2 =	vor.u32 $0x8, v2;
	v1 =	vmul.u32 $0x8, v1;
	s4 =	smax.u32 s7, $0x1;
	s7 =	simm.s32 $0x2;
	s6 =	sadd.s32 $0x24800, s6  }
.LBB2_1:
0x10: {  	s26 =	smov.u32 s5;
	s28 =	simm.s32 $0x0  }
.LBB2_2:
0x11: {  	s29 =	sadd.s32 s28, s6  }
0x12: {  	[tilespmem:s2], [sflag:$0x2] =	stream.linear.gather [hbm4b:s29+s2], $0x80, $0x38;
	[tilespmem:$0x8080] =	vst v63  }
0x13: {  	_ =	swait.ge [sflag:s7], $0x80  }
0x14: {  	[sflag:s7] =	ssyncset.done $0x0  }
0x15: {  	[sflag:s7] =	ssyncadd.s32 $0xFFFFFF80  }
0x16: {  	v3 =	vld [tilespmem:$0x0];
	_ =	sdelay $0x4  }
0x17: {  	v4 =	vshll.u32 v3, $0x1  }
0x18: {  	v3 =	vand.u32 $0x7, v3;
	v4 =	vand.u32 $0xFFFFFFF0, v4  }
0x19: {  	v3 =	vor.u32 v3, v4  }
0x1a: {  	v4 =	vperm.xlane v3, v0;
	_ =	sdelay $0x1  }
0x1b: {  	v3 =	vperm.xlane v3, v2;
	v4 =	vadd.s32 v1, v4;
	_ =	sdelay $0x1  }
0x1c: {  	v3 =	vadd.s32 v1, v3;
	_ =	sdelay $0x2  }
0x1d: {  	[tilespmem:s8], [sflag:$0x1] =	stream.indirect_vreg.gather [hbm4b:s3+s2], $0x80, v4, vm0, $0xb8;
	[tilespmem:$0x8080] =	vst v63  }
0x1e: {  	_ = 	snop  }
0x1f: {  	[tilespmem:s9], [sflag:$0x1] =	stream.indirect_vreg.gather [hbm4b:s3+s2], $0x80, v3, vm0, $0xb8;
	[tilespmem:$0x8080] =	vst v63  }
0x20: {  	v3 =	vld [tilespmem:$0x10];
	_ =	sdelay $0x4  }
0x21: {  	v57 =	vshll.u32 v3, $0x1  }
0x22: {  	v3 =	vand.u32 $0x7, v3;
	v4 =	vand.u32 $0xFFFFFFF0, v57  }
0x23: {  	v3 =	vor.u32 v3, v4  }
0x24: {  	v4 =	vperm.xlane v3, v0;
	_ =	sdelay $0x1  }
0x25: {  	v3 =	vperm.xlane v3, v2;
	v4 =	vadd.s32 v1, v4;
	_ =	sdelay $0x1  }
0x26: {  	v3 =	vadd.s32 v1, v3;
	_ =	sdelay $0x2  }
0x27: {  	[tilespmem:s10], [sflag:$0x1] =	stream.indirect_vreg.gather [hbm4b:s3+s2], $0x80, v4, vm0, $0xb8;
	[tilespmem:$0x8080] =	vst v63  }
0x28: {  	_ = 	snop  }
0x29: {  	[tilespmem:s11], [sflag:$0x1] =	stream.indirect_vreg.gather [hbm4b:s3+s2], $0x80, v3, vm0, $0xb8;
	[tilespmem:$0x8080] =	vst v63  }
0x2a: {  	v3 =	vld [tilespmem:$0x20];
	_ =	sdelay $0x4  }
0x2b: {  	v58 =	vshll.u32 v3, $0x1  }
0x2c: {  	v3 =	vand.u32 $0x7, v3;
	v4 =	vand.u32 $0xFFFFFFF0, v58  }
0x2d: {  	v3 =	vor.u32 v3, v4  }
0x2e: {  	v4 =	vperm.xlane v3, v0;
	_ =	sdelay $0x1  }
0x2f: {  	v3 =	vperm.xlane v3, v2;
	v4 =	vadd.s32 v1, v4;
	_ =	sdelay $0x1  }
0x30: {  	v3 =	vadd.s32 v1, v3;
	_ =	sdelay $0x2  }
0x31: {  	[tilespmem:s12], [sflag:$0x1] =	stream.indirect_vreg.gather [hbm4b:s3+s2], $0x80, v4, vm0, $0xb8;
	[tilespmem:$0x8080] =	vst v63  }
0x32: {  	_ = 	snop  }
0x33: {  	[tilespmem:s13], [sflag:$0x1] =	stream.indirect_vreg.gather [hbm4b:s3+s2], $0x80, v3, vm0, $0xb8;
	[tilespmem:$0x8080] =	vst v63  }
0x34: {  	v3 =	vld [tilespmem:$0x30];
	_ =	sdelay $0x4  }
0x35: {  	v59 =	vshll.u32 v3, $0x1  }
0x36: {  	v3 =	vand.u32 $0x7, v3;
	v4 =	vand.u32 $0xFFFFFFF0, v59  }
0x37: {  	v3 =	vor.u32 v3, v4  }
0x38: {  	v4 =	vperm.xlane v3, v0;
	_ =	sdelay $0x1  }
0x39: {  	v3 =	vperm.xlane v3, v2;
	v4 =	vadd.s32 v1, v4;
	_ =	sdelay $0x1  }
0x3a: {  	v3 =	vadd.s32 v1, v3;
	_ =	sdelay $0x2  }
0x3b: {  	[tilespmem:s14], [sflag:$0x1] =	stream.indirect_vreg.gather [hbm4b:s3+s2], $0x80, v4, vm0, $0xb8;
	[tilespmem:$0x8080] =	vst v63  }
0x3c: {  	_ = 	snop  }
0x3d: {  	[tilespmem:s15], [sflag:$0x1] =	stream.indirect_vreg.gather [hbm4b:s3+s2], $0x80, v3, vm0, $0xb8;
	[tilespmem:$0x8080] =	vst v63  }
0x3e: {  	v3 =	vld [tilespmem:$0x40];
	_ =	sdelay $0x4  }
0x3f: {  	v60 =	vshll.u32 v3, $0x1  }
0x40: {  	v3 =	vand.u32 $0x7, v3;
	v4 =	vand.u32 $0xFFFFFFF0, v60  }
0x41: {  	v3 =	vor.u32 v3, v4  }
0x42: {  	v4 =	vperm.xlane v3, v0;
	_ =	sdelay $0x1  }
0x43: {  	v3 =	vperm.xlane v3, v2;
	v4 =	vadd.s32 v1, v4;
	_ =	sdelay $0x1  }
0x44: {  	v3 =	vadd.s32 v1, v3;
	_ =	sdelay $0x2  }
0x45: {  	[tilespmem:s16], [sflag:$0x1] =	stream.indirect_vreg.gather [hbm4b:s3+s2], $0x80, v4, vm0, $0xb8;
	[tilespmem:$0x8080] =	vst v63  }
0x46: {  	_ = 	snop  }
0x47: {  	[tilespmem:s17], [sflag:$0x1] =	stream.indirect_vreg.gather [hbm4b:s3+s2], $0x80, v3, vm0, $0xb8;
	[tilespmem:$0x8080] =	vst v63  }
0x48: {  	v3 =	vld [tilespmem:$0x50];
	_ =	sdelay $0x4  }
0x49: {  	v61 =	vshll.u32 v3, $0x1  }
0x4a: {  	v3 =	vand.u32 $0x7, v3;
	v4 =	vand.u32 $0xFFFFFFF0, v61  }
0x4b: {  	v3 =	vor.u32 v3, v4  }
0x4c: {  	v4 =	vperm.xlane v3, v0;
	_ =	sdelay $0x1  }
0x4d: {  	v3 =	vperm.xlane v3, v2;
	v4 =	vadd.s32 v1, v4;
	_ =	sdelay $0x1  }
0x4e: {  	v3 =	vadd.s32 v1, v3;
	_ =	sdelay $0x2  }
0x4f: {  	[tilespmem:s18], [sflag:$0x1] =	stream.indirect_vreg.gather [hbm4b:s3+s2], $0x80, v4, vm0, $0xb8;
	[tilespmem:$0x8080] =	vst v63  }
0x50: {  	_ = 	snop  }
0x51: {  	[tilespmem:s19], [sflag:$0x1] =	stream.indirect_vreg.gather [hbm4b:s3+s2], $0x80, v3, vm0, $0xb8;
	[tilespmem:$0x8080] =	vst v63  }
0x52: {  	v3 =	vld [tilespmem:$0x60];
	_ =	sdelay $0x4  }
0x53: {  	v62 =	vshll.u32 v3, $0x1  }
0x54: {  	v3 =	vand.u32 $0x7, v3;
	v4 =	vand.u32 $0xFFFFFFF0, v62  }
0x55: {  	v3 =	vor.u32 v3, v4  }
0x56: {  	v4 =	vperm.xlane v3, v0;
	_ =	sdelay $0x1  }
0x57: {  	v3 =	vperm.xlane v3, v2;
	v4 =	vadd.s32 v1, v4;
	_ =	sdelay $0x1  }
0x58: {  	v3 =	vadd.s32 v1, v3;
	_ =	sdelay $0x2  }
0x59: {  	[tilespmem:s20], [sflag:$0x1] =	stream.indirect_vreg.gather [hbm4b:s3+s2], $0x80, v4, vm0, $0xb8;
	[tilespmem:$0x8080] =	vst v63  }
0x5a: {  	_ = 	snop  }
0x5b: {  	[tilespmem:s21], [sflag:$0x1] =	stream.indirect_vreg.gather [hbm4b:s3+s2], $0x80, v3, vm0, $0xb8;
	[tilespmem:$0x8080] =	vst v63  }
0x5c: {  	v3 =	vld [tilespmem:$0x70];
	_ =	sdelay $0x4  }
0x5d: {  	v63 =	vshll.u32 v3, $0x1  }
0x5e: {  	v3 =	vand.u32 $0x7, v3;
	v4 =	vand.u32 $0xFFFFFFF0, v63  }
0x5f: {  	v3 =	vor.u32 v3, v4  }
0x60: {  	v4 =	vperm.xlane v3, v0;
	_ =	sdelay $0x1  }
0x61: {  	v3 =	vperm.xlane v3, v2;
	v4 =	vadd.s32 v1, v4;
	_ =	sdelay $0x1  }
0x62: {  	v3 =	vadd.s32 v1, v3;
	_ =	sdelay $0x2  }
0x63: {  	[tilespmem:s22], [sflag:$0x1] =	stream.indirect_vreg.gather [hbm4b:s3+s2], $0x80, v4, vm0, $0xb8;
	[tilespmem:$0x8080] =	vst v63  }
0x64: {  	_ = 	snop  }
0x65: {  	[tilespmem:s23], [sflag:$0x1] =	stream.indirect_vreg.gather [hbm4b:s3+s2], $0x80, v3, vm0, $0xb8;
	[tilespmem:$0x8080] =	vst v63  }
0x66: {  	_ =	swait.ge [sflag:s24], $0x8000  }
0x67: {  	p0 =	sne.s32 s28, $0xF0;
	[sflag:s24] =	ssyncset.done $0x0  }
.Ltmp0:
0x68: {  	[sflag:s24] =	ssyncadd.s32 $0xFFFF8000;
	(pc) =	sbr.rel @p0 .LBB2_2-.Ltmp0, $4  }
0x69: {  	[hbm4b:s26+s2] =	stream.linear.scatter [tilespmem:s8], [sflag:$0x2], $0x8000, $0x38;
	[tilespmem:$0x8080] =	vst v63  }
0x6a: {  	_ =	swait.ge [sflag:s7], $0x8000  }
0x6b: {  	[sflag:s7] =	ssyncset.done $0x0  }
0x6c: {  	s28 =	sadd.s32 $0x10, s28;
	s26 =	sadd.s32 $0x1000, s26;
	[sflag:s7] =	ssyncadd.s32 $0xFFFF8000  }
0x6d: {  	s25 =	sadd.s32 $0x1, s25  }
0x6e: {  	p0 =	sne.s32 s25, s4  }
.Ltmp1:
0x6f: {  	_ = 	snop;
	(pc) =	sbr.rel @p0 .LBB2_1-.Ltmp1, $1  }
0x70: {  	_ =	sdelay $0x3  }
0x71: {  	_ =	sfence.sel $0x180000  }
0x72: {  	[bflag:$0x0] =	sbarrier.arrive $0xFFFF  }
0x73: {  	p0 =	sne.s32 s1, $0x0;
	_ =	strace $0x90000047  }
0x74: {  	s0 =	sadd.s32 @!p0 $0x100000, s0;
	[bflag:$0x2] =	sbarrier.arrive $0xFFFF  }
0x75: {  	[sflag:s0] =	ssyncadd.tile.s32 @!p0 $0x1;
	_ =	shalt  }
.Lfunc_end2:
_tile_overlayer_lowered:
.L_overlay_start_2:
0x76: {  	(tag) =	ssettag $0x2  }
0x77: {  	s0 =	rddreg [dreg:$0x0];
	s2 =	stileid.u32  }
0x78: {  	s1 =	rddreg [dreg:$0x1];
	p0 =	sne.s32 s2, $0x0  }
0x79: {  	s3 =	rddreg [dreg:$0x2];
	[bflag:$0x3] =	sbarrier.arrive $0xFFFF;
	s2 =	simm.s32 @!p0 $0x1C02  }
0x7a: {  	[timem:s3], [sflag:s2] =	dma.local @!p0 [hbm:s0], s1  }
0x7b: {  	s0 =	simm.s32 @!p0 $0x2  }
0x7c: {  	_ =	swait.ge @!p0 [sflag:s0], s1  }
0x7d: {  	s1 =	ssub.s32 @!p0 $0x0, s1;
	[sflag:s0] =	ssyncset.done @!p0 $0x0  }
0x7e: {  	[sflag:s0] =	ssyncadd.s32 @!p0 s1  }
0x7f: {  	[bflag:$0x3] =	sbarrier.arrive $0xFFFF  }
0x80: {  	_ =	shalt  }

// kernel: kernel.19.cloned.1.call-start
scs
__scs_entry_jumppad:
0x0: {  	(pc) =	sbr.rel $0x88, $3  }
0x1: {  	(tag) =	ssettag $0x0;
	lr =	simm.s32 $0x1  }
0x2: {  	[smem:$0x3F89] =	sst lr;
	_ =	strace $0xD0000000  }
0x3: {  	_ = 	snop  }
0x4: {  	_ = 	snop  }
0x5: {  	_ = 	snop  }
0x6: {  	_ = 	snop  }
0x7: {  	_ = 	snop  }
__scs_overlays_trampoline_lowered:
0x8: {  	[smem:$0x3F98] =	sst s0  }
0x9: {  	[smem:$0x3F99] =	sst s1  }
0xa: {  	[smem:$0x3F9A] =	sst s2  }
0xb: {  	[smem:$0x3F9B] =	sst s3  }
0xc: {  	[smem:$0x3F9C] =	sst s4  }
0xd: {  	[smem:$0x3F9D] =	sst s5  }
0xe: {  	[smem:$0x3F9E] =	sst s6  }
0xf: {  	[smem:$0x3F9F] =	sst s7  }
0x10: {  	[smem:$0x3FA0] =	sst s8  }
0x11: {  	[smem:$0x3FA1] =	sst s9;
	s0 =	simm.s32 @!p0 $0x0  }
0x12: {  	s1 =	sld [smem:$0x3F87];
	s0 =	simm.s32 @p0 $0x1  }
0x13: {  	[smem:$0x3FA2] =	sst s0;
	s0 =	simm.s32 @!p1 $0x0  }
0x14: {  	s2 =	sld [smem:$0x3F86];
	s0 =	simm.s32 @p1 $0x1  }
0x15: {  	[smem:$0x3FA3] =	sst s0;
	s0 =	simm.s32 @!p2 $0x0  }
0x16: {  	s3 =	sld [smem:$0x3FDB];
	s0 =	simm.s32 @p2 $0x1  }
0x17: {  	s4 =	simm.s32 $0x1BF5;
	[smem:$0x3FA5] =	sst s0  }
0x18: {  	s0 =	sld [smem:$0x3F88];
	_ =	swait.ge [sflag:s4], $0x0  }
0x19: {  	s7 =	sld [smem:$0x3F89]  }
0x1a: {  	s8 =	sadd.s32 $0xFFFFE003, lr  }
0x1b: {  	s9 =	sadd.s32 $0xFFFFFEF7, lr;
	s5 =	simm.s32 $0xFFFFFFFF;
	p2 =	slt.u32 s8, $0xFFFFF086  }
0x1c: {  	p1 =	slt.u32 s9, $0xF7A;
	s5 =	simm.s32 @!p2 $0x0  }
0x1d: {  	s5 =	simm.s32 @p1 $0x1;
	p0 =	seq.s32 s7, s2  }
0x1e: {  	s7 =	smul.u32 @!p0 $0xF7A, s2;
	p2 =	seq.s32 @!p0 s5, $0x0  }
0x1f: {  	s9 =	smul.u32 $0xF7A, s1;
	s8 =	simm.s32 @!p0 $0x1BF5;
	p2 =	por !p2, p0  }
0x20: {  	[sflag:s8] =	ssyncset.s32 @!p0 $0xFFFFF086;
	s6 =	sadd.s32 @!p0 s3, s7;
	s7 =	simm.s32 @!p0 $0x108  }
0x21: {  	s3 =	sadd.s32 s3, s9;
	s6 =	sadd.s32 @!p0 $0x88, s6;
	s7 =	simm.s32 @p2 $0x1082  }
0x22: {  	[simem:s7], [sflag:s8] =	dma.local @!p0 [hbm:s6], $0xF7A  }
0x23: {  	s9 =	sor.u32 $0xD0000000, s2;
	s6 =	simm.s32 $0x108;
	_ =	swait.ge @!p0 [sflag:s8], $0x0  }
0x24: {  	s3 =	sadd.s32 $0x88, s3;
	s6 =	simm.s32 @!p1 $0x1082;
	[sflag:s4] =	ssyncset.s32 $0xFFFFF086  }
0x25: {  	[simem:s6], [sflag:s4] =	dma.local [hbm:s3], $0xF7A  }
0x26: {  	[smem:$0x3F89] =	sst s1;
	(tag) =	ssettag s2;
	_ =	strace s9  }
0x27: {  	s1 =	sld [smem:$0x3F99]  }
0x28: {  	s2 =	sld [smem:$0x3F9A]  }
0x29: {  	s4 =	sld [smem:$0x3F9C]  }
0x2a: {  	p0 =	seq.s32 s5, $0x0;
	s5 =	sld [smem:$0x3F9D]  }
0x2b: {  	s6 =	sld [smem:$0x3F9E]  }
0x2c: {  	s7 =	sld [smem:$0x3F9F]  }
0x2d: {  	s3 =	simm.s32 $0x108;
	s8 =	sld [smem:$0x3FA0]  }
0x2e: {  	s3 =	simm.s32 @!p0 $0x1082;
	s9 =	sld [smem:$0x3FA1]  }
0x2f: {  	lr =	sadd.s32 s0, s3;
	s0 =	sld [smem:$0x3F98]  }
0x30: {  	s3 =	sld [smem:$0x3F9B]  }
0x31: {  	[smem:$0x3FA4] =	sst s10  }
0x32: {  	s10 =	sld [smem:$0x3FA2];
	_ =	sdelay $0x3  }
0x33: {  	p0 =	seq.s32 s10, $0x1;
	s10 =	sld [smem:$0x3FA4];
	_ =	sdelay $0x3  }
0x34: {  	[smem:$0x3FA4] =	sst s10  }
0x35: {  	s10 =	sld [smem:$0x3FA3];
	_ =	sdelay $0x3  }
0x36: {  	p1 =	seq.s32 s10, $0x1;
	s10 =	sld [smem:$0x3FA4];
	_ =	sdelay $0x3  }
0x37: {  	[smem:$0x3FA4] =	sst s10  }
0x38: {  	s10 =	sld [smem:$0x3FA5]  }
0x39: {  	_ = 	snop;
	(pc) =	sbr.ind lr, $3  }
0x3a: {  	_ = 	snop  }
0x3b: {  	_ = 	snop  }
0x3c: {  	p2 =	seq.s32 s10, $0x1;
	s10 =	sld [smem:$0x3FA4]  }
0x3d: {  	_ =	shalt  }
0x3e: {  	_ =	shalt  }
0x3f: {  	_ =	shalt  }
0x40: {  	_ =	shalt  }
0x41: {  	_ =	shalt  }
0x42: {  	_ =	shalt  }
0x43: {  	_ =	shalt  }
0x44: {  	_ =	shalt  }
0x45: {  	_ =	shalt  }
0x46: {  	_ =	shalt  }
0x47: {  	_ =	shalt  }
0x48: {  	_ =	shalt  }
0x49: {  	_ =	shalt  }
0x4a: {  	_ =	shalt  }
0x4b: {  	_ =	shalt  }
0x4c: {  	_ =	shalt  }
0x4d: {  	_ =	shalt  }
0x4e: {  	_ =	shalt  }
0x4f: {  	_ =	shalt  }
0x50: {  	_ =	shalt  }
0x51: {  	_ =	shalt  }
0x52: {  	_ =	shalt  }
0x53: {  	_ =	shalt  }
0x54: {  	_ =	shalt  }
0x55: {  	_ =	shalt  }
0x56: {  	_ =	shalt  }
0x57: {  	_ =	shalt  }
0x58: {  	_ =	shalt  }
0x59: {  	_ =	shalt  }
0x5a: {  	_ =	shalt  }
0x5b: {  	_ =	shalt  }
0x5c: {  	_ =	shalt  }
0x5d: {  	_ =	shalt  }
0x5e: {  	_ =	shalt  }
0x5f: {  	_ =	shalt  }
0x60: {  	_ =	shalt  }
0x61: {  	_ =	shalt  }
0x62: {  	_ =	shalt  }
0x63: {  	_ =	shalt  }
0x64: {  	_ =	shalt  }
0x65: {  	_ =	shalt  }
0x66: {  	_ =	shalt  }
0x67: {  	_ =	shalt  }
0x68: {  	_ =	shalt  }
0x69: {  	_ =	shalt  }
0x6a: {  	_ =	shalt  }
0x6b: {  	_ =	shalt  }
0x6c: {  	_ =	shalt  }
0x6d: {  	_ =	shalt  }
0x6e: {  	_ =	shalt  }
0x6f: {  	_ =	shalt  }
0x70: {  	_ =	shalt  }
0x71: {  	_ =	shalt  }
0x72: {  	_ =	shalt  }
0x73: {  	_ =	shalt  }
0x74: {  	_ =	shalt  }
0x75: {  	_ =	shalt  }
0x76: {  	_ =	shalt  }
0x77: {  	_ =	shalt  }
0x78: {  	_ =	shalt  }
0x79: {  	_ =	shalt  }
0x7a: {  	_ =	shalt  }
0x7b: {  	_ =	shalt  }
0x7c: {  	_ =	shalt  }
0x7d: {  	_ =	shalt  }
0x7e: {  	_ =	shalt  }
0x7f: {  	_ =	shalt  }
0x80: {  	_ =	shalt  }
0x81: {  	_ =	shalt  }
0x82: {  	_ =	shalt  }
0x83: {  	_ =	shalt  }
0x84: {  	_ =	shalt  }
0x85: {  	_ =	shalt  }
0x86: {  	_ =	shalt  }
0x87: {  	_ =	shalt  }
.Lfunc_end0:
.L_simem_size_0:
called_computation.1_lowered:
.L_overlay_start_0:
0x88: {  	s2 =	sld [smem:$0x3FD9]  }
0x89: {  	s3 =	sld [smem:$0x3FFE];
	_ =	sdelay $0x1  }
0x8a: {  	s1 =	srdreg.scid  }
0x8b: {  	s0 =	sand.u32 $0x1, s1  }
0x8c: {  	s16 =	sshll.u32 s0, $0xA;
	s2 =	sadd.s32 s3, s2  }
0x8d: {  	s2 =	sadd.s32 s2, s16  }
0x8e: {  	[smem:$0x3FB0] =	sst s2  }
0x8f: {  	_ = 	snop  }
0x90: {  	(tm) =	ssettm $0x1  }
0x91: {  	s17 =	sld [smem:$0x3FFB];
	_ =	sdelay $0x3  }
0x92: {  	_ =	strace s17  }
0x93: {  	s2 =	sld [smem:$0x3FFC];
	_ =	sdelay $0x3  }
0x94: {  	_ =	strace s2  }
0x95: {  	s2 =	sld [smem:$0x3FFD];
	_ =	sdelay $0x3  }
0x96: {  	_ =	strace s2  }
0x97: {  	_ =	strace $0x8FFFFFFF  }
0x98: {  	s18 =	sld [smem:$0x3FDB];
	_ =	sdelay $0x1  }
0x99: {  	s19 =	simm.s32 $_scs_section_size  }
0x9a: {  	s4 =	simm.s32 $_size__tile_overlayer_lowered;
	s5 =	simm.s32 $_tile_overlayer_lowered  }
0x9b: {  	s22 =	simm.s32 $0x1BFF;
	s21 =	sshll.u32 s5, $0x1;
	s2 =	sadd.s32 s19, s18  }
0x9c: {  	s6 =	simm.s32 $0x0;
	s20 =	sshll.u32 s4, $0x1;
	s4 =	sadd.s32 s21, s2  }
0x9d: {  	[timem:s6], [sflag:s22] =	dma.local [hbm:s4], s20  }
0x9e: {  	_ =	swait.ge [sflag:s22], s20  }
0x9f: {  	s3 =	ssub.s32 $0x0, s20;
	[sflag:s22] =	ssyncset.done $0x0  }
0xa0: {  	[sflag:s22] =	ssyncadd.s32 s3;
	_ =	sdelay $0x1  }
0xa1: {  	s23 =	simm.s32 $0x1B8B  }
0xa2: {  	_ =	swait.ge [sflag:s23], $0x1  }
0xa3: {  	[sflag:s23] =	ssyncset.done $0x0  }
0xa4: {  	s25 =	simm.s32 $0x1B8E;
	s24 =	sld [smem:$0x3FFE];
	[sflag:s23] =	ssyncadd.s32 $0xFFFFFFFF  }
0xa5: {  	s26 =	simm.s32 $execute0_lowered;
	[smem:$0x3FD2] =	sst s25  }
0xa6: {  	s4 =	sshll.u32 s26, $0x1;
	_ =	strace $0x80000049;
	[dreg:$0x1] =	wrdreg $0xFFFFFFFF  }
0xa7: {  	s28 =	simm.s32 $_size_execute0_lowered;
	s2 =	sadd.s32 s2, s4;
	[dreg:$0x0] =	wrdreg $0x0  }
0xa8: {  	s4 =	sshll.u32 s28, $0x1;
	[dreg:$0x2] =	wrdreg s2  }
0xa9: {  	[dreg:$0x3] =	wrdreg s4  }
0xaa: {  	[dreg:$0x4] =	wrdreg $0xC0  }
0xab: {  	_ =	task [dreg:s6], $0x5FFFF  }
0xac: {  	[dreg:$0x1] =	wrdreg $0xFFFFFFFF  }
0xad: {  	[dreg:$0x0] =	wrdreg $0x60  }
0xae: {  	[dreg:$0x2] =	wrdreg s24  }
0xaf: {  	[dreg:$0x3] =	wrdreg $0x9  }
0xb0: {  	_ =	task.clear_ibuf [dreg:s6], $0x4FFFF;
	_ =	strace $0x90000049  }
0xb1: {  	s29 =	simm.s32 $0x9;
	_ =	strace $0x8000004B  }
0xb2: {  	_ =	swait.ge [sflag:s29], $0x1  }
0xb3: {  	[sflag:s29] =	ssyncadd.s32 $0xFFFFFFFF  }
0xb4: {  	_ =	strace $0x9000004B  }
0xb5: {  	_ =	sfence  }
0xb6: {  	s30 =	sld [smem:$0x0];
	_ =	sdelay $0x2  }
0xb7: {  	s31 =	sshll.u32 s1, $0xD;
	s1 =	sshrl.u32 s1, $0x2  }
0xb8: {  	s3 =	sand.u32 $0x4000, s31;
	s1 =	sadd.s32 s1, s30  }
0xb9: {  	s0 =	sor.u32 s3, s0;
	s1 =	sshll.u32 s1, $0x11  }
0xba: {  	s0 =	sor.u32 s1, s0  }
0xbb: {  	s0 =	sadd.s32 $0x8F2B, s0  }
0xbc: {  	[sflag:s0] =	ssyncadd.remote.s32 $0x1  }
0xbd: {  	_ =	sfence.sel $0xFFFF  }
0xbe: {  	[dreg:$0x0] =	wrdreg $0xFFFFFFFF;
	(pc) =	sbr.abs _section_cstart, $3  }
0xbf: {  	[dreg:$0x1] =	wrdreg $0xFFFFFFFF  }
0xc0: {  	_ =	task.clear_ibuf [dreg:s6], $0x2FFFF;
	_ =	strace $0x9FFFFFFF  }
0xc1: {  	(tm) =	ssettm $0x7FFFFFFF  }
tec
execute0_lowered:
.L_overlay_start_1:
0x0: {  	(tag) =	ssettag $0x1  }
0x1: {  	s0 =	srdreg.scid  }
0x2: {  	s5 =	stileid.u32;
	s4 =	rddreg [dreg:$0x0];
	s15 =	simm.s32 $0x880  }
0x3: {  	s16 =	simm.s32 $0x1080;
	s18 =	simm.s32 $0x1880;
	s19 =	simm.s32 $0x2080  }
0x4: {  	s20 =	simm.s32 $0x2880;
	s21 =	simm.s32 $0x3080;
	s22 =	simm.s32 $0x3880  }
0x5: {  	s23 =	simm.s32 $0x4080;
	s24 =	simm.s32 $0x4880;
	s25 =	simm.s32 $0x5080  }
0x6: {  	s26 =	simm.s32 $0x5880;
	s8 =	simm.s32 $0x80;
	s0 =	sand.u32 $0x1, s0  }
0x7: {  	s9 =	simm.s32 $0x6080;
	s1 =	sshll.u32 s5, $0xC;
	s2 =	sshll.u32 s0, $0xB  }
0x8: {  	s10 =	simm.s32 $0x6880;
	s1 =	sor.u32 s2, s1;
	s2 =	simm.s32 $0x0  }
0x9: {  	s11 =	simm.s32 $0x7080;
	s12 =	simm.s32 $0x7880;
	[smem:$0x7FF] =	sst s2  }
0xa: {  	s13 =	simm.s32 $0x8080;
	_ =	strace $0x8000004A;
	[dreg:$0x3] =	wrdreg s15  }
0xb: {  	s14 =	simm.s32 $0x8880;
	s28 =	simm.s32 $0xF080;
	[dreg:$0x4] =	wrdreg s16  }
0xc: {  	s29 =	simm.s32 $0xF880;
	s30 =	simm.s32 $0x1;
	[dreg:$0x5] =	wrdreg s18  }
0xd: {  	s31 =	simm.s32 $0x0;
	s5 =	sshll.u32 s5, $0x12;
	[dreg:$0x6] =	wrdreg s19  }
0xe: {  	s3 =	sadd.s32 $0xA4800, s4;
	s6 =	sadd.s32 s5, s4;
	[dreg:$0x7] =	wrdreg s20  }
0xf: {  	s17 =	ssub.s32 $0x2, s0;
	s0 =	sshll.u32 s0, $0x11;
	[dreg:$0x8] =	wrdreg s21  }
0x10: {  	s7 =	sshrl.u32 s17, $0x1;
	s0 =	sadd.s32 s0, s6;
	[dreg:$0x9] =	wrdreg s22  }
0x11: {  	s1 =	sshrl.u32 s1, $0x3;
	s0 =	sadd.s32 $0xE4800, s0;
	[dreg:$0xa] =	wrdreg s23  }
0x12: {  	s5 =	ssub.s32 s17, s7;
	s7 =	simm.s32 $0x2;
	[dreg:$0xf] =	wrdreg s0  }
0x13: {  	s17 =	simm.s32 $0xA080;
	s1 =	sadd.s32 s1, s4;
	[dreg:$0xb] =	wrdreg s24  }
0x14: {  	s4 =	sadd.s32 $0xA4900, s4;
	s5 =	smax.u32 s5, $0x1;
	[dreg:$0xc] =	wrdreg s25  }
0x15: {  	[dreg:$0xd] =	wrdreg s26;
	s15 =	simm.s32 $0x9080;
	s16 =	simm.s32 $0x9880  }
0x16: {  	s18 =	simm.s32 $0xA880;
	s19 =	simm.s32 $0xB080;
	s20 =	simm.s32 $0xB880  }
0x17: {  	v2 =	vlaneseq.u32;
	s21 =	simm.s32 $0xC080;
	s22 =	simm.s32 $0xC880;
	s23 =	simm.s32 $0xD080  }
0x18: {  	vm0 =	vmmov $0xffff;
	v1 =	vshrl.u32 v2, $0x3;
	s24 =	simm.s32 $0xD880;
	s1 =	sadd.s32 $0x64800, s1;
	[dreg:$0xe] =	wrdreg s5  }
0x19: {  	v0 =	vand.u32 $0x7, v2;
	v2 =	vor.u32 $0x8, v2;
	v1 =	vmul.u32 $0x8, v1;
	s25 =	simm.s32 $0xE080;
	s26 =	simm.s32 $0xE880;
	[dreg:$0x2] =	wrdreg s1  }
.LBB2_1:
0x1a: {  	s6 =	rddreg [dreg:$0xf];
	s0 =	simm.s32 $0x0  }
.LBB2_2:
0x1b: {  	s5 =	rddreg [dreg:$0x2]  }
0x1c: {  	s5 =	sadd.s32 s0, s5  }
0x1d: {  	[tilespmem:s2], [sflag:$0x2] =	stream.linear.gather [hbm4b:s5+s2], $0x80, $0x38;
	[tilespmem:$0x10080] =	vst v63  }
0x1e: {  	_ =	swait.ge [sflag:s7], $0x80  }
0x1f: {  	[sflag:s7] =	ssyncset.done $0x0  }
0x20: {  	[sflag:s7] =	ssyncadd.s32 $0xFFFFFF80  }
0x21: {  	v3 =	vld [tilespmem:$0x0];
	_ =	sdelay $0x4  }
0x22: {  	v4 =	vshll.u32 v3, $0x2  }
0x23: {  	v3 =	vand.u32 $0x7, v3;
	v4 =	vand.u32 $0xFFFFFFE0, v4  }
0x24: {  	v3 =	vor.u32 v3, v4  }
0x25: {  	v4 =	vperm.xlane v3, v0;
	_ =	sdelay $0x1  }
0x26: {  	v4 =	vadd.s32 v1, v4;
	_ =	sdelay $0x1  }
0x27: {  	v3 =	vperm.xlane v3, v2;
	_ =	sdelay $0x1  }
0x28: {  	v3 =	vadd.s32 v1, v3  }
0x29: {  	[tilespmem:s8], [sflag:$0x1] =	stream.indirect_vreg.gather [hbm4b:s3+s2], $0x80, v4, vm0, $0xb8;
	[tilespmem:$0x10080] =	vst v63  }
0x2a: {  	s5 =	rddreg [dreg:$0x3]  }
0x2b: {  	[tilespmem:s5], [sflag:$0x1] =	stream.indirect_vreg.gather [hbm4b:s4+s2], $0x80, v4, vm0, $0xb8;
	[tilespmem:$0x10080] =	vst v63  }
0x2c: {  	s1 =	rddreg [dreg:$0x4]  }
0x2d: {  	[tilespmem:s1], [sflag:$0x1] =	stream.indirect_vreg.gather [hbm4b:s3+s2], $0x80, v3, vm0, $0xb8;
	[tilespmem:$0x10080] =	vst v63  }
0x2e: {  	s5 =	rddreg [dreg:$0x5]  }
0x2f: {  	[tilespmem:s5], [sflag:$0x1] =	stream.indirect_vreg.gather [hbm4b:s4+s2], $0x80, v3, vm0, $0xb8;
	[tilespmem:$0x10080] =	vst v63  }
0x30: {  	v3 =	vld [tilespmem:$0x10];
	_ =	sdelay $0x4  }
0x31: {  	v57 =	vshll.u32 v3, $0x2  }
0x32: {  	v3 =	vand.u32 $0x7, v3;
	v4 =	vand.u32 $0xFFFFFFE0, v57  }
0x33: {  	v3 =	vor.u32 v3, v4  }
0x34: {  	v4 =	vperm.xlane v3, v0;
	_ =	sdelay $0x1  }
0x35: {  	v4 =	vadd.s32 v1, v4;
	_ =	sdelay $0x1  }
0x36: {  	v3 =	vperm.xlane v3, v2;
	_ =	sdelay $0x1  }
0x37: {  	s1 =	rddreg [dreg:$0x6];
	v3 =	vadd.s32 v1, v3  }
0x38: {  	[tilespmem:s1], [sflag:$0x1] =	stream.indirect_vreg.gather [hbm4b:s3+s2], $0x80, v4, vm0, $0xb8;
	[tilespmem:$0x10080] =	vst v63  }
0x39: {  	s5 =	rddreg [dreg:$0x7]  }
0x3a: {  	[tilespmem:s5], [sflag:$0x1] =	stream.indirect_vreg.gather [hbm4b:s4+s2], $0x80, v4, vm0, $0xb8;
	[tilespmem:$0x10080] =	vst v63  }
0x3b: {  	s1 =	rddreg [dreg:$0x8]  }
0x3c: {  	[tilespmem:s1], [sflag:$0x1] =	stream.indirect_vreg.gather [hbm4b:s3+s2], $0x80, v3, vm0, $0xb8;
	[tilespmem:$0x10080] =	vst v63  }
0x3d: {  	s5 =	rddreg [dreg:$0x9]  }
0x3e: {  	[tilespmem:s5], [sflag:$0x1] =	stream.indirect_vreg.gather [hbm4b:s4+s2], $0x80, v3, vm0, $0xb8;
	[tilespmem:$0x10080] =	vst v63  }
0x3f: {  	v3 =	vld [tilespmem:$0x20];
	_ =	sdelay $0x4  }
0x40: {  	v58 =	vshll.u32 v3, $0x2  }
0x41: {  	v3 =	vand.u32 $0x7, v3;
	v4 =	vand.u32 $0xFFFFFFE0, v58  }
0x42: {  	v3 =	vor.u32 v3, v4  }
0x43: {  	v4 =	vperm.xlane v3, v0;
	_ =	sdelay $0x1  }
0x44: {  	v4 =	vadd.s32 v1, v4;
	_ =	sdelay $0x1  }
0x45: {  	v3 =	vperm.xlane v3, v2;
	_ =	sdelay $0x1  }
0x46: {  	s1 =	rddreg [dreg:$0xa];
	v3 =	vadd.s32 v1, v3  }
0x47: {  	[tilespmem:s1], [sflag:$0x1] =	stream.indirect_vreg.gather [hbm4b:s3+s2], $0x80, v4, vm0, $0xb8;
	[tilespmem:$0x10080] =	vst v63  }
0x48: {  	s5 =	rddreg [dreg:$0xb]  }
0x49: {  	[tilespmem:s5], [sflag:$0x1] =	stream.indirect_vreg.gather [hbm4b:s4+s2], $0x80, v4, vm0, $0xb8;
	[tilespmem:$0x10080] =	vst v63  }
0x4a: {  	s1 =	rddreg [dreg:$0xc]  }
0x4b: {  	[tilespmem:s1], [sflag:$0x1] =	stream.indirect_vreg.gather [hbm4b:s3+s2], $0x80, v3, vm0, $0xb8;
	[tilespmem:$0x10080] =	vst v63  }
0x4c: {  	s5 =	rddreg [dreg:$0xd]  }
0x4d: {  	[tilespmem:s5], [sflag:$0x1] =	stream.indirect_vreg.gather [hbm4b:s4+s2], $0x80, v3, vm0, $0xb8;
	[tilespmem:$0x10080] =	vst v63  }
0x4e: {  	v3 =	vld [tilespmem:$0x30];
	_ =	sdelay $0x4  }
0x4f: {  	v59 =	vshll.u32 v3, $0x2  }
0x50: {  	v3 =	vand.u32 $0x7, v3;
	v4 =	vand.u32 $0xFFFFFFE0, v59  }
0x51: {  	v3 =	vor.u32 v3, v4  }
0x52: {  	v4 =	vperm.xlane v3, v0;
	_ =	sdelay $0x1  }
0x53: {  	v4 =	vadd.s32 v1, v4;
	_ =	sdelay $0x1  }
0x54: {  	v3 =	vperm.xlane v3, v2;
	_ =	sdelay $0x1  }
0x55: {  	v3 =	vadd.s32 v1, v3  }
0x56: {  	[tilespmem:s9], [sflag:$0x1] =	stream.indirect_vreg.gather [hbm4b:s3+s2], $0x80, v4, vm0, $0xb8;
	[tilespmem:$0x10080] =	vst v63  }
0x57: {  	_ = 	snop  }
0x58: {  	[tilespmem:s10], [sflag:$0x1] =	stream.indirect_vreg.gather [hbm4b:s4+s2], $0x80, v4, vm0, $0xb8;
	[tilespmem:$0x10080] =	vst v63  }
0x59: {  	_ = 	snop  }
0x5a: {  	[tilespmem:s11], [sflag:$0x1] =	stream.indirect_vreg.gather [hbm4b:s3+s2], $0x80, v3, vm0, $0xb8;
	[tilespmem:$0x10080] =	vst v63  }
0x5b: {  	_ = 	snop  }
0x5c: {  	[tilespmem:s12], [sflag:$0x1] =	stream.indirect_vreg.gather [hbm4b:s4+s2], $0x80, v3, vm0, $0xb8;
	[tilespmem:$0x10080] =	vst v63  }
0x5d: {  	v3 =	vld [tilespmem:$0x40];
	_ =	sdelay $0x4  }
0x5e: {  	v60 =	vshll.u32 v3, $0x2  }
0x5f: {  	v3 =	vand.u32 $0x7, v3;
	v4 =	vand.u32 $0xFFFFFFE0, v60  }
0x60: {  	v3 =	vor.u32 v3, v4  }
0x61: {  	v4 =	vperm.xlane v3, v0;
	_ =	sdelay $0x1  }
0x62: {  	v4 =	vadd.s32 v1, v4;
	_ =	sdelay $0x1  }
0x63: {  	v3 =	vperm.xlane v3, v2;
	_ =	sdelay $0x1  }
0x64: {  	v3 =	vadd.s32 v1, v3  }
0x65: {  	[tilespmem:s13], [sflag:$0x1] =	stream.indirect_vreg.gather [hbm4b:s3+s2], $0x80, v4, vm0, $0xb8;
	[tilespmem:$0x10080] =	vst v63  }
0x66: {  	_ = 	snop  }
0x67: {  	[tilespmem:s14], [sflag:$0x1] =	stream.indirect_vreg.gather [hbm4b:s4+s2], $0x80, v4, vm0, $0xb8;
	[tilespmem:$0x10080] =	vst v63  }
0x68: {  	_ = 	snop  }
0x69: {  	[tilespmem:s15], [sflag:$0x1] =	stream.indirect_vreg.gather [hbm4b:s3+s2], $0x80, v3, vm0, $0xb8;
	[tilespmem:$0x10080] =	vst v63  }
0x6a: {  	_ = 	snop  }
0x6b: {  	[tilespmem:s16], [sflag:$0x1] =	stream.indirect_vreg.gather [hbm4b:s4+s2], $0x80, v3, vm0, $0xb8;
	[tilespmem:$0x10080] =	vst v63  }
0x6c: {  	v3 =	vld [tilespmem:$0x50];
	_ =	sdelay $0x4  }
0x6d: {  	v61 =	vshll.u32 v3, $0x2  }
0x6e: {  	v3 =	vand.u32 $0x7, v3;
	v4 =	vand.u32 $0xFFFFFFE0, v61  }
0x6f: {  	v3 =	vor.u32 v3, v4  }
0x70: {  	v4 =	vperm.xlane v3, v0;
	_ =	sdelay $0x1  }
0x71: {  	v4 =	vadd.s32 v1, v4;
	_ =	sdelay $0x1  }
0x72: {  	v3 =	vperm.xlane v3, v2;
	_ =	sdelay $0x1  }
0x73: {  	v3 =	vadd.s32 v1, v3  }
0x74: {  	[tilespmem:s17], [sflag:$0x1] =	stream.indirect_vreg.gather [hbm4b:s3+s2], $0x80, v4, vm0, $0xb8;
	[tilespmem:$0x10080] =	vst v63  }
0x75: {  	_ = 	snop  }
0x76: {  	[tilespmem:s18], [sflag:$0x1] =	stream.indirect_vreg.gather [hbm4b:s4+s2], $0x80, v4, vm0, $0xb8;
	[tilespmem:$0x10080] =	vst v63  }
0x77: {  	_ = 	snop  }
0x78: {  	[tilespmem:s19], [sflag:$0x1] =	stream.indirect_vreg.gather [hbm4b:s3+s2], $0x80, v3, vm0, $0xb8;
	[tilespmem:$0x10080] =	vst v63  }
0x79: {  	_ = 	snop  }
0x7a: {  	[tilespmem:s20], [sflag:$0x1] =	stream.indirect_vreg.gather [hbm4b:s4+s2], $0x80, v3, vm0, $0xb8;
	[tilespmem:$0x10080] =	vst v63  }
0x7b: {  	v3 =	vld [tilespmem:$0x60];
	_ =	sdelay $0x4  }
0x7c: {  	v62 =	vshll.u32 v3, $0x2  }
0x7d: {  	v3 =	vand.u32 $0x7, v3;
	v4 =	vand.u32 $0xFFFFFFE0, v62  }
0x7e: {  	v3 =	vor.u32 v3, v4  }
0x7f: {  	v4 =	vperm.xlane v3, v0;
	_ =	sdelay $0x1  }
0x80: {  	v4 =	vadd.s32 v1, v4;
	_ =	sdelay $0x1  }
0x81: {  	v3 =	vperm.xlane v3, v2;
	_ =	sdelay $0x1  }
0x82: {  	v3 =	vadd.s32 v1, v3  }
0x83: {  	[tilespmem:s21], [sflag:$0x1] =	stream.indirect_vreg.gather [hbm4b:s3+s2], $0x80, v4, vm0, $0xb8;
	[tilespmem:$0x10080] =	vst v63  }
0x84: {  	_ = 	snop  }
0x85: {  	[tilespmem:s22], [sflag:$0x1] =	stream.indirect_vreg.gather [hbm4b:s4+s2], $0x80, v4, vm0, $0xb8;
	[tilespmem:$0x10080] =	vst v63  }
0x86: {  	_ = 	snop  }
0x87: {  	[tilespmem:s23], [sflag:$0x1] =	stream.indirect_vreg.gather [hbm4b:s3+s2], $0x80, v3, vm0, $0xb8;
	[tilespmem:$0x10080] =	vst v63  }
0x88: {  	_ = 	snop  }
0x89: {  	[tilespmem:s24], [sflag:$0x1] =	stream.indirect_vreg.gather [hbm4b:s4+s2], $0x80, v3, vm0, $0xb8;
	[tilespmem:$0x10080] =	vst v63  }
0x8a: {  	v3 =	vld [tilespmem:$0x70];
	_ =	sdelay $0x4  }
0x8b: {  	v63 =	vshll.u32 v3, $0x2  }
0x8c: {  	v3 =	vand.u32 $0x7, v3;
	v4 =	vand.u32 $0xFFFFFFE0, v63  }
0x8d: {  	v3 =	vor.u32 v3, v4  }
0x8e: {  	v4 =	vperm.xlane v3, v0;
	_ =	sdelay $0x1  }
0x8f: {  	v4 =	vadd.s32 v1, v4;
	_ =	sdelay $0x1  }
0x90: {  	v3 =	vperm.xlane v3, v2;
	_ =	sdelay $0x1  }
0x91: {  	v3 =	vadd.s32 v1, v3  }
0x92: {  	[tilespmem:s25], [sflag:$0x1] =	stream.indirect_vreg.gather [hbm4b:s3+s2], $0x80, v4, vm0, $0xb8;
	[tilespmem:$0x10080] =	vst v63  }
0x93: {  	_ = 	snop  }
0x94: {  	[tilespmem:s26], [sflag:$0x1] =	stream.indirect_vreg.gather [hbm4b:s4+s2], $0x80, v4, vm0, $0xb8;
	[tilespmem:$0x10080] =	vst v63  }
0x95: {  	_ = 	snop  }
0x96: {  	[tilespmem:s28], [sflag:$0x1] =	stream.indirect_vreg.gather [hbm4b:s3+s2], $0x80, v3, vm0, $0xb8;
	[tilespmem:$0x10080] =	vst v63  }
0x97: {  	_ = 	snop  }
0x98: {  	[tilespmem:s29], [sflag:$0x1] =	stream.indirect_vreg.gather [hbm4b:s4+s2], $0x80, v3, vm0, $0xb8;
	[tilespmem:$0x10080] =	vst v63  }
0x99: {  	_ =	swait.ge [sflag:s30], $0x10000  }
0x9a: {  	p0 =	sne.s32 s0, $0xF0;
	[sflag:s30] =	ssyncset.done $0x0  }
.Ltmp0:
0x9b: {  	[sflag:s30] =	ssyncadd.s32 $0xFFFF0000;
	(pc) =	sbr.rel @p0 .LBB2_2-.Ltmp0, $4  }
0x9c: {  	[hbm4b:s6+s2] =	stream.linear.scatter [tilespmem:s8], [sflag:$0x2], $0x10000, $0x38;
	[tilespmem:$0x10080] =	vst v63  }
0x9d: {  	_ =	swait.ge [sflag:s7], $0x10000  }
0x9e: {  	[sflag:s7] =	ssyncset.done $0x0  }
0x9f: {  	s0 =	sadd.s32 $0x10, s0;
	s6 =	sadd.s32 $0x2000, s6;
	[sflag:s7] =	ssyncadd.s32 $0xFFFF0000  }
0xa0: {  	s31 =	sadd.s32 $0x1, s31;
	s0 =	rddreg [dreg:$0xe]  }
0xa1: {  	p0 =	sne.s32 s31, s0  }
.Ltmp1:
0xa2: {  	_ = 	snop;
	(pc) =	sbr.rel @p0 .LBB2_1-.Ltmp1, $1  }
0xa3: {  	_ =	sdelay $0x3  }
0xa4: {  	_ =	sfence.sel $0x180000  }
0xa5: {  	[bflag:$0x0] =	sbarrier.arrive $0xFFFF  }
0xa6: {  	_ =	strace $0x9000004A  }
0xa7: {  	s0 =	stileid.u32;
	[bflag:$0x2] =	sbarrier.arrive $0xFFFF  }
0xa8: {  	p0 =	sne.s32 s0, $0x0;
	s0 =	rddreg [dreg:$0x1]  }
0xa9: {  	s0 =	sadd.s32 @!p0 $0x100000, s0  }
0xaa: {  	[sflag:s0] =	ssyncadd.tile.s32 @!p0 $0x1;
	_ =	shalt  }
.Lfunc_end2:
_tile_overlayer_lowered:
.L_overlay_start_2:
0xab: {  	(tag) =	ssettag $0x2  }
0xac: {  	s0 =	rddreg [dreg:$0x0];
	s2 =	stileid.u32  }
0xad: {  	s1 =	rddreg [dreg:$0x1];
	p0 =	sne.s32 s2, $0x0  }
0xae: {  	s3 =	rddreg [dreg:$0x2];
	[bflag:$0x3] =	sbarrier.arrive $0xFFFF;
	s2 =	simm.s32 @!p0 $0x1C02  }
0xaf: {  	[timem:s3], [sflag:s2] =	dma.local @!p0 [hbm:s0], s1  }
0xb0: {  	s0 =	simm.s32 @!p0 $0x2  }
0xb1: {  	_ =	swait.ge @!p0 [sflag:s0], s1  }
0xb2: {  	s1 =	ssub.s32 @!p0 $0x0, s1;
	[sflag:s0] =	ssyncset.done @!p0 $0x0  }
0xb3: {  	[sflag:s0] =	ssyncadd.s32 @!p0 s1  }
0xb4: {  	[bflag:$0x3] =	sbarrier.arrive $0xFFFF  }
0xb5: {  	_ =	shalt  }

// kernel: kernel.22.cloned.1.call-start
scs
__scs_entry_jumppad:
0x0: {  	(pc) =	sbr.rel $0x88, $3  }
0x1: {  	(tag) =	ssettag $0x0;
	lr =	simm.s32 $0x1  }
0x2: {  	[smem:$0x3F89] =	sst lr;
	_ =	strace $0xD0000000  }
0x3: {  	_ = 	snop  }
0x4: {  	_ = 	snop  }
0x5: {  	_ = 	snop  }
0x6: {  	_ = 	snop  }
0x7: {  	_ = 	snop  }
__scs_overlays_trampoline_lowered:
0x8: {  	[smem:$0x3F98] =	sst s0  }
0x9: {  	[smem:$0x3F99] =	sst s1  }
0xa: {  	[smem:$0x3F9A] =	sst s2  }
0xb: {  	[smem:$0x3F9B] =	sst s3  }
0xc: {  	[smem:$0x3F9C] =	sst s4  }
0xd: {  	[smem:$0x3F9D] =	sst s5  }
0xe: {  	[smem:$0x3F9E] =	sst s6  }
0xf: {  	[smem:$0x3F9F] =	sst s7  }
0x10: {  	[smem:$0x3FA0] =	sst s8  }
0x11: {  	[smem:$0x3FA1] =	sst s9;
	s0 =	simm.s32 @!p0 $0x0  }
0x12: {  	s1 =	sld [smem:$0x3F87];
	s0 =	simm.s32 @p0 $0x1  }
0x13: {  	[smem:$0x3FA2] =	sst s0;
	s0 =	simm.s32 @!p1 $0x0  }
0x14: {  	s2 =	sld [smem:$0x3F86];
	s0 =	simm.s32 @p1 $0x1  }
0x15: {  	[smem:$0x3FA3] =	sst s0;
	s0 =	simm.s32 @!p2 $0x0  }
0x16: {  	s3 =	sld [smem:$0x3FDB];
	s0 =	simm.s32 @p2 $0x1  }
0x17: {  	s4 =	simm.s32 $0x1BF5;
	[smem:$0x3FA5] =	sst s0  }
0x18: {  	s0 =	sld [smem:$0x3F88];
	_ =	swait.ge [sflag:s4], $0x0  }
0x19: {  	s7 =	sld [smem:$0x3F89]  }
0x1a: {  	s8 =	sadd.s32 $0xFFFFE003, lr  }
0x1b: {  	s9 =	sadd.s32 $0xFFFFFEF7, lr;
	s5 =	simm.s32 $0xFFFFFFFF;
	p2 =	slt.u32 s8, $0xFFFFF086  }
0x1c: {  	p1 =	slt.u32 s9, $0xF7A;
	s5 =	simm.s32 @!p2 $0x0  }
0x1d: {  	s5 =	simm.s32 @p1 $0x1;
	p0 =	seq.s32 s7, s2  }
0x1e: {  	s7 =	smul.u32 @!p0 $0xF7A, s2;
	p2 =	seq.s32 @!p0 s5, $0x0  }
0x1f: {  	s9 =	smul.u32 $0xF7A, s1;
	s8 =	simm.s32 @!p0 $0x1BF5;
	p2 =	por !p2, p0  }
0x20: {  	[sflag:s8] =	ssyncset.s32 @!p0 $0xFFFFF086;
	s6 =	sadd.s32 @!p0 s3, s7;
	s7 =	simm.s32 @!p0 $0x108  }
0x21: {  	s3 =	sadd.s32 s3, s9;
	s6 =	sadd.s32 @!p0 $0x88, s6;
	s7 =	simm.s32 @p2 $0x1082  }
0x22: {  	[simem:s7], [sflag:s8] =	dma.local @!p0 [hbm:s6], $0xF7A  }
0x23: {  	s9 =	sor.u32 $0xD0000000, s2;
	s6 =	simm.s32 $0x108;
	_ =	swait.ge @!p0 [sflag:s8], $0x0  }
0x24: {  	s3 =	sadd.s32 $0x88, s3;
	s6 =	simm.s32 @!p1 $0x1082;
	[sflag:s4] =	ssyncset.s32 $0xFFFFF086  }
0x25: {  	[simem:s6], [sflag:s4] =	dma.local [hbm:s3], $0xF7A  }
0x26: {  	[smem:$0x3F89] =	sst s1;
	(tag) =	ssettag s2;
	_ =	strace s9  }
0x27: {  	s1 =	sld [smem:$0x3F99]  }
0x28: {  	s2 =	sld [smem:$0x3F9A]  }
0x29: {  	s4 =	sld [smem:$0x3F9C]  }
0x2a: {  	p0 =	seq.s32 s5, $0x0;
	s5 =	sld [smem:$0x3F9D]  }
0x2b: {  	s6 =	sld [smem:$0x3F9E]  }
0x2c: {  	s7 =	sld [smem:$0x3F9F]  }
0x2d: {  	s3 =	simm.s32 $0x108;
	s8 =	sld [smem:$0x3FA0]  }
0x2e: {  	s3 =	simm.s32 @!p0 $0x1082;
	s9 =	sld [smem:$0x3FA1]  }
0x2f: {  	lr =	sadd.s32 s0, s3;
	s0 =	sld [smem:$0x3F98]  }
0x30: {  	s3 =	sld [smem:$0x3F9B]  }
0x31: {  	[smem:$0x3FA4] =	sst s10  }
0x32: {  	s10 =	sld [smem:$0x3FA2];
	_ =	sdelay $0x3  }
0x33: {  	p0 =	seq.s32 s10, $0x1;
	s10 =	sld [smem:$0x3FA4];
	_ =	sdelay $0x3  }
0x34: {  	[smem:$0x3FA4] =	sst s10  }
0x35: {  	s10 =	sld [smem:$0x3FA3];
	_ =	sdelay $0x3  }
0x36: {  	p1 =	seq.s32 s10, $0x1;
	s10 =	sld [smem:$0x3FA4];
	_ =	sdelay $0x3  }
0x37: {  	[smem:$0x3FA4] =	sst s10  }
0x38: {  	s10 =	sld [smem:$0x3FA5]  }
0x39: {  	_ = 	snop;
	(pc) =	sbr.ind lr, $3  }
0x3a: {  	_ = 	snop  }
0x3b: {  	_ = 	snop  }
0x3c: {  	p2 =	seq.s32 s10, $0x1;
	s10 =	sld [smem:$0x3FA4]  }
0x3d: {  	_ =	shalt  }
0x3e: {  	_ =	shalt  }
0x3f: {  	_ =	shalt  }
0x40: {  	_ =	shalt  }
0x41: {  	_ =	shalt  }
0x42: {  	_ =	shalt  }
0x43: {  	_ =	shalt  }
0x44: {  	_ =	shalt  }
0x45: {  	_ =	shalt  }
0x46: {  	_ =	shalt  }
0x47: {  	_ =	shalt  }
0x48: {  	_ =	shalt  }
0x49: {  	_ =	shalt  }
0x4a: {  	_ =	shalt  }
0x4b: {  	_ =	shalt  }
0x4c: {  	_ =	shalt  }
0x4d: {  	_ =	shalt  }
0x4e: {  	_ =	shalt  }
0x4f: {  	_ =	shalt  }
0x50: {  	_ =	shalt  }
0x51: {  	_ =	shalt  }
0x52: {  	_ =	shalt  }
0x53: {  	_ =	shalt  }
0x54: {  	_ =	shalt  }
0x55: {  	_ =	shalt  }
0x56: {  	_ =	shalt  }
0x57: {  	_ =	shalt  }
0x58: {  	_ =	shalt  }
0x59: {  	_ =	shalt  }
0x5a: {  	_ =	shalt  }
0x5b: {  	_ =	shalt  }
0x5c: {  	_ =	shalt  }
0x5d: {  	_ =	shalt  }
0x5e: {  	_ =	shalt  }
0x5f: {  	_ =	shalt  }
0x60: {  	_ =	shalt  }
0x61: {  	_ =	shalt  }
0x62: {  	_ =	shalt  }
0x63: {  	_ =	shalt  }
0x64: {  	_ =	shalt  }
0x65: {  	_ =	shalt  }
0x66: {  	_ =	shalt  }
0x67: {  	_ =	shalt  }
0x68: {  	_ =	shalt  }
0x69: {  	_ =	shalt  }
0x6a: {  	_ =	shalt  }
0x6b: {  	_ =	shalt  }
0x6c: {  	_ =	shalt  }
0x6d: {  	_ =	shalt  }
0x6e: {  	_ =	shalt  }
0x6f: {  	_ =	shalt  }
0x70: {  	_ =	shalt  }
0x71: {  	_ =	shalt  }
0x72: {  	_ =	shalt  }
0x73: {  	_ =	shalt  }
0x74: {  	_ =	shalt  }
0x75: {  	_ =	shalt  }
0x76: {  	_ =	shalt  }
0x77: {  	_ =	shalt  }
0x78: {  	_ =	shalt  }
0x79: {  	_ =	shalt  }
0x7a: {  	_ =	shalt  }
0x7b: {  	_ =	shalt  }
0x7c: {  	_ =	shalt  }
0x7d: {  	_ =	shalt  }
0x7e: {  	_ =	shalt  }
0x7f: {  	_ =	shalt  }
0x80: {  	_ =	shalt  }
0x81: {  	_ =	shalt  }
0x82: {  	_ =	shalt  }
0x83: {  	_ =	shalt  }
0x84: {  	_ =	shalt  }
0x85: {  	_ =	shalt  }
0x86: {  	_ =	shalt  }
0x87: {  	_ =	shalt  }
.Lfunc_end0:
.L_simem_size_0:
called_computation.2_lowered:
.L_overlay_start_0:
0x88: {  	s2 =	sld [smem:$0x3FD9]  }
0x89: {  	s3 =	sld [smem:$0x3FFE];
	_ =	sdelay $0x1  }
0x8a: {  	s1 =	srdreg.scid  }
0x8b: {  	s0 =	sand.u32 $0x1, s1  }
0x8c: {  	s16 =	sshll.u32 s0, $0xA;
	s2 =	sadd.s32 s3, s2  }
0x8d: {  	s2 =	sadd.s32 s2, s16  }
0x8e: {  	[smem:$0x3FB0] =	sst s2  }
0x8f: {  	_ = 	snop  }
0x90: {  	(tm) =	ssettm $0x1  }
0x91: {  	s17 =	sld [smem:$0x3FFB];
	_ =	sdelay $0x3  }
0x92: {  	_ =	strace s17  }
0x93: {  	s2 =	sld [smem:$0x3FFC];
	_ =	sdelay $0x3  }
0x94: {  	_ =	strace s2  }
0x95: {  	s2 =	sld [smem:$0x3FFD];
	_ =	sdelay $0x3  }
0x96: {  	_ =	strace s2  }
0x97: {  	_ =	strace $0x8FFFFFFF  }
0x98: {  	s18 =	sld [smem:$0x3FDB];
	_ =	sdelay $0x1  }
0x99: {  	s19 =	simm.s32 $_scs_section_size  }
0x9a: {  	s4 =	simm.s32 $_size__tile_overlayer_lowered;
	s5 =	simm.s32 $_tile_overlayer_lowered  }
0x9b: {  	s22 =	simm.s32 $0x1BFF;
	s21 =	sshll.u32 s5, $0x1;
	s2 =	sadd.s32 s19, s18  }
0x9c: {  	s6 =	simm.s32 $0x0;
	s20 =	sshll.u32 s4, $0x1;
	s4 =	sadd.s32 s21, s2  }
0x9d: {  	[timem:s6], [sflag:s22] =	dma.local [hbm:s4], s20  }
0x9e: {  	_ =	swait.ge [sflag:s22], s20  }
0x9f: {  	s3 =	ssub.s32 $0x0, s20;
	[sflag:s22] =	ssyncset.done $0x0  }
0xa0: {  	[sflag:s22] =	ssyncadd.s32 s3;
	_ =	sdelay $0x1  }
0xa1: {  	s23 =	simm.s32 $0x1B8B  }
0xa2: {  	_ =	swait.ge [sflag:s23], $0x1  }
0xa3: {  	[sflag:s23] =	ssyncset.done $0x0  }
0xa4: {  	s25 =	simm.s32 $0x1B8E;
	s24 =	sld [smem:$0x3FFE];
	[sflag:s23] =	ssyncadd.s32 $0xFFFFFFFF  }
0xa5: {  	s26 =	simm.s32 $execute0_lowered;
	[smem:$0x3FD2] =	sst s25  }
0xa6: {  	s4 =	sshll.u32 s26, $0x1;
	_ =	strace $0x8000004C;
	[dreg:$0x1] =	wrdreg $0xFFFFFFFF  }
0xa7: {  	s28 =	simm.s32 $_size_execute0_lowered;
	s2 =	sadd.s32 s2, s4;
	[dreg:$0x0] =	wrdreg $0x0  }
0xa8: {  	s4 =	sshll.u32 s28, $0x1;
	[dreg:$0x2] =	wrdreg s2  }
0xa9: {  	[dreg:$0x3] =	wrdreg s4  }
0xaa: {  	[dreg:$0x4] =	wrdreg $0xC0  }
0xab: {  	_ =	task [dreg:s6], $0x5FFFF  }
0xac: {  	[dreg:$0x1] =	wrdreg $0xFFFFFFFF  }
0xad: {  	[dreg:$0x0] =	wrdreg $0x60  }
0xae: {  	[dreg:$0x2] =	wrdreg s24  }
0xaf: {  	[dreg:$0x3] =	wrdreg $0x9  }
0xb0: {  	_ =	task.clear_ibuf [dreg:s6], $0x4FFFF;
	_ =	strace $0x9000004C  }
0xb1: {  	s29 =	simm.s32 $0x9;
	_ =	strace $0x8000004E  }
0xb2: {  	_ =	swait.ge [sflag:s29], $0x1  }
0xb3: {  	[sflag:s29] =	ssyncadd.s32 $0xFFFFFFFF  }
0xb4: {  	_ =	strace $0x9000004E  }
0xb5: {  	_ =	sfence  }
0xb6: {  	s30 =	sld [smem:$0x0];
	_ =	sdelay $0x2  }
0xb7: {  	s31 =	sshll.u32 s1, $0xD;
	s1 =	sshrl.u32 s1, $0x2  }
0xb8: {  	s3 =	sand.u32 $0x4000, s31;
	s1 =	sadd.s32 s1, s30  }
0xb9: {  	s0 =	sor.u32 s3, s0;
	s1 =	sshll.u32 s1, $0x11  }
0xba: {  	s0 =	sor.u32 s1, s0  }
0xbb: {  	s0 =	sadd.s32 $0x8F2B, s0  }
0xbc: {  	[sflag:s0] =	ssyncadd.remote.s32 $0x1  }
0xbd: {  	_ =	sfence.sel $0xFFFF  }
0xbe: {  	[dreg:$0x0] =	wrdreg $0xFFFFFFFF;
	(pc) =	sbr.abs _section_cstart, $3  }
0xbf: {  	[dreg:$0x1] =	wrdreg $0xFFFFFFFF  }
0xc0: {  	_ =	task.clear_ibuf [dreg:s6], $0x2FFFF;
	_ =	strace $0x9FFFFFFF  }
0xc1: {  	(tm) =	ssettm $0x7FFFFFFF  }
tec
execute0_lowered:
.L_overlay_start_1:
0x0: {  	(tag) =	ssettag $0x1  }
0x1: {  	s0 =	srdreg.scid  }
0x2: {  	s5 =	stileid.u32;
	s1 =	rddreg [dreg:$0x0];
	s2 =	simm.s32 $0x0  }
0x3: {  	s15 =	simm.s32 $0x880;
	s16 =	simm.s32 $0x1080;
	s18 =	simm.s32 $0x1880  }
0x4: {  	s19 =	simm.s32 $0x2080;
	s20 =	simm.s32 $0x2880;
	s21 =	simm.s32 $0x3080  }
0x5: {  	s22 =	simm.s32 $0x3880;
	s23 =	simm.s32 $0x4080;
	[smem:$0x7FF] =	sst s2  }
0x6: {  	s24 =	simm.s32 $0x4880;
	_ =	strace $0x8000004D;
	[dreg:$0x3] =	wrdreg s15  }
0x7: {  	s25 =	simm.s32 $0x5080;
	s26 =	simm.s32 $0x5880;
	[dreg:$0x4] =	wrdreg s16  }
0x8: {  	s8 =	simm.s32 $0x80;
	s9 =	simm.s32 $0x6080;
	[dreg:$0x5] =	wrdreg s18  }
0x9: {  	s10 =	simm.s32 $0x6880;
	s11 =	simm.s32 $0x7080;
	[dreg:$0x6] =	wrdreg s19  }
0xa: {  	s12 =	simm.s32 $0x7880;
	s13 =	simm.s32 $0x8080;
	[dreg:$0x7] =	wrdreg s20  }
0xb: {  	s28 =	simm.s32 $0xF080;
	s29 =	simm.s32 $0xF880;
	[dreg:$0x8] =	wrdreg s21  }
0xc: {  	s30 =	simm.s32 $0x1;
	s31 =	simm.s32 $0x0;
	[dreg:$0x9] =	wrdreg s22  }
0xd: {  	s0 =	sand.u32 $0x1, s0;
	s3 =	sshll.u32 s5, $0xC;
	[dreg:$0xa] =	wrdreg s23  }
0xe: {  	s5 =	sshll.u32 s5, $0x12;
	s4 =	sshll.u32 s0, $0xB;
	[dreg:$0xb] =	wrdreg s24  }
0xf: {  	s6 =	sadd.s32 s5, s1;
	s17 =	ssub.s32 $0x2, s0;
	[dreg:$0xc] =	wrdreg s25  }
0x10: {  	s0 =	sshll.u32 s0, $0x11;
	[dreg:$0xd] =	wrdreg s26;
	s15 =	simm.s32 $0x9080  }
0x11: {  	s16 =	simm.s32 $0x9880;
	s18 =	simm.s32 $0xA880;
	s19 =	simm.s32 $0xB080  }
0x12: {  	s20 =	simm.s32 $0xB880;
	s21 =	simm.s32 $0xC080;
	s22 =	simm.s32 $0xC880  }
0x13: {  	s23 =	simm.s32 $0xD080;
	s24 =	simm.s32 $0xD880;
	s25 =	simm.s32 $0xE080  }
0x14: {  	s26 =	simm.s32 $0xE880;
	s3 =	sor.u32 s4, s3;
	s7 =	sshrl.u32 s17, $0x1  }
0x15: {  	s0 =	sadd.s32 s0, s6;
	s3 =	sshrl.u32 s3, $0x3;
	s5 =	ssub.s32 s17, s7  }
0x16: {  	s0 =	sadd.s32 $0x144800, s0;
	s7 =	simm.s32 $0x2;
	s17 =	simm.s32 $0xA080  }
0x17: {  	v2 =	vlaneseq.u32;
	s14 =	sadd.s32 s3, s1;
	s5 =	smax.u32 s5, $0x1;
	[dreg:$0xf] =	wrdreg s0  }
0x18: {  	vm0 =	vmmov $0xffff;
	v1 =	vshrl.u32 v2, $0x3;
	s3 =	sadd.s32 $0x104800, s1;
	s4 =	sadd.s32 $0x84800, s14;
	[dreg:$0xe] =	wrdreg s5  }
0x19: {  	v0 =	vand.u32 $0x7, v2;
	v2 =	vor.u32 $0x8, v2;
	v1 =	vmul.u32 $0x8, v1;
	s14 =	simm.s32 $0x8880;
	[dreg:$0x2] =	wrdreg s4;
	s4 =	sadd.s32 $0x104900, s1  }
.LBB2_1:
0x1a: {  	s6 =	rddreg [dreg:$0xf];
	s0 =	simm.s32 $0x0  }
.LBB2_2:
0x1b: {  	s5 =	rddreg [dreg:$0x2]  }
0x1c: {  	s5 =	sadd.s32 s0, s5  }
0x1d: {  	[tilespmem:s2], [sflag:$0x2] =	stream.linear.gather [hbm4b:s5+s2], $0x80, $0x38;
	[tilespmem:$0x10080] =	vst v63  }
0x1e: {  	_ =	swait.ge [sflag:s7], $0x80  }
0x1f: {  	[sflag:s7] =	ssyncset.done $0x0  }
0x20: {  	[sflag:s7] =	ssyncadd.s32 $0xFFFFFF80  }
0x21: {  	v3 =	vld [tilespmem:$0x0];
	_ =	sdelay $0x4  }
0x22: {  	v4 =	vshll.u32 v3, $0x2  }
0x23: {  	v3 =	vand.u32 $0x7, v3;
	v4 =	vand.u32 $0xFFFFFFE0, v4  }
0x24: {  	v3 =	vor.u32 v3, v4  }
0x25: {  	v4 =	vperm.xlane v3, v0;
	_ =	sdelay $0x1  }
0x26: {  	v4 =	vadd.s32 v1, v4;
	_ =	sdelay $0x1  }
0x27: {  	v3 =	vperm.xlane v3, v2;
	_ =	sdelay $0x1  }
0x28: {  	v3 =	vadd.s32 v1, v3  }
0x29: {  	[tilespmem:s8], [sflag:$0x1] =	stream.indirect_vreg.gather [hbm4b:s3+s2], $0x80, v4, vm0, $0xb8;
	[tilespmem:$0x10080] =	vst v63  }
0x2a: {  	s5 =	rddreg [dreg:$0x3]  }
0x2b: {  	[tilespmem:s5], [sflag:$0x1] =	stream.indirect_vreg.gather [hbm4b:s4+s2], $0x80, v4, vm0, $0xb8;
	[tilespmem:$0x10080] =	vst v63  }
0x2c: {  	s1 =	rddreg [dreg:$0x4]  }
0x2d: {  	[tilespmem:s1], [sflag:$0x1] =	stream.indirect_vreg.gather [hbm4b:s3+s2], $0x80, v3, vm0, $0xb8;
	[tilespmem:$0x10080] =	vst v63  }
0x2e: {  	s5 =	rddreg [dreg:$0x5]  }
0x2f: {  	[tilespmem:s5], [sflag:$0x1] =	stream.indirect_vreg.gather [hbm4b:s4+s2], $0x80, v3, vm0, $0xb8;
	[tilespmem:$0x10080] =	vst v63  }
0x30: {  	v3 =	vld [tilespmem:$0x10];
	_ =	sdelay $0x4  }
0x31: {  	v57 =	vshll.u32 v3, $0x2  }
0x32: {  	v3 =	vand.u32 $0x7, v3;
	v4 =	vand.u32 $0xFFFFFFE0, v57  }
0x33: {  	v3 =	vor.u32 v3, v4  }
0x34: {  	v4 =	vperm.xlane v3, v0;
	_ =	sdelay $0x1  }
0x35: {  	v4 =	vadd.s32 v1, v4;
	_ =	sdelay $0x1  }
0x36: {  	v3 =	vperm.xlane v3, v2;
	_ =	sdelay $0x1  }
0x37: {  	s1 =	rddreg [dreg:$0x6];
	v3 =	vadd.s32 v1, v3  }
0x38: {  	[tilespmem:s1], [sflag:$0x1] =	stream.indirect_vreg.gather [hbm4b:s3+s2], $0x80, v4, vm0, $0xb8;
	[tilespmem:$0x10080] =	vst v63  }
0x39: {  	s5 =	rddreg [dreg:$0x7]  }
0x3a: {  	[tilespmem:s5], [sflag:$0x1] =	stream.indirect_vreg.gather [hbm4b:s4+s2], $0x80, v4, vm0, $0xb8;
	[tilespmem:$0x10080] =	vst v63  }
0x3b: {  	s1 =	rddreg [dreg:$0x8]  }
0x3c: {  	[tilespmem:s1], [sflag:$0x1] =	stream.indirect_vreg.gather [hbm4b:s3+s2], $0x80, v3, vm0, $0xb8;
	[tilespmem:$0x10080] =	vst v63  }
0x3d: {  	s5 =	rddreg [dreg:$0x9]  }
0x3e: {  	[tilespmem:s5], [sflag:$0x1] =	stream.indirect_vreg.gather [hbm4b:s4+s2], $0x80, v3, vm0, $0xb8;
	[tilespmem:$0x10080] =	vst v63  }
0x3f: {  	v3 =	vld [tilespmem:$0x20];
	_ =	sdelay $0x4  }
0x40: {  	v58 =	vshll.u32 v3, $0x2  }
0x41: {  	v3 =	vand.u32 $0x7, v3;
	v4 =	vand.u32 $0xFFFFFFE0, v58  }
0x42: {  	v3 =	vor.u32 v3, v4  }
0x43: {  	v4 =	vperm.xlane v3, v0;
	_ =	sdelay $0x1  }
0x44: {  	v4 =	vadd.s32 v1, v4;
	_ =	sdelay $0x1  }
0x45: {  	v3 =	vperm.xlane v3, v2;
	_ =	sdelay $0x1  }
0x46: {  	s1 =	rddreg [dreg:$0xa];
	v3 =	vadd.s32 v1, v3  }
0x47: {  	[tilespmem:s1], [sflag:$0x1] =	stream.indirect_vreg.gather [hbm4b:s3+s2], $0x80, v4, vm0, $0xb8;
	[tilespmem:$0x10080] =	vst v63  }
0x48: {  	s5 =	rddreg [dreg:$0xb]  }
0x49: {  	[tilespmem:s5], [sflag:$0x1] =	stream.indirect_vreg.gather [hbm4b:s4+s2], $0x80, v4, vm0, $0xb8;
	[tilespmem:$0x10080] =	vst v63  }
0x4a: {  	s1 =	rddreg [dreg:$0xc]  }
0x4b: {  	[tilespmem:s1], [sflag:$0x1] =	stream.indirect_vreg.gather [hbm4b:s3+s2], $0x80, v3, vm0, $0xb8;
	[tilespmem:$0x10080] =	vst v63  }
0x4c: {  	s5 =	rddreg [dreg:$0xd]  }
0x4d: {  	[tilespmem:s5], [sflag:$0x1] =	stream.indirect_vreg.gather [hbm4b:s4+s2], $0x80, v3, vm0, $0xb8;
	[tilespmem:$0x10080] =	vst v63  }
0x4e: {  	v3 =	vld [tilespmem:$0x30];
	_ =	sdelay $0x4  }
0x4f: {  	v59 =	vshll.u32 v3, $0x2  }
0x50: {  	v3 =	vand.u32 $0x7, v3;
	v4 =	vand.u32 $0xFFFFFFE0, v59  }
0x51: {  	v3 =	vor.u32 v3, v4  }
0x52: {  	v4 =	vperm.xlane v3, v0;
	_ =	sdelay $0x1  }
0x53: {  	v4 =	vadd.s32 v1, v4;
	_ =	sdelay $0x1  }
0x54: {  	v3 =	vperm.xlane v3, v2;
	_ =	sdelay $0x1  }
0x55: {  	v3 =	vadd.s32 v1, v3  }
0x56: {  	[tilespmem:s9], [sflag:$0x1] =	stream.indirect_vreg.gather [hbm4b:s3+s2], $0x80, v4, vm0, $0xb8;
	[tilespmem:$0x10080] =	vst v63  }
0x57: {  	_ = 	snop  }
0x58: {  	[tilespmem:s10], [sflag:$0x1] =	stream.indirect_vreg.gather [hbm4b:s4+s2], $0x80, v4, vm0, $0xb8;
	[tilespmem:$0x10080] =	vst v63  }
0x59: {  	_ = 	snop  }
0x5a: {  	[tilespmem:s11], [sflag:$0x1] =	stream.indirect_vreg.gather [hbm4b:s3+s2], $0x80, v3, vm0, $0xb8;
	[tilespmem:$0x10080] =	vst v63  }
0x5b: {  	_ = 	snop  }
0x5c: {  	[tilespmem:s12], [sflag:$0x1] =	stream.indirect_vreg.gather [hbm4b:s4+s2], $0x80, v3, vm0, $0xb8;
	[tilespmem:$0x10080] =	vst v63  }
0x5d: {  	v3 =	vld [tilespmem:$0x40];
	_ =	sdelay $0x4  }
0x5e: {  	v60 =	vshll.u32 v3, $0x2  }
0x5f: {  	v3 =	vand.u32 $0x7, v3;
	v4 =	vand.u32 $0xFFFFFFE0, v60  }
0x60: {  	v3 =	vor.u32 v3, v4  }
0x61: {  	v4 =	vperm.xlane v3, v0;
	_ =	sdelay $0x1  }
0x62: {  	v4 =	vadd.s32 v1, v4;
	_ =	sdelay $0x1  }
0x63: {  	v3 =	vperm.xlane v3, v2;
	_ =	sdelay $0x1  }
0x64: {  	v3 =	vadd.s32 v1, v3  }
0x65: {  	[tilespmem:s13], [sflag:$0x1] =	stream.indirect_vreg.gather [hbm4b:s3+s2], $0x80, v4, vm0, $0xb8;
	[tilespmem:$0x10080] =	vst v63  }
0x66: {  	_ = 	snop  }
0x67: {  	[tilespmem:s14], [sflag:$0x1] =	stream.indirect_vreg.gather [hbm4b:s4+s2], $0x80, v4, vm0, $0xb8;
	[tilespmem:$0x10080] =	vst v63  }
0x68: {  	_ = 	snop  }
0x69: {  	[tilespmem:s15], [sflag:$0x1] =	stream.indirect_vreg.gather [hbm4b:s3+s2], $0x80, v3, vm0, $0xb8;
	[tilespmem:$0x10080] =	vst v63  }
0x6a: {  	_ = 	snop  }
0x6b: {  	[tilespmem:s16], [sflag:$0x1] =	stream.indirect_vreg.gather [hbm4b:s4+s2], $0x80, v3, vm0, $0xb8;
	[tilespmem:$0x10080] =	vst v63  }
0x6c: {  	v3 =	vld [tilespmem:$0x50];
	_ =	sdelay $0x4  }
0x6d: {  	v61 =	vshll.u32 v3, $0x2  }
0x6e: {  	v3 =	vand.u32 $0x7, v3;
	v4 =	vand.u32 $0xFFFFFFE0, v61  }
0x6f: {  	v3 =	vor.u32 v3, v4  }
0x70: {  	v4 =	vperm.xlane v3, v0;
	_ =	sdelay $0x1  }
0x71: {  	v4 =	vadd.s32 v1, v4;
	_ =	sdelay $0x1  }
0x72: {  	v3 =	vperm.xlane v3, v2;
	_ =	sdelay $0x1  }
0x73: {  	v3 =	vadd.s32 v1, v3  }
0x74: {  	[tilespmem:s17], [sflag:$0x1] =	stream.indirect_vreg.gather [hbm4b:s3+s2], $0x80, v4, vm0, $0xb8;
	[tilespmem:$0x10080] =	vst v63  }
0x75: {  	_ = 	snop  }
0x76: {  	[tilespmem:s18], [sflag:$0x1] =	stream.indirect_vreg.gather [hbm4b:s4+s2], $0x80, v4, vm0, $0xb8;
	[tilespmem:$0x10080] =	vst v63  }
0x77: {  	_ = 	snop  }
0x78: {  	[tilespmem:s19], [sflag:$0x1] =	stream.indirect_vreg.gather [hbm4b:s3+s2], $0x80, v3, vm0, $0xb8;
	[tilespmem:$0x10080] =	vst v63  }
0x79: {  	_ = 	snop  }
0x7a: {  	[tilespmem:s20], [sflag:$0x1] =	stream.indirect_vreg.gather [hbm4b:s4+s2], $0x80, v3, vm0, $0xb8;
	[tilespmem:$0x10080] =	vst v63  }
0x7b: {  	v3 =	vld [tilespmem:$0x60];
	_ =	sdelay $0x4  }
0x7c: {  	v62 =	vshll.u32 v3, $0x2  }
0x7d: {  	v3 =	vand.u32 $0x7, v3;
	v4 =	vand.u32 $0xFFFFFFE0, v62  }
0x7e: {  	v3 =	vor.u32 v3, v4  }
0x7f: {  	v4 =	vperm.xlane v3, v0;
	_ =	sdelay $0x1  }
0x80: {  	v4 =	vadd.s32 v1, v4;
	_ =	sdelay $0x1  }
0x81: {  	v3 =	vperm.xlane v3, v2;
	_ =	sdelay $0x1  }
0x82: {  	v3 =	vadd.s32 v1, v3  }
0x83: {  	[tilespmem:s21], [sflag:$0x1] =	stream.indirect_vreg.gather [hbm4b:s3+s2], $0x80, v4, vm0, $0xb8;
	[tilespmem:$0x10080] =	vst v63  }
0x84: {  	_ = 	snop  }
0x85: {  	[tilespmem:s22], [sflag:$0x1] =	stream.indirect_vreg.gather [hbm4b:s4+s2], $0x80, v4, vm0, $0xb8;
	[tilespmem:$0x10080] =	vst v63  }
0x86: {  	_ = 	snop  }
0x87: {  	[tilespmem:s23], [sflag:$0x1] =	stream.indirect_vreg.gather [hbm4b:s3+s2], $0x80, v3, vm0, $0xb8;
	[tilespmem:$0x10080] =	vst v63  }
0x88: {  	_ = 	snop  }
0x89: {  	[tilespmem:s24], [sflag:$0x1] =	stream.indirect_vreg.gather [hbm4b:s4+s2], $0x80, v3, vm0, $0xb8;
	[tilespmem:$0x10080] =	vst v63  }
0x8a: {  	v3 =	vld [tilespmem:$0x70];
	_ =	sdelay $0x4  }
0x8b: {  	v63 =	vshll.u32 v3, $0x2  }
0x8c: {  	v3 =	vand.u32 $0x7, v3;
	v4 =	vand.u32 $0xFFFFFFE0, v63  }
0x8d: {  	v3 =	vor.u32 v3, v4  }
0x8e: {  	v4 =	vperm.xlane v3, v0;
	_ =	sdelay $0x1  }
0x8f: {  	v4 =	vadd.s32 v1, v4;
	_ =	sdelay $0x1  }
0x90: {  	v3 =	vperm.xlane v3, v2;
	_ =	sdelay $0x1  }
0x91: {  	v3 =	vadd.s32 v1, v3  }
0x92: {  	[tilespmem:s25], [sflag:$0x1] =	stream.indirect_vreg.gather [hbm4b:s3+s2], $0x80, v4, vm0, $0xb8;
	[tilespmem:$0x10080] =	vst v63  }
0x93: {  	_ = 	snop  }
0x94: {  	[tilespmem:s26], [sflag:$0x1] =	stream.indirect_vreg.gather [hbm4b:s4+s2], $0x80, v4, vm0, $0xb8;
	[tilespmem:$0x10080] =	vst v63  }
0x95: {  	_ = 	snop  }
0x96: {  	[tilespmem:s28], [sflag:$0x1] =	stream.indirect_vreg.gather [hbm4b:s3+s2], $0x80, v3, vm0, $0xb8;
	[tilespmem:$0x10080] =	vst v63  }
0x97: {  	_ = 	snop  }
0x98: {  	[tilespmem:s29], [sflag:$0x1] =	stream.indirect_vreg.gather [hbm4b:s4+s2], $0x80, v3, vm0, $0xb8;
	[tilespmem:$0x10080] =	vst v63  }
0x99: {  	_ =	swait.ge [sflag:s30], $0x10000  }
0x9a: {  	p0 =	sne.s32 s0, $0xF0;
	[sflag:s30] =	ssyncset.done $0x0  }
.Ltmp0:
0x9b: {  	[sflag:s30] =	ssyncadd.s32 $0xFFFF0000;
	(pc) =	sbr.rel @p0 .LBB2_2-.Ltmp0, $4  }
0x9c: {  	[hbm4b:s6+s2] =	stream.linear.scatter [tilespmem:s8], [sflag:$0x2], $0x10000, $0x38;
	[tilespmem:$0x10080] =	vst v63  }
0x9d: {  	_ =	swait.ge [sflag:s7], $0x10000  }
0x9e: {  	[sflag:s7] =	ssyncset.done $0x0  }
0x9f: {  	s0 =	sadd.s32 $0x10, s0;
	s6 =	sadd.s32 $0x2000, s6;
	[sflag:s7] =	ssyncadd.s32 $0xFFFF0000  }
0xa0: {  	s31 =	sadd.s32 $0x1, s31;
	s0 =	rddreg [dreg:$0xe]  }
0xa1: {  	p0 =	sne.s32 s31, s0  }
.Ltmp1:
0xa2: {  	_ = 	snop;
	(pc) =	sbr.rel @p0 .LBB2_1-.Ltmp1, $1  }
0xa3: {  	_ =	sdelay $0x3  }
0xa4: {  	_ =	sfence.sel $0x180000  }
0xa5: {  	[bflag:$0x0] =	sbarrier.arrive $0xFFFF  }
0xa6: {  	_ =	strace $0x9000004D  }
0xa7: {  	s0 =	stileid.u32;
	[bflag:$0x2] =	sbarrier.arrive $0xFFFF  }
0xa8: {  	p0 =	sne.s32 s0, $0x0;
	s0 =	rddreg [dreg:$0x1]  }
0xa9: {  	s0 =	sadd.s32 @!p0 $0x100000, s0  }
0xaa: {  	[sflag:s0] =	ssyncadd.tile.s32 @!p0 $0x1;
	_ =	shalt  }
.Lfunc_end2:
_tile_overlayer_lowered:
.L_overlay_start_2:
0xab: {  	(tag) =	ssettag $0x2  }
0xac: {  	s0 =	rddreg [dreg:$0x0];
	s2 =	stileid.u32  }
0xad: {  	s1 =	rddreg [dreg:$0x1];
	p0 =	sne.s32 s2, $0x0  }
0xae: {  	s3 =	rddreg [dreg:$0x2];
	[bflag:$0x3] =	sbarrier.arrive $0xFFFF;
	s2 =	simm.s32 @!p0 $0x1C02  }
0xaf: {  	[timem:s3], [sflag:s2] =	dma.local @!p0 [hbm:s0], s1  }
0xb0: {  	s0 =	simm.s32 @!p0 $0x2  }
0xb1: {  	_ =	swait.ge @!p0 [sflag:s0], s1  }
0xb2: {  	s1 =	ssub.s32 @!p0 $0x0, s1;
	[sflag:s0] =	ssyncset.done @!p0 $0x0  }
0xb3: {  	[sflag:s0] =	ssyncadd.s32 @!p0 s1  }
0xb4: {  	[bflag:$0x3] =	sbarrier.arrive $0xFFFF  }
0xb5: {  	_ =	shalt  }

// kernel: kernel.25.cloned.1.call-start
scs
__scs_entry_jumppad:
0x0: {  	(pc) =	sbr.rel $0x88, $3  }
0x1: {  	(tag) =	ssettag $0x0;
	lr =	simm.s32 $0x1  }
0x2: {  	[smem:$0x3F89] =	sst lr;
	_ =	strace $0xD0000000  }
0x3: {  	_ = 	snop  }
0x4: {  	_ = 	snop  }
0x5: {  	_ = 	snop  }
0x6: {  	_ = 	snop  }
0x7: {  	_ = 	snop  }
__scs_overlays_trampoline_lowered:
0x8: {  	[smem:$0x3F98] =	sst s0  }
0x9: {  	[smem:$0x3F99] =	sst s1  }
0xa: {  	[smem:$0x3F9A] =	sst s2  }
0xb: {  	[smem:$0x3F9B] =	sst s3  }
0xc: {  	[smem:$0x3F9C] =	sst s4  }
0xd: {  	[smem:$0x3F9D] =	sst s5  }
0xe: {  	[smem:$0x3F9E] =	sst s6  }
0xf: {  	[smem:$0x3F9F] =	sst s7  }
0x10: {  	[smem:$0x3FA0] =	sst s8  }
0x11: {  	[smem:$0x3FA1] =	sst s9;
	s0 =	simm.s32 @!p0 $0x0  }
0x12: {  	s1 =	sld [smem:$0x3F87];
	s0 =	simm.s32 @p0 $0x1  }
0x13: {  	[smem:$0x3FA2] =	sst s0;
	s0 =	simm.s32 @!p1 $0x0  }
0x14: {  	s2 =	sld [smem:$0x3F86];
	s0 =	simm.s32 @p1 $0x1  }
0x15: {  	[smem:$0x3FA3] =	sst s0;
	s0 =	simm.s32 @!p2 $0x0  }
0x16: {  	s3 =	sld [smem:$0x3FDB];
	s0 =	simm.s32 @p2 $0x1  }
0x17: {  	s4 =	simm.s32 $0x1BF5;
	[smem:$0x3FA5] =	sst s0  }
0x18: {  	s0 =	sld [smem:$0x3F88];
	_ =	swait.ge [sflag:s4], $0x0  }
0x19: {  	s7 =	sld [smem:$0x3F89]  }
0x1a: {  	s8 =	sadd.s32 $0xFFFFE003, lr  }
0x1b: {  	s9 =	sadd.s32 $0xFFFFFEF7, lr;
	s5 =	simm.s32 $0xFFFFFFFF;
	p2 =	slt.u32 s8, $0xFFFFF086  }
0x1c: {  	p1 =	slt.u32 s9, $0xF7A;
	s5 =	simm.s32 @!p2 $0x0  }
0x1d: {  	s5 =	simm.s32 @p1 $0x1;
	p0 =	seq.s32 s7, s2  }
0x1e: {  	s7 =	smul.u32 @!p0 $0xF7A, s2;
	p2 =	seq.s32 @!p0 s5, $0x0  }
0x1f: {  	s9 =	smul.u32 $0xF7A, s1;
	s8 =	simm.s32 @!p0 $0x1BF5;
	p2 =	por !p2, p0  }
0x20: {  	[sflag:s8] =	ssyncset.s32 @!p0 $0xFFFFF086;
	s6 =	sadd.s32 @!p0 s3, s7;
	s7 =	simm.s32 @!p0 $0x108  }
0x21: {  	s3 =	sadd.s32 s3, s9;
	s6 =	sadd.s32 @!p0 $0x88, s6;
	s7 =	simm.s32 @p2 $0x1082  }
0x22: {  	[simem:s7], [sflag:s8] =	dma.local @!p0 [hbm:s6], $0xF7A  }
0x23: {  	s9 =	sor.u32 $0xD0000000, s2;
	s6 =	simm.s32 $0x108;
	_ =	swait.ge @!p0 [sflag:s8], $0x0  }
0x24: {  	s3 =	sadd.s32 $0x88, s3;
	s6 =	simm.s32 @!p1 $0x1082;
	[sflag:s4] =	ssyncset.s32 $0xFFFFF086  }
0x25: {  	[simem:s6], [sflag:s4] =	dma.local [hbm:s3], $0xF7A  }
0x26: {  	[smem:$0x3F89] =	sst s1;
	(tag) =	ssettag s2;
	_ =	strace s9  }
0x27: {  	s1 =	sld [smem:$0x3F99]  }
0x28: {  	s2 =	sld [smem:$0x3F9A]  }
0x29: {  	s4 =	sld [smem:$0x3F9C]  }
0x2a: {  	p0 =	seq.s32 s5, $0x0;
	s5 =	sld [smem:$0x3F9D]  }
0x2b: {  	s6 =	sld [smem:$0x3F9E]  }
0x2c: {  	s7 =	sld [smem:$0x3F9F]  }
0x2d: {  	s3 =	simm.s32 $0x108;
	s8 =	sld [smem:$0x3FA0]  }
0x2e: {  	s3 =	simm.s32 @!p0 $0x1082;
	s9 =	sld [smem:$0x3FA1]  }
0x2f: {  	lr =	sadd.s32 s0, s3;
	s0 =	sld [smem:$0x3F98]  }
0x30: {  	s3 =	sld [smem:$0x3F9B]  }
0x31: {  	[smem:$0x3FA4] =	sst s10  }
0x32: {  	s10 =	sld [smem:$0x3FA2];
	_ =	sdelay $0x3  }
0x33: {  	p0 =	seq.s32 s10, $0x1;
	s10 =	sld [smem:$0x3FA4];
	_ =	sdelay $0x3  }
0x34: {  	[smem:$0x3FA4] =	sst s10  }
0x35: {  	s10 =	sld [smem:$0x3FA3];
	_ =	sdelay $0x3  }
0x36: {  	p1 =	seq.s32 s10, $0x1;
	s10 =	sld [smem:$0x3FA4];
	_ =	sdelay $0x3  }
0x37: {  	[smem:$0x3FA4] =	sst s10  }
0x38: {  	s10 =	sld [smem:$0x3FA5]  }
0x39: {  	_ = 	snop;
	(pc) =	sbr.ind lr, $3  }
0x3a: {  	_ = 	snop  }
0x3b: {  	_ = 	snop  }
0x3c: {  	p2 =	seq.s32 s10, $0x1;
	s10 =	sld [smem:$0x3FA4]  }
0x3d: {  	_ =	shalt  }
0x3e: {  	_ =	shalt  }
0x3f: {  	_ =	shalt  }
0x40: {  	_ =	shalt  }
0x41: {  	_ =	shalt  }
0x42: {  	_ =	shalt  }
0x43: {  	_ =	shalt  }
0x44: {  	_ =	shalt  }
0x45: {  	_ =	shalt  }
0x46: {  	_ =	shalt  }
0x47: {  	_ =	shalt  }
0x48: {  	_ =	shalt  }
0x49: {  	_ =	shalt  }
0x4a: {  	_ =	shalt  }
0x4b: {  	_ =	shalt  }
0x4c: {  	_ =	shalt  }
0x4d: {  	_ =	shalt  }
0x4e: {  	_ =	shalt  }
0x4f: {  	_ =	shalt  }
0x50: {  	_ =	shalt  }
0x51: {  	_ =	shalt  }
0x52: {  	_ =	shalt  }
0x53: {  	_ =	shalt  }
0x54: {  	_ =	shalt  }
0x55: {  	_ =	shalt  }
0x56: {  	_ =	shalt  }
0x57: {  	_ =	shalt  }
0x58: {  	_ =	shalt  }
0x59: {  	_ =	shalt  }
0x5a: {  	_ =	shalt  }
0x5b: {  	_ =	shalt  }
0x5c: {  	_ =	shalt  }
0x5d: {  	_ =	shalt  }
0x5e: {  	_ =	shalt  }
0x5f: {  	_ =	shalt  }
0x60: {  	_ =	shalt  }
0x61: {  	_ =	shalt  }
0x62: {  	_ =	shalt  }
0x63: {  	_ =	shalt  }
0x64: {  	_ =	shalt  }
0x65: {  	_ =	shalt  }
0x66: {  	_ =	shalt  }
0x67: {  	_ =	shalt  }
0x68: {  	_ =	shalt  }
0x69: {  	_ =	shalt  }
0x6a: {  	_ =	shalt  }
0x6b: {  	_ =	shalt  }
0x6c: {  	_ =	shalt  }
0x6d: {  	_ =	shalt  }
0x6e: {  	_ =	shalt  }
0x6f: {  	_ =	shalt  }
0x70: {  	_ =	shalt  }
0x71: {  	_ =	shalt  }
0x72: {  	_ =	shalt  }
0x73: {  	_ =	shalt  }
0x74: {  	_ =	shalt  }
0x75: {  	_ =	shalt  }
0x76: {  	_ =	shalt  }
0x77: {  	_ =	shalt  }
0x78: {  	_ =	shalt  }
0x79: {  	_ =	shalt  }
0x7a: {  	_ =	shalt  }
0x7b: {  	_ =	shalt  }
0x7c: {  	_ =	shalt  }
0x7d: {  	_ =	shalt  }
0x7e: {  	_ =	shalt  }
0x7f: {  	_ =	shalt  }
0x80: {  	_ =	shalt  }
0x81: {  	_ =	shalt  }
0x82: {  	_ =	shalt  }
0x83: {  	_ =	shalt  }
0x84: {  	_ =	shalt  }
0x85: {  	_ =	shalt  }
0x86: {  	_ =	shalt  }
0x87: {  	_ =	shalt  }
.Lfunc_end0:
.L_simem_size_0:
called_computation.3_lowered:
.L_overlay_start_0:
0x88: {  	s2 =	sld [smem:$0x3FD9]  }
0x89: {  	s3 =	sld [smem:$0x3FFE];
	_ =	sdelay $0x1  }
0x8a: {  	s1 =	srdreg.scid  }
0x8b: {  	s0 =	sand.u32 $0x1, s1  }
0x8c: {  	s16 =	sshll.u32 s0, $0xA;
	s2 =	sadd.s32 s3, s2  }
0x8d: {  	s2 =	sadd.s32 s2, s16  }
0x8e: {  	[smem:$0x3FB0] =	sst s2  }
0x8f: {  	_ = 	snop  }
0x90: {  	(tm) =	ssettm $0x1  }
0x91: {  	s17 =	sld [smem:$0x3FFB];
	_ =	sdelay $0x3  }
0x92: {  	_ =	strace s17  }
0x93: {  	s2 =	sld [smem:$0x3FFC];
	_ =	sdelay $0x3  }
0x94: {  	_ =	strace s2  }
0x95: {  	s2 =	sld [smem:$0x3FFD];
	_ =	sdelay $0x3  }
0x96: {  	_ =	strace s2  }
0x97: {  	_ =	strace $0x8FFFFFFF  }
0x98: {  	s18 =	sld [smem:$0x3FDB];
	_ =	sdelay $0x1  }
0x99: {  	s19 =	simm.s32 $_scs_section_size  }
0x9a: {  	s4 =	simm.s32 $_size__tile_overlayer_lowered;
	s5 =	simm.s32 $_tile_overlayer_lowered  }
0x9b: {  	s22 =	simm.s32 $0x1BFF;
	s21 =	sshll.u32 s5, $0x1;
	s2 =	sadd.s32 s19, s18  }
0x9c: {  	s6 =	simm.s32 $0x0;
	s20 =	sshll.u32 s4, $0x1;
	s4 =	sadd.s32 s21, s2  }
0x9d: {  	[timem:s6], [sflag:s22] =	dma.local [hbm:s4], s20  }
0x9e: {  	_ =	swait.ge [sflag:s22], s20  }
0x9f: {  	s3 =	ssub.s32 $0x0, s20;
	[sflag:s22] =	ssyncset.done $0x0  }
0xa0: {  	[sflag:s22] =	ssyncadd.s32 s3;
	_ =	sdelay $0x1  }
0xa1: {  	s23 =	simm.s32 $0x1B8B  }
0xa2: {  	_ =	swait.ge [sflag:s23], $0x1  }
0xa3: {  	[sflag:s23] =	ssyncset.done $0x0  }
0xa4: {  	s25 =	simm.s32 $0x1B8E;
	s24 =	sld [smem:$0x3FFE];
	[sflag:s23] =	ssyncadd.s32 $0xFFFFFFFF  }
0xa5: {  	s26 =	simm.s32 $execute0_lowered;
	[smem:$0x3FD2] =	sst s25  }
0xa6: {  	s4 =	sshll.u32 s26, $0x1;
	_ =	strace $0x8000004F;
	[dreg:$0x1] =	wrdreg $0xFFFFFFFF  }
0xa7: {  	s28 =	simm.s32 $_size_execute0_lowered;
	s2 =	sadd.s32 s2, s4;
	[dreg:$0x0] =	wrdreg $0x0  }
0xa8: {  	s4 =	sshll.u32 s28, $0x1;
	[dreg:$0x2] =	wrdreg s2  }
0xa9: {  	[dreg:$0x3] =	wrdreg s4  }
0xaa: {  	[dreg:$0x4] =	wrdreg $0xC0  }
0xab: {  	_ =	task [dreg:s6], $0x5FFFF  }
0xac: {  	[dreg:$0x1] =	wrdreg $0xFFFFFFFF  }
0xad: {  	[dreg:$0x0] =	wrdreg $0x60  }
0xae: {  	[dreg:$0x2] =	wrdreg s24  }
0xaf: {  	[dreg:$0x3] =	wrdreg $0x9  }
0xb0: {  	_ =	task.clear_ibuf [dreg:s6], $0x4FFFF;
	_ =	strace $0x9000004F  }
0xb1: {  	s29 =	simm.s32 $0x9;
	_ =	strace $0x80000051  }
0xb2: {  	_ =	swait.ge [sflag:s29], $0x1  }
0xb3: {  	[sflag:s29] =	ssyncadd.s32 $0xFFFFFFFF  }
0xb4: {  	_ =	strace $0x90000051  }
0xb5: {  	_ =	sfence  }
0xb6: {  	s30 =	sld [smem:$0x0];
	_ =	sdelay $0x2  }
0xb7: {  	s31 =	sshll.u32 s1, $0xD;
	s1 =	sshrl.u32 s1, $0x2  }
0xb8: {  	s3 =	sand.u32 $0x4000, s31;
	s1 =	sadd.s32 s1, s30  }
0xb9: {  	s0 =	sor.u32 s3, s0;
	s1 =	sshll.u32 s1, $0x11  }
0xba: {  	s0 =	sor.u32 s1, s0  }
0xbb: {  	s0 =	sadd.s32 $0x8F2B, s0  }
0xbc: {  	[sflag:s0] =	ssyncadd.remote.s32 $0x1  }
0xbd: {  	_ =	sfence.sel $0xFFFF  }
0xbe: {  	[dreg:$0x0] =	wrdreg $0xFFFFFFFF;
	(pc) =	sbr.abs _section_cstart, $3  }
0xbf: {  	[dreg:$0x1] =	wrdreg $0xFFFFFFFF  }
0xc0: {  	_ =	task.clear_ibuf [dreg:s6], $0x2FFFF;
	_ =	strace $0x9FFFFFFF  }
0xc1: {  	(tm) =	ssettm $0x7FFFFFFF  }
tec
execute0_lowered:
.L_overlay_start_1:
0x0: {  	(tag) =	ssettag $0x1  }
0x1: {  	s4 =	rddreg [dreg:$0x0]  }
0x2: {  	s0 =	rddreg [dreg:$0x1];
	s2 =	simm.s32 $0x0;
	s3 =	srdreg.scid  }
0x3: {  	s1 =	stileid.u32;
	s10 =	simm.s32 $0x1080;
	s11 =	simm.s32 $0x1880  }
0x4: {  	s12 =	simm.s32 $0x2080;
	s13 =	simm.s32 $0x2880;
	s14 =	simm.s32 $0x3080  }
0x5: {  	s15 =	simm.s32 $0x3880;
	s16 =	simm.s32 $0x4080;
	s17 =	simm.s32 $0x4880  }
0x6: {  	s18 =	simm.s32 $0x5080;
	s19 =	simm.s32 $0x5880;
	s20 =	simm.s32 $0x6080  }
0x7: {  	s21 =	simm.s32 $0x6880;
	s22 =	simm.s32 $0x7080;
	s23 =	simm.s32 $0x7880  }
0x8: {  	s24 =	simm.s32 $0x1;
	s25 =	simm.s32 $0x0;
	[smem:$0x7FF] =	sst s2  }
0x9: {  	s5 =	sand.u32 $0x1, s3;
	s6 =	sshll.u32 s1, $0xC;
	s3 =	sadd.s32 $0x4800, s4  }
0xa: {  	s8 =	sshll.u32 s1, $0x11;
	_ =	strace $0x80000050;
	s7 =	sshll.u32 s5, $0xB  }
0xb: {  	s31 =	ssub.s32 $0x2, s5;
	s8 =	sadd.s32 s8, s4;
	s5 =	sshll.u32 s5, $0x10  }
0xc: {  	s6 =	sor.u32 s7, s6;
	s9 =	sshrl.u32 s31, $0x1;
	s5 =	sadd.s32 s5, s8  }
0xd: {  	v2 =	vlaneseq.u32;
	s8 =	simm.s32 $0x80;
	s6 =	sshrl.u32 s6, $0x3;
	s7 =	ssub.s32 s31, s9  }
0xe: {  	vm0 =	vmmov $0xffff;
	v1 =	vshrl.u32 v2, $0x3;
	s5 =	sadd.s32 $0x26800, s5;
	s9 =	simm.s32 $0x880;
	s6 =	sadd.s32 s6, s4  }
0xf: {  	v0 =	vand.u32 $0x7, v2;
	v2 =	vor.u32 $0x8, v2;
	v1 =	vmul.u32 $0x8, v1;
	s4 =	smax.u32 s7, $0x1;
	s7 =	simm.s32 $0x2;
	s6 =	sadd.s32 $0x24800, s6  }
.LBB2_1:
0x10: {  	s26 =	smov.u32 s5;
	s28 =	simm.s32 $0x0  }
.LBB2_2:
0x11: {  	s29 =	sadd.s32 s28, s6  }
0x12: {  	[tilespmem:s2], [sflag:$0x2] =	stream.linear.gather [hbm4b:s29+s2], $0x80, $0x38;
	[tilespmem:$0x8080] =	vst v63  }
0x13: {  	_ =	swait.ge [sflag:s7], $0x80  }
0x14: {  	[sflag:s7] =	ssyncset.done $0x0  }
0x15: {  	[sflag:s7] =	ssyncadd.s32 $0xFFFFFF80  }
0x16: {  	v3 =	vld [tilespmem:$0x0];
	_ =	sdelay $0x4  }
0x17: {  	v4 =	vshll.u32 v3, $0x1  }
0x18: {  	v3 =	vand.u32 $0x7, v3;
	v4 =	vand.u32 $0xFFFFFFF0, v4  }
0x19: {  	v3 =	vor.u32 v3, v4  }
0x1a: {  	v4 =	vperm.xlane v3, v0;
	_ =	sdelay $0x1  }
0x1b: {  	v3 =	vperm.xlane v3, v2;
	v4 =	vadd.s32 v1, v4;
	_ =	sdelay $0x1  }
0x1c: {  	v3 =	vadd.s32 v1, v3;
	_ =	sdelay $0x2  }
0x1d: {  	[tilespmem:s8], [sflag:$0x1] =	stream.indirect_vreg.gather [hbm4b:s3+s2], $0x80, v4, vm0, $0xb8;
	[tilespmem:$0x8080] =	vst v63  }
0x1e: {  	_ = 	snop  }
0x1f: {  	[tilespmem:s9], [sflag:$0x1] =	stream.indirect_vreg.gather [hbm4b:s3+s2], $0x80, v3, vm0, $0xb8;
	[tilespmem:$0x8080] =	vst v63  }
0x20: {  	v3 =	vld [tilespmem:$0x10];
	_ =	sdelay $0x4  }
0x21: {  	v57 =	vshll.u32 v3, $0x1  }
0x22: {  	v3 =	vand.u32 $0x7, v3;
	v4 =	vand.u32 $0xFFFFFFF0, v57  }
0x23: {  	v3 =	vor.u32 v3, v4  }
0x24: {  	v4 =	vperm.xlane v3, v0;
	_ =	sdelay $0x1  }
0x25: {  	v3 =	vperm.xlane v3, v2;
	v4 =	vadd.s32 v1, v4;
	_ =	sdelay $0x1  }
0x26: {  	v3 =	vadd.s32 v1, v3;
	_ =	sdelay $0x2  }
0x27: {  	[tilespmem:s10], [sflag:$0x1] =	stream.indirect_vreg.gather [hbm4b:s3+s2], $0x80, v4, vm0, $0xb8;
	[tilespmem:$0x8080] =	vst v63  }
0x28: {  	_ = 	snop  }
0x29: {  	[tilespmem:s11], [sflag:$0x1] =	stream.indirect_vreg.gather [hbm4b:s3+s2], $0x80, v3, vm0, $0xb8;
	[tilespmem:$0x8080] =	vst v63  }
0x2a: {  	v3 =	vld [tilespmem:$0x20];
	_ =	sdelay $0x4  }
0x2b: {  	v58 =	vshll.u32 v3, $0x1  }
0x2c: {  	v3 =	vand.u32 $0x7, v3;
	v4 =	vand.u32 $0xFFFFFFF0, v58  }
0x2d: {  	v3 =	vor.u32 v3, v4  }
0x2e: {  	v4 =	vperm.xlane v3, v0;
	_ =	sdelay $0x1  }
0x2f: {  	v3 =	vperm.xlane v3, v2;
	v4 =	vadd.s32 v1, v4;
	_ =	sdelay $0x1  }
0x30: {  	v3 =	vadd.s32 v1, v3;
	_ =	sdelay $0x2  }
0x31: {  	[tilespmem:s12], [sflag:$0x1] =	stream.indirect_vreg.gather [hbm4b:s3+s2], $0x80, v4, vm0, $0xb8;
	[tilespmem:$0x8080] =	vst v63  }
0x32: {  	_ = 	snop  }
0x33: {  	[tilespmem:s13], [sflag:$0x1] =	stream.indirect_vreg.gather [hbm4b:s3+s2], $0x80, v3, vm0, $0xb8;
	[tilespmem:$0x8080] =	vst v63  }
0x34: {  	v3 =	vld [tilespmem:$0x30];
	_ =	sdelay $0x4  }
0x35: {  	v59 =	vshll.u32 v3, $0x1  }
0x36: {  	v3 =	vand.u32 $0x7, v3;
	v4 =	vand.u32 $0xFFFFFFF0, v59  }
0x37: {  	v3 =	vor.u32 v3, v4  }
0x38: {  	v4 =	vperm.xlane v3, v0;
	_ =	sdelay $0x1  }
0x39: {  	v3 =	vperm.xlane v3, v2;
	v4 =	vadd.s32 v1, v4;
	_ =	sdelay $0x1  }
0x3a: {  	v3 =	vadd.s32 v1, v3;
	_ =	sdelay $0x2  }
0x3b: {  	[tilespmem:s14], [sflag:$0x1] =	stream.indirect_vreg.gather [hbm4b:s3+s2], $0x80, v4, vm0, $0xb8;
	[tilespmem:$0x8080] =	vst v63  }
0x3c: {  	_ = 	snop  }
0x3d: {  	[tilespmem:s15], [sflag:$0x1] =	stream.indirect_vreg.gather [hbm4b:s3+s2], $0x80, v3, vm0, $0xb8;
	[tilespmem:$0x8080] =	vst v63  }
0x3e: {  	v3 =	vld [tilespmem:$0x40];
	_ =	sdelay $0x4  }
0x3f: {  	v60 =	vshll.u32 v3, $0x1  }
0x40: {  	v3 =	vand.u32 $0x7, v3;
	v4 =	vand.u32 $0xFFFFFFF0, v60  }
0x41: {  	v3 =	vor.u32 v3, v4  }
0x42: {  	v4 =	vperm.xlane v3, v0;
	_ =	sdelay $0x1  }
0x43: {  	v3 =	vperm.xlane v3, v2;
	v4 =	vadd.s32 v1, v4;
	_ =	sdelay $0x1  }
0x44: {  	v3 =	vadd.s32 v1, v3;
	_ =	sdelay $0x2  }
0x45: {  	[tilespmem:s16], [sflag:$0x1] =	stream.indirect_vreg.gather [hbm4b:s3+s2], $0x80, v4, vm0, $0xb8;
	[tilespmem:$0x8080] =	vst v63  }
0x46: {  	_ = 	snop  }
0x47: {  	[tilespmem:s17], [sflag:$0x1] =	stream.indirect_vreg.gather [hbm4b:s3+s2], $0x80, v3, vm0, $0xb8;
	[tilespmem:$0x8080] =	vst v63  }
0x48: {  	v3 =	vld [tilespmem:$0x50];
	_ =	sdelay $0x4  }
0x49: {  	v61 =	vshll.u32 v3, $0x1  }
0x4a: {  	v3 =	vand.u32 $0x7, v3;
	v4 =	vand.u32 $0xFFFFFFF0, v61  }
0x4b: {  	v3 =	vor.u32 v3, v4  }
0x4c: {  	v4 =	vperm.xlane v3, v0;
	_ =	sdelay $0x1  }
0x4d: {  	v3 =	vperm.xlane v3, v2;
	v4 =	vadd.s32 v1, v4;
	_ =	sdelay $0x1  }
0x4e: {  	v3 =	vadd.s32 v1, v3;
	_ =	sdelay $0x2  }
0x4f: {  	[tilespmem:s18], [sflag:$0x1] =	stream.indirect_vreg.gather [hbm4b:s3+s2], $0x80, v4, vm0, $0xb8;
	[tilespmem:$0x8080] =	vst v63  }
0x50: {  	_ = 	snop  }
0x51: {  	[tilespmem:s19], [sflag:$0x1] =	stream.indirect_vreg.gather [hbm4b:s3+s2], $0x80, v3, vm0, $0xb8;
	[tilespmem:$0x8080] =	vst v63  }
0x52: {  	v3 =	vld [tilespmem:$0x60];
	_ =	sdelay $0x4  }
0x53: {  	v62 =	vshll.u32 v3, $0x1  }
0x54: {  	v3 =	vand.u32 $0x7, v3;
	v4 =	vand.u32 $0xFFFFFFF0, v62  }
0x55: {  	v3 =	vor.u32 v3, v4  }
0x56: {  	v4 =	vperm.xlane v3, v0;
	_ =	sdelay $0x1  }
0x57: {  	v3 =	vperm.xlane v3, v2;
	v4 =	vadd.s32 v1, v4;
	_ =	sdelay $0x1  }
0x58: {  	v3 =	vadd.s32 v1, v3;
	_ =	sdelay $0x2  }
0x59: {  	[tilespmem:s20], [sflag:$0x1] =	stream.indirect_vreg.gather [hbm4b:s3+s2], $0x80, v4, vm0, $0xb8;
	[tilespmem:$0x8080] =	vst v63  }
0x5a: {  	_ = 	snop  }
0x5b: {  	[tilespmem:s21], [sflag:$0x1] =	stream.indirect_vreg.gather [hbm4b:s3+s2], $0x80, v3, vm0, $0xb8;
	[tilespmem:$0x8080] =	vst v63  }
0x5c: {  	v3 =	vld [tilespmem:$0x70];
	_ =	sdelay $0x4  }
0x5d: {  	v63 =	vshll.u32 v3, $0x1  }
0x5e: {  	v3 =	vand.u32 $0x7, v3;
	v4 =	vand.u32 $0xFFFFFFF0, v63  }
0x5f: {  	v3 =	vor.u32 v3, v4  }
0x60: {  	v4 =	vperm.xlane v3, v0;
	_ =	sdelay $0x1  }
0x61: {  	v3 =	vperm.xlane v3, v2;
	v4 =	vadd.s32 v1, v4;
	_ =	sdelay $0x1  }
0x62: {  	v3 =	vadd.s32 v1, v3;
	_ =	sdelay $0x2  }
0x63: {  	[tilespmem:s22], [sflag:$0x1] =	stream.indirect_vreg.gather [hbm4b:s3+s2], $0x80, v4, vm0, $0xb8;
	[tilespmem:$0x8080] =	vst v63  }
0x64: {  	_ = 	snop  }
0x65: {  	[tilespmem:s23], [sflag:$0x1] =	stream.indirect_vreg.gather [hbm4b:s3+s2], $0x80, v3, vm0, $0xb8;
	[tilespmem:$0x8080] =	vst v63  }
0x66: {  	_ =	swait.ge [sflag:s24], $0x8000  }
0x67: {  	p0 =	sne.s32 s28, $0xF0;
	[sflag:s24] =	ssyncset.done $0x0  }
.Ltmp0:
0x68: {  	[sflag:s24] =	ssyncadd.s32 $0xFFFF8000;
	(pc) =	sbr.rel @p0 .LBB2_2-.Ltmp0, $4  }
0x69: {  	[hbm4b:s26+s2] =	stream.linear.scatter [tilespmem:s8], [sflag:$0x2], $0x8000, $0x38;
	[tilespmem:$0x8080] =	vst v63  }
0x6a: {  	_ =	swait.ge [sflag:s7], $0x8000  }
0x6b: {  	[sflag:s7] =	ssyncset.done $0x0  }
0x6c: {  	s28 =	sadd.s32 $0x10, s28;
	s26 =	sadd.s32 $0x1000, s26;
	[sflag:s7] =	ssyncadd.s32 $0xFFFF8000  }
0x6d: {  	s25 =	sadd.s32 $0x1, s25  }
0x6e: {  	p0 =	sne.s32 s25, s4  }
.Ltmp1:
0x6f: {  	_ = 	snop;
	(pc) =	sbr.rel @p0 .LBB2_1-.Ltmp1, $1  }
0x70: {  	_ =	sdelay $0x3  }
0x71: {  	_ =	sfence.sel $0x180000  }
0x72: {  	[bflag:$0x0] =	sbarrier.arrive $0xFFFF  }
0x73: {  	p0 =	sne.s32 s1, $0x0;
	_ =	strace $0x90000050  }
0x74: {  	s0 =	sadd.s32 @!p0 $0x100000, s0;
	[bflag:$0x2] =	sbarrier.arrive $0xFFFF  }
0x75: {  	[sflag:s0] =	ssyncadd.tile.s32 @!p0 $0x1;
	_ =	shalt  }
.Lfunc_end2:
_tile_overlayer_lowered:
.L_overlay_start_2:
0x76: {  	(tag) =	ssettag $0x2  }
0x77: {  	s0 =	rddreg [dreg:$0x0];
	s2 =	stileid.u32  }
0x78: {  	s1 =	rddreg [dreg:$0x1];
	p0 =	sne.s32 s2, $0x0  }
0x79: {  	s3 =	rddreg [dreg:$0x2];
	[bflag:$0x3] =	sbarrier.arrive $0xFFFF;
	s2 =	simm.s32 @!p0 $0x1C02  }
0x7a: {  	[timem:s3], [sflag:s2] =	dma.local @!p0 [hbm:s0], s1  }
0x7b: {  	s0 =	simm.s32 @!p0 $0x2  }
0x7c: {  	_ =	swait.ge @!p0 [sflag:s0], s1  }
0x7d: {  	s1 =	ssub.s32 @!p0 $0x0, s1;
	[sflag:s0] =	ssyncset.done @!p0 $0x0  }
0x7e: {  	[sflag:s0] =	ssyncadd.s32 @!p0 s1  }
0x7f: {  	[bflag:$0x3] =	sbarrier.arrive $0xFFFF  }
0x80: {  	_ =	shalt  }

</sc_bundles>
